<compile_context>
chip_gen: v7x
topology: tpu7x:2x2x1
jax: 0.10.2.dev20260603
libtpu: 0.0.44.dev20260713+nightly
codegen_flags: <defaults>
</compile_context>

<pallas_src>
import functools

import jax
import jax.numpy as jnp
from jax import lax
from jax.experimental import pallas as pl
from jax.experimental.pallas import tpu as pltpu
from jax.experimental.pallas import tpu_sc as plsc

L = 16
NC = 2
NS = 16
NW = NC * NS
CHUNK = 128
KUNROLL = 8


def _sc_fm(T, n_intrs, vec_size, n_segs):
    tpw = T // NW
    nchunk = tpw // CHUNK
    nhblk = (CHUNK // 2) // L

    mesh = plsc.VectorSubcoreMesh(
        core_axis_name="c", subcore_axis_name="s",
        num_cores=NC, num_subcores=NS)
    f32, i32 = jnp.float32, jnp.int32

    @functools.partial(
        pl.kernel,
        out_type=jax.ShapeDtypeStruct((NC, n_segs), f32),
        mesh=mesh,
        compiler_params=pltpu.CompilerParams(needs_layout_passes=False),
        scratch_types=dict(
            ia0=pltpu.VMEM((CHUNK,), i32),
            ia1=pltpu.VMEM((CHUNK,), i32),
            ia2=pltpu.VMEM((CHUNK,), i32),
            ib0=pltpu.VMEM((CHUNK,), i32),
            ib1=pltpu.VMEM((CHUNK,), i32),
            ib2=pltpu.VMEM((CHUNK,), i32),
            iv_v=pltpu.VMEM((tpw,), i32),
            dv_v=pltpu.VMEM((tpw,), f32),
            sg_v=pltpu.VMEM((tpw,), i32),
            wv_v=pltpu.VMEM((n_intrs,), f32),
            b_v=pltpu.VMEM((L,), f32),
            bufa0=pltpu.VMEM((CHUNK, vec_size), f32),
            bufa1=pltpu.VMEM((CHUNK, vec_size), f32),
            bufa2=pltpu.VMEM((CHUNK, vec_size), f32),
            bufb0=pltpu.VMEM((CHUNK, vec_size), f32),
            bufb1=pltpu.VMEM((CHUNK, vec_size), f32),
            bufb2=pltpu.VMEM((CHUNK, vec_size), f32),
            d_v=pltpu.VMEM((tpw,), f32),
            accm_v=pltpu.VMEM((n_segs * L,), f32),
            res_v=pltpu.VMEM((L,), f32),
            merge_v=pltpu.VMEM((NS, L), f32),
            res2_v=pltpu.VMEM((L,), f32),
            shared=pltpu.VMEM_SHARED((NS, L), f32),
            sem0=pltpu.SemaphoreType.DMA,
            sem1=pltpu.SemaphoreType.DMA,
            sem2=pltpu.SemaphoreType.DMA,
            sem3=pltpu.SemaphoreType.DMA,
        ),
    )
    def body(fa_h, fb_h, iv_h, dv_h, sg_h, vecs_h, wv_h, b_h, out_h,
             ia0, ia1, ia2, ib0, ib1, ib2, iv_v, dv_v, sg_v, wv_v, b_v,
             bufa0, bufa1, bufa2, bufb0, bufb1, bufb2, d_v, accm_v, res_v,
             merge_v, res2_v, shared, sem0, sem1, sem2, sem3):
        cid = lax.axis_index("c")
        sid = lax.axis_index("s")
        wid = cid * NS + sid
        base = wid * tpw

        bufs_a = (bufa0, bufa1, bufa2)
        bufs_b = (bufb0, bufb1, bufb2)
        ias = (ia0, ia1, ia2)
        ibs = (ib0, ib1, ib2)
        sems = (sem0, sem1, sem2)
        iota = lax.iota(i32, L)

        def issue(c):
            slot = c % 3
            off = base + c * CHUNK
            pltpu.sync_copy(fa_h.at[pl.ds(off, CHUNK)], ias[slot])
            pltpu.sync_copy(fb_h.at[pl.ds(off, CHUNK)], ibs[slot])
            da = pltpu.async_copy(vecs_h.at[ias[slot]], bufs_a[slot], sems[slot])
            db = pltpu.async_copy(vecs_h.at[ibs[slot]], bufs_b[slot], sems[slot])
            return (da, db)

        def compute(c, bufa, bufb):
            def blk_body(b, _):
                rows = b * L + iota

                def k_body(i, accs):
                    a0, a1 = accs
                    for u in range(KUNROLL):
                        kk = i * KUNROLL + u
                        col = (iota + kk) & (vec_size - 1)
                        va = plsc.load_gather(bufa, [rows, col])
                        vb = plsc.load_gather(bufb, [rows, col])
                        p = va * vb
                        if u % 2 == 0:
                            a0 = a0 + p
                        else:
                            a1 = a1 + p
                    return a0, a1

                z = jnp.zeros((L,), f32)
                a0, a1 = lax.fori_loop(0, vec_size // KUNROLL, k_body, (z, z))
                d_v[pl.ds(c * CHUNK + b * L, L)] = a0 + a1
                return 0

            lax.fori_loop(0, 2 * nhblk, blk_body, 0)

        descs = {0: issue(0), 1: issue(1)}
        st = [
            pltpu.async_copy(iv_h.at[pl.ds(base, tpw)], iv_v, sem3),
            pltpu.async_copy(dv_h.at[pl.ds(base, tpw)], dv_v, sem3),
            pltpu.async_copy(sg_h.at[pl.ds(base, tpw)], sg_v, sem3),
            pltpu.async_copy(wv_h, wv_v, sem3),
            pltpu.async_copy(b_h, b_v, sem3),
        ]
        for c in range(nchunk):
            if c + 2 < nchunk:
                descs[c + 2] = issue(c + 2)
            for d_ in descs.pop(c):
                d_.wait()
            compute(c, bufs_a[c % 3], bufs_b[c % 3])

        for d_ in st:
            d_.wait()
        plsc.subcore_barrier()
        bvec = b_v[...]

        def seg_body(i, accs):
            t0 = i * L
            ivec = iv_v[pl.ds(t0, L)]
            w = plsc.load_gather(wv_v, [ivec])
            dv = dv_v[pl.ds(t0, L)]
            d = d_v[pl.ds(t0, L)]
            sg = sg_v[pl.ds(t0, L)]
            wdb = w / dv * d + bvec
            return tuple(
                accs[s] + jnp.where(sg == s, wdb, 0.0) for s in range(n_segs))

        zeros = tuple(jnp.zeros((L,), f32) for _ in range(n_segs))
        accs = lax.fori_loop(0, tpw // L, seg_body, zeros)
        for s in range(n_segs):
            accm_v[pl.ds(s * L, L)] = accs[s]

        plsc.subcore_barrier()
        res = jnp.zeros((L,), f32)
        for l in range(L):
            res = res + plsc.load_gather(accm_v, [iota * L + l])
        res_v[...] = res
        plsc.subcore_barrier()

        pltpu.sync_copy(res_v, shared.at[sid])
        plsc.subcore_barrier()

        @pl.when(sid == 0)
        def _():
            pltpu.sync_copy(shared, merge_v)
            m = merge_v[0, :]
            for s in range(1, NS):
                m = m + merge_v[s, :]
            res2_v[...] = m

        plsc.subcore_barrier()

        @pl.when(sid == 0)
        def _():
            pltpu.sync_copy(res2_v, out_h.at[cid])

    return body


def kernel(intr_idxs_ch, intr_divs_ch, feat_idxs_ch, smpl_segment_ids,
           vecs, intr_W, intr_b):
    T = intr_idxs_ch.shape[0]
    n_intrs, vec_size = intr_W.shape[0], vecs.shape[1]
    n_segs = 16
    fa = feat_idxs_ch[:, 0]
    fb = feat_idxs_ch[:, 1]
    wv = intr_W.reshape(-1)
    b16 = jnp.broadcast_to(intr_b, (L,))
    part = _sc_fm(T, n_intrs, vec_size, n_segs)(
        fa, fb, intr_idxs_ch, intr_divs_ch, smpl_segment_ids, vecs, wv, b16)
    return part[0] + part[1]

# --- scband reference (transcript-rebuilt; emitter-appended) ---
"""Pipeline reference for scband-icfm-24859270709747 (READ-ONLY COPY).

The authoritative reference and input builder live on the scoring server;
editing this copy changes nothing except your own understanding.
"""

import jax, jax.numpy as jnp
import numpy as np

N_FEATS = 100000
N_INTRS = 10000
VEC_SIZE = 128
T = 32768
B = 16


def setup_inputs(seed: int = 0) -> dict:
    key = jax.random.key(seed)
    ks = jax.random.split(key, 7)
    intr_idxs_ch = jax.random.randint(ks[0], (T,), 0, N_INTRS, dtype=jnp.int32)
    intr_divs_ch = jax.random.uniform(ks[1], (T,), minval=1.0, maxval=8.0, dtype=jnp.float32)
    feat_idxs_ch = jax.random.randint(ks[2], (T, 2), 0, N_FEATS, dtype=jnp.int32)
    smpl_segment_ids = jnp.sort(jax.random.randint(ks[3], (T,), 0, B, dtype=jnp.int32))
    vecs = jax.random.normal(ks[4], (N_FEATS, VEC_SIZE), dtype=jnp.float32) * 0.01
    intr_W = jax.random.normal(ks[5], (N_INTRS, 1), dtype=jnp.float32)
    intr_b = jnp.zeros((1,), dtype=jnp.float32)
    return {
        'intr_idxs_ch': intr_idxs_ch,
        'intr_divs_ch': intr_divs_ch,
        'feat_idxs_ch': feat_idxs_ch,
        'smpl_segment_ids': smpl_segment_ids,
        'vecs': vecs,
        'intr_W': intr_W,
        'intr_b': intr_b,
    }


def reference(intr_idxs_ch, intr_divs_ch, feat_idxs_ch, smpl_segment_ids, vecs, intr_W, intr_b):
    # V_ = self.vecs(feat_idxs_ch)  -> [T, 2, vec_size]
    V_ = jnp.take(vecs, feat_idxs_ch, axis=0)
    # D_ = sum(prod(V_, dim=1), dim=1) -> [T]
    D_ = jnp.sum(jnp.prod(V_, axis=1), axis=1)
    # W_ = self.intr_W(intr_idxs_ch) -> [T, 1]
    W_ = jnp.take(intr_W, intr_idxs_ch, axis=0)
    # WDb_ = W_[:,0] / intr_divs * D_ + intr_b
    WDb_ = W_[:, 0] / intr_divs_ch * D_ + intr_b[0]
    # outputs[i] = sum(WDb_[smpl_idxs[i]]) -> ragged per-sample sum == segment_sum
    outputs = jax.ops.segment_sum(WDb_, smpl_segment_ids, num_segments=B)
    return outputs

if __name__ == "__main__":
    import jax
    _d = setup_inputs()
    print(jax.jit(kernel)(*tuple(_d.values())))

</pallas_src>

<mosaic_0001>
#map = affine_map<(d0, d1) -> (0)>
#map1 = affine_map<(d0, d1) -> (0, 0)>
module attributes {stable_mosaic.version = 14 : i64} {
  func.func @body(%arg0: i32, %arg1: i32, %arg2: memref<32768xi32, #tpu.memory_space<hbm>>, %arg3: memref<32768xi32, #tpu.memory_space<hbm>>, %arg4: memref<32768xi32, #tpu.memory_space<hbm>>, %arg5: memref<32768xf32, #tpu.memory_space<hbm>>, %arg6: memref<32768xi32, #tpu.memory_space<hbm>>, %arg7: memref<100000x128xf32, #tpu.memory_space<hbm>>, %arg8: memref<10000xf32, #tpu.memory_space<hbm>>, %arg9: memref<16xf32, #tpu.memory_space<hbm>>, %arg10: memref<2x16xf32, #tpu.memory_space<hbm>>, %arg11: memref<256xf32, #tpu.memory_space<vmem>>, %arg12: memref<16xf32, #tpu.memory_space<vmem>>, %arg13: memref<128x128xf32, #tpu.memory_space<vmem>>, %arg14: memref<128x128xf32, #tpu.memory_space<vmem>>, %arg15: memref<128x128xf32, #tpu.memory_space<vmem>>, %arg16: memref<128x128xf32, #tpu.memory_space<vmem>>, %arg17: memref<128x128xf32, #tpu.memory_space<vmem>>, %arg18: memref<128x128xf32, #tpu.memory_space<vmem>>, %arg19: memref<1024xf32, #tpu.memory_space<vmem>>, %arg20: memref<1024xf32, #tpu.memory_space<vmem>>, %arg21: memref<128xi32, #tpu.memory_space<vmem>>, %arg22: memref<128xi32, #tpu.memory_space<vmem>>, %arg23: memref<128xi32, #tpu.memory_space<vmem>>, %arg24: memref<128xi32, #tpu.memory_space<vmem>>, %arg25: memref<128xi32, #tpu.memory_space<vmem>>, %arg26: memref<128xi32, #tpu.memory_space<vmem>>, %arg27: memref<1024xi32, #tpu.memory_space<vmem>>, %arg28: memref<16x16xf32, #tpu.memory_space<vmem>>, %arg29: memref<16xf32, #tpu.memory_space<vmem>>, %arg30: memref<16xf32, #tpu.memory_space<vmem>>, %arg31: memref<!tpu.dma_semaphore, #tpu.memory_space<semaphore_mem>>, %arg32: memref<!tpu.dma_semaphore, #tpu.memory_space<semaphore_mem>>, %arg33: memref<!tpu.dma_semaphore, #tpu.memory_space<semaphore_mem>>, %arg34: memref<!tpu.dma_semaphore, #tpu.memory_space<semaphore_mem>>, %arg35: memref<1024xi32, #tpu.memory_space<vmem>>, %arg36: memref<16x16xf32, #tpu.memory_space<vmem_shared>>, %arg37: memref<10000xf32, #tpu.memory_space<vmem>>) attributes {dimension_semantics = [#tpu.dimension_semantics<core_parallel>, #tpu.dimension_semantics<subcore_parallel>], iteration_bounds = array<i64: 2, 16>, scalar_prefetch = 0 : i64, scratch_operands = 27 : i64, tpu.core_type = #tpu.core_type<sc_vector_subcore>, window_params = [{transform_indices = #map}, {transform_indices = #map}, {transform_indices = #map}, {transform_indices = #map}, {transform_indices = #map}, {transform_indices = #map1}, {transform_indices = #map}, {transform_indices = #map}, {transform_indices = #map1}]} {
    %mul3A = arith.constant 16 : i32
    %mul3A_0 = arith.muli %arg0, %mul3A : i32
    %add3A = arith.addi %mul3A_0, %arg1 : i32
    %mul3A_1 = arith.constant 1024 : i32
    %mul3A_2 = arith.muli %add3A, %mul3A_1 : i32
    %iota3A = tpu.iota {dimensions = array<i32: 0>} : vector<16xi32>
    %add3A_3 = arith.constant 0 : i32
    %add3A_4 = arith.addi %mul3A_2, %add3A_3 : i32
    "tpu.region"() ({
      %run_scoped3A = tpu.sem_alloc : memref<!tpu.dma_semaphore, #tpu.memory_space<semaphore_mem>>
      %dma_start3A_391 = tpu.memref_slice %arg2[%add3A_4] : memref<32768xi32, #tpu.memory_space<hbm>> -> memref<128xi32, #tpu.memory_space<hbm>>
      %dma_start3A_392 = tpu.memref_slice %arg2[%add3A_4] : memref<32768xi32, #tpu.memory_space<hbm>> -> memref<128xi32, #tpu.memory_space<hbm>>
      tpu.enqueue_dma source(%dma_start3A_392 : memref<128xi32, #tpu.memory_space<hbm>>) target(%arg21 : memref<128xi32, #tpu.memory_space<vmem>>) target_semaphore(%run_scoped3A : memref<!tpu.dma_semaphore, #tpu.memory_space<semaphore_mem>>)
      %dma_wait3A_393 = tpu.memref_slice %arg2[%add3A_4] : memref<32768xi32, #tpu.memory_space<hbm>> -> memref<128xi32, #tpu.memory_space<hbm>>
      %dma_wait3A_394 = tpu.memref_slice %arg2[%add3A_4] : memref<32768xi32, #tpu.memory_space<hbm>> -> memref<128xi32, #tpu.memory_space<hbm>>
      tpu.wait_dma2 semaphore(%run_scoped3A : memref<!tpu.dma_semaphore, #tpu.memory_space<semaphore_mem>>) src(%dma_wait3A_394 : memref<128xi32, #tpu.memory_space<hbm>>) dst(%arg21 : memref<128xi32, #tpu.memory_space<vmem>>)
      tpu.yield
    }) : () -> ()
    "tpu.region"() ({
      %run_scoped3A = tpu.sem_alloc : memref<!tpu.dma_semaphore, #tpu.memory_space<semaphore_mem>>
      %dma_start3A_391 = tpu.memref_slice %arg3[%add3A_4] : memref<32768xi32, #tpu.memory_space<hbm>> -> memref<128xi32, #tpu.memory_space<hbm>>
      %dma_start3A_392 = tpu.memref_slice %arg3[%add3A_4] : memref<32768xi32, #tpu.memory_space<hbm>> -> memref<128xi32, #tpu.memory_space<hbm>>
      tpu.enqueue_dma source(%dma_start3A_392 : memref<128xi32, #tpu.memory_space<hbm>>) target(%arg24 : memref<128xi32, #tpu.memory_space<vmem>>) target_semaphore(%run_scoped3A : memref<!tpu.dma_semaphore, #tpu.memory_space<semaphore_mem>>)
      %dma_wait3A_393 = tpu.memref_slice %arg3[%add3A_4] : memref<32768xi32, #tpu.memory_space<hbm>> -> memref<128xi32, #tpu.memory_space<hbm>>
      %dma_wait3A_394 = tpu.memref_slice %arg3[%add3A_4] : memref<32768xi32, #tpu.memory_space<hbm>> -> memref<128xi32, #tpu.memory_space<hbm>>
      tpu.wait_dma2 semaphore(%run_scoped3A : memref<!tpu.dma_semaphore, #tpu.memory_space<semaphore_mem>>) src(%dma_wait3A_394 : memref<128xi32, #tpu.memory_space<hbm>>) dst(%arg24 : memref<128xi32, #tpu.memory_space<vmem>>)
      tpu.yield
    }) : () -> ()
    %dma_start3A = arith.constant 0 : i32
    %dma_start3A_5 = arith.constant 0 : i32
    %dma_start3A_6 = tpu.memref_slice %arg7[%dma_start3A, %dma_start3A_5] : memref<100000x128xf32, #tpu.memory_space<hbm>> -> memref<100000x128xf32, #tpu.memory_space<hbm>>
    tpu.enqueue_indirect_dma source(%dma_start3A_6 : memref<100000x128xf32, #tpu.memory_space<hbm>>) target(%arg13 : memref<128x128xf32, #tpu.memory_space<vmem>>) offsets(%arg21 : memref<128xi32, #tpu.memory_space<vmem>>) semaphore(%arg31 : memref<!tpu.dma_semaphore, #tpu.memory_space<semaphore_mem>>)
    %dma_start3A_7 = arith.constant 0 : i32
    %dma_start3A_8 = arith.constant 0 : i32
    %dma_start3A_9 = tpu.memref_slice %arg7[%dma_start3A_7, %dma_start3A_8] : memref<100000x128xf32, #tpu.memory_space<hbm>> -> memref<100000x128xf32, #tpu.memory_space<hbm>>
    tpu.enqueue_indirect_dma source(%dma_start3A_9 : memref<100000x128xf32, #tpu.memory_space<hbm>>) target(%arg16 : memref<128x128xf32, #tpu.memory_space<vmem>>) offsets(%arg24 : memref<128xi32, #tpu.memory_space<vmem>>) semaphore(%arg31 : memref<!tpu.dma_semaphore, #tpu.memory_space<semaphore_mem>>)
    %add3A_10 = arith.constant 128 : i32
    %add3A_11 = arith.addi %mul3A_2, %add3A_10 : i32
    "tpu.region"() ({
      %run_scoped3A = tpu.sem_alloc : memref<!tpu.dma_semaphore, #tpu.memory_space<semaphore_mem>>
      %dma_start3A_391 = tpu.memref_slice %arg2[%add3A_11] : memref<32768xi32, #tpu.memory_space<hbm>> -> memref<128xi32, #tpu.memory_space<hbm>>
      %dma_start3A_392 = tpu.memref_slice %arg2[%add3A_11] : memref<32768xi32, #tpu.memory_space<hbm>> -> memref<128xi32, #tpu.memory_space<hbm>>
      tpu.enqueue_dma source(%dma_start3A_392 : memref<128xi32, #tpu.memory_space<hbm>>) target(%arg22 : memref<128xi32, #tpu.memory_space<vmem>>) target_semaphore(%run_scoped3A : memref<!tpu.dma_semaphore, #tpu.memory_space<semaphore_mem>>)
      %dma_wait3A_393 = tpu.memref_slice %arg2[%add3A_11] : memref<32768xi32, #tpu.memory_space<hbm>> -> memref<128xi32, #tpu.memory_space<hbm>>
      %dma_wait3A_394 = tpu.memref_slice %arg2[%add3A_11] : memref<32768xi32, #tpu.memory_space<hbm>> -> memref<128xi32, #tpu.memory_space<hbm>>
      tpu.wait_dma2 semaphore(%run_scoped3A : memref<!tpu.dma_semaphore, #tpu.memory_space<semaphore_mem>>) src(%dma_wait3A_394 : memref<128xi32, #tpu.memory_space<hbm>>) dst(%arg22 : memref<128xi32, #tpu.memory_space<vmem>>)
      tpu.yield
    }) : () -> ()
    "tpu.region"() ({
      %run_scoped3A = tpu.sem_alloc : memref<!tpu.dma_semaphore, #tpu.memory_space<semaphore_mem>>
      %dma_start3A_391 = tpu.memref_slice %arg3[%add3A_11] : memref<32768xi32, #tpu.memory_space<hbm>> -> memref<128xi32, #tpu.memory_space<hbm>>
      %dma_start3A_392 = tpu.memref_slice %arg3[%add3A_11] : memref<32768xi32, #tpu.memory_space<hbm>> -> memref<128xi32, #tpu.memory_space<hbm>>
      tpu.enqueue_dma source(%dma_start3A_392 : memref<128xi32, #tpu.memory_space<hbm>>) target(%arg25 : memref<128xi32, #tpu.memory_space<vmem>>) target_semaphore(%run_scoped3A : memref<!tpu.dma_semaphore, #tpu.memory_space<semaphore_mem>>)
      %dma_wait3A_393 = tpu.memref_slice %arg3[%add3A_11] : memref<32768xi32, #tpu.memory_space<hbm>> -> memref<128xi32, #tpu.memory_space<hbm>>
      %dma_wait3A_394 = tpu.memref_slice %arg3[%add3A_11] : memref<32768xi32, #tpu.memory_space<hbm>> -> memref<128xi32, #tpu.memory_space<hbm>>
      tpu.wait_dma2 semaphore(%run_scoped3A : memref<!tpu.dma_semaphore, #tpu.memory_space<semaphore_mem>>) src(%dma_wait3A_394 : memref<128xi32, #tpu.memory_space<hbm>>) dst(%arg25 : memref<128xi32, #tpu.memory_space<vmem>>)
      tpu.yield
    }) : () -> ()
    %dma_start3A_12 = arith.constant 0 : i32
    %dma_start3A_13 = arith.constant 0 : i32
    %dma_start3A_14 = tpu.memref_slice %arg7[%dma_start3A_12, %dma_start3A_13] : memref<100000x128xf32, #tpu.memory_space<hbm>> -> memref<100000x128xf32, #tpu.memory_space<hbm>>
    tpu.enqueue_indirect_dma source(%dma_start3A_14 : memref<100000x128xf32, #tpu.memory_space<hbm>>) target(%arg14 : memref<128x128xf32, #tpu.memory_space<vmem>>) offsets(%arg22 : memref<128xi32, #tpu.memory_space<vmem>>) semaphore(%arg32 : memref<!tpu.dma_semaphore, #tpu.memory_space<semaphore_mem>>)
    %dma_start3A_15 = arith.constant 0 : i32
    %dma_start3A_16 = arith.constant 0 : i32
    %dma_start3A_17 = tpu.memref_slice %arg7[%dma_start3A_15, %dma_start3A_16] : memref<100000x128xf32, #tpu.memory_space<hbm>> -> memref<100000x128xf32, #tpu.memory_space<hbm>>
    tpu.enqueue_indirect_dma source(%dma_start3A_17 : memref<100000x128xf32, #tpu.memory_space<hbm>>) target(%arg17 : memref<128x128xf32, #tpu.memory_space<vmem>>) offsets(%arg25 : memref<128xi32, #tpu.memory_space<vmem>>) semaphore(%arg32 : memref<!tpu.dma_semaphore, #tpu.memory_space<semaphore_mem>>)
    %dma_start3A_18 = tpu.memref_slice %arg4[%mul3A_2] : memref<32768xi32, #tpu.memory_space<hbm>> -> memref<1024xi32, #tpu.memory_space<hbm>>
    %dma_start3A_19 = tpu.memref_slice %arg4[%mul3A_2] : memref<32768xi32, #tpu.memory_space<hbm>> -> memref<1024xi32, #tpu.memory_space<hbm>>
    tpu.enqueue_dma source(%dma_start3A_19 : memref<1024xi32, #tpu.memory_space<hbm>>) target(%arg27 : memref<1024xi32, #tpu.memory_space<vmem>>) target_semaphore(%arg34 : memref<!tpu.dma_semaphore, #tpu.memory_space<semaphore_mem>>)
    %dma_start3A_20 = tpu.memref_slice %arg5[%mul3A_2] : memref<32768xf32, #tpu.memory_space<hbm>> -> memref<1024xf32, #tpu.memory_space<hbm>>
    %dma_start3A_21 = tpu.memref_slice %arg5[%mul3A_2] : memref<32768xf32, #tpu.memory_space<hbm>> -> memref<1024xf32, #tpu.memory_space<hbm>>
    tpu.enqueue_dma source(%dma_start3A_21 : memref<1024xf32, #tpu.memory_space<hbm>>) target(%arg20 : memref<1024xf32, #tpu.memory_space<vmem>>) target_semaphore(%arg34 : memref<!tpu.dma_semaphore, #tpu.memory_space<semaphore_mem>>)
    %dma_start3A_22 = tpu.memref_slice %arg6[%mul3A_2] : memref<32768xi32, #tpu.memory_space<hbm>> -> memref<1024xi32, #tpu.memory_space<hbm>>
    %dma_start3A_23 = tpu.memref_slice %arg6[%mul3A_2] : memref<32768xi32, #tpu.memory_space<hbm>> -> memref<1024xi32, #tpu.memory_space<hbm>>
    tpu.enqueue_dma source(%dma_start3A_23 : memref<1024xi32, #tpu.memory_space<hbm>>) target(%arg35 : memref<1024xi32, #tpu.memory_space<vmem>>) target_semaphore(%arg34 : memref<!tpu.dma_semaphore, #tpu.memory_space<semaphore_mem>>)
    tpu.enqueue_dma source(%arg8 : memref<10000xf32, #tpu.memory_space<hbm>>) target(%arg37 : memref<10000xf32, #tpu.memory_space<vmem>>) target_semaphore(%arg34 : memref<!tpu.dma_semaphore, #tpu.memory_space<semaphore_mem>>)
    tpu.enqueue_dma source(%arg9 : memref<16xf32, #tpu.memory_space<hbm>>) target(%arg12 : memref<16xf32, #tpu.memory_space<vmem>>) target_semaphore(%arg34 : memref<!tpu.dma_semaphore, #tpu.memory_space<semaphore_mem>>)
    %add3A_24 = arith.constant 256 : i32
    %add3A_25 = arith.addi %mul3A_2, %add3A_24 : i32
    "tpu.region"() ({
      %run_scoped3A = tpu.sem_alloc : memref<!tpu.dma_semaphore, #tpu.memory_space<semaphore_mem>>
      %dma_start3A_391 = tpu.memref_slice %arg2[%add3A_25] : memref<32768xi32, #tpu.memory_space<hbm>> -> memref<128xi32, #tpu.memory_space<hbm>>
      %dma_start3A_392 = tpu.memref_slice %arg2[%add3A_25] : memref<32768xi32, #tpu.memory_space<hbm>> -> memref<128xi32, #tpu.memory_space<hbm>>
      tpu.enqueue_dma source(%dma_start3A_392 : memref<128xi32, #tpu.memory_space<hbm>>) target(%arg23 : memref<128xi32, #tpu.memory_space<vmem>>) target_semaphore(%run_scoped3A : memref<!tpu.dma_semaphore, #tpu.memory_space<semaphore_mem>>)
      %dma_wait3A_393 = tpu.memref_slice %arg2[%add3A_25] : memref<32768xi32, #tpu.memory_space<hbm>> -> memref<128xi32, #tpu.memory_space<hbm>>
      %dma_wait3A_394 = tpu.memref_slice %arg2[%add3A_25] : memref<32768xi32, #tpu.memory_space<hbm>> -> memref<128xi32, #tpu.memory_space<hbm>>
      tpu.wait_dma2 semaphore(%run_scoped3A : memref<!tpu.dma_semaphore, #tpu.memory_space<semaphore_mem>>) src(%dma_wait3A_394 : memref<128xi32, #tpu.memory_space<hbm>>) dst(%arg23 : memref<128xi32, #tpu.memory_space<vmem>>)
      tpu.yield
    }) : () -> ()
    "tpu.region"() ({
      %run_scoped3A = tpu.sem_alloc : memref<!tpu.dma_semaphore, #tpu.memory_space<semaphore_mem>>
      %dma_start3A_391 = tpu.memref_slice %arg3[%add3A_25] : memref<32768xi32, #tpu.memory_space<hbm>> -> memref<128xi32, #tpu.memory_space<hbm>>
      %dma_start3A_392 = tpu.memref_slice %arg3[%add3A_25] : memref<32768xi32, #tpu.memory_space<hbm>> -> memref<128xi32, #tpu.memory_space<hbm>>
      tpu.enqueue_dma source(%dma_start3A_392 : memref<128xi32, #tpu.memory_space<hbm>>) target(%arg26 : memref<128xi32, #tpu.memory_space<vmem>>) target_semaphore(%run_scoped3A : memref<!tpu.dma_semaphore, #tpu.memory_space<semaphore_mem>>)
      %dma_wait3A_393 = tpu.memref_slice %arg3[%add3A_25] : memref<32768xi32, #tpu.memory_space<hbm>> -> memref<128xi32, #tpu.memory_space<hbm>>
      %dma_wait3A_394 = tpu.memref_slice %arg3[%add3A_25] : memref<32768xi32, #tpu.memory_space<hbm>> -> memref<128xi32, #tpu.memory_space<hbm>>
      tpu.wait_dma2 semaphore(%run_scoped3A : memref<!tpu.dma_semaphore, #tpu.memory_space<semaphore_mem>>) src(%dma_wait3A_394 : memref<128xi32, #tpu.memory_space<hbm>>) dst(%arg26 : memref<128xi32, #tpu.memory_space<vmem>>)
      tpu.yield
    }) : () -> ()
    %dma_start3A_26 = arith.constant 0 : i32
    %dma_start3A_27 = arith.constant 0 : i32
    %dma_start3A_28 = tpu.memref_slice %arg7[%dma_start3A_26, %dma_start3A_27] : memref<100000x128xf32, #tpu.memory_space<hbm>> -> memref<100000x128xf32, #tpu.memory_space<hbm>>
    tpu.enqueue_indirect_dma source(%dma_start3A_28 : memref<100000x128xf32, #tpu.memory_space<hbm>>) target(%arg15 : memref<128x128xf32, #tpu.memory_space<vmem>>) offsets(%arg23 : memref<128xi32, #tpu.memory_space<vmem>>) semaphore(%arg33 : memref<!tpu.dma_semaphore, #tpu.memory_space<semaphore_mem>>)
    %dma_start3A_29 = arith.constant 0 : i32
    %dma_start3A_30 = arith.constant 0 : i32
    %dma_start3A_31 = tpu.memref_slice %arg7[%dma_start3A_29, %dma_start3A_30] : memref<100000x128xf32, #tpu.memory_space<hbm>> -> memref<100000x128xf32, #tpu.memory_space<hbm>>
    tpu.enqueue_indirect_dma source(%dma_start3A_31 : memref<100000x128xf32, #tpu.memory_space<hbm>>) target(%arg18 : memref<128x128xf32, #tpu.memory_space<vmem>>) offsets(%arg26 : memref<128xi32, #tpu.memory_space<vmem>>) semaphore(%arg33 : memref<!tpu.dma_semaphore, #tpu.memory_space<semaphore_mem>>)
    %dma_wait3A = arith.constant 0 : i32
    %dma_wait3A_32 = arith.constant 0 : i32
    %dma_wait3A_33 = tpu.memref_slice %arg7[%dma_wait3A, %dma_wait3A_32] : memref<100000x128xf32, #tpu.memory_space<hbm>> -> memref<100000x128xf32, #tpu.memory_space<hbm>>
    tpu.wait_indirect_dma semaphore(%arg31 : memref<!tpu.dma_semaphore, #tpu.memory_space<semaphore_mem>>) src(%dma_wait3A_33 : memref<100000x128xf32, #tpu.memory_space<hbm>>) dst(%arg13 : memref<128x128xf32, #tpu.memory_space<vmem>>)
    %dma_wait3A_34 = arith.constant 0 : i32
    %dma_wait3A_35 = arith.constant 0 : i32
    %dma_wait3A_36 = tpu.memref_slice %arg7[%dma_wait3A_34, %dma_wait3A_35] : memref<100000x128xf32, #tpu.memory_space<hbm>> -> memref<100000x128xf32, #tpu.memory_space<hbm>>
    tpu.wait_indirect_dma semaphore(%arg31 : memref<!tpu.dma_semaphore, #tpu.memory_space<semaphore_mem>>) src(%dma_wait3A_36 : memref<100000x128xf32, #tpu.memory_space<hbm>>) dst(%arg16 : memref<128x128xf32, #tpu.memory_space<vmem>>)
    %scan3A = arith.constant 0 : i32
    %scan3A_37 = arith.constant 0 : i32
    %scan3A_38 = arith.constant 8 : i32
    %scan3A_39 = arith.addi %scan3A_37, %scan3A_38 : i32
    %scan3A_40 = arith.constant 1 : i32
    %scan3A_41 = scf.for %scan3A_391 = %scan3A_37 to %scan3A_39 step %scan3A_40 iter_args(%scan3A_392 = %scan3A) -> (i32)  : i32 {
      %mul3A_393 = arith.constant 16 : i32
      %mul3A_394 = arith.muli %scan3A_391, %mul3A_393 : i32
      %add3A_395 = vector.broadcast %mul3A_394 : i32 to vector<16xi32>
      %add3A_396 = arith.addi %add3A_395, %iota3A : vector<16xi32>
      %broadcast_in_dim3A_397 = arith.constant 0.000000e+00 : f32
      %broadcast_in_dim3A_398 = vector.broadcast %broadcast_in_dim3A_397 : f32 to vector<16xf32>
      %scan3A_399 = arith.constant 0 : i32
      %scan3A_400 = arith.constant 16 : i32
      %scan3A_401 = arith.addi %scan3A_399, %scan3A_400 : i32
      %scan3A_402 = arith.constant 1 : i32
      %scan3A_403:2 = scf.for %scan3A_413 = %scan3A_399 to %scan3A_401 step %scan3A_402 iter_args(%scan3A_414 = %broadcast_in_dim3A_398, %scan3A_415 = %broadcast_in_dim3A_398) -> (vector<16xf32>, vector<16xf32>)  : i32 {
        %mul3A_416 = arith.constant 8 : i32
        %mul3A_417 = arith.muli %scan3A_413, %mul3A_416 : i32
        %add3A_418 = arith.constant 0 : i32
        %add3A_419 = arith.addi %mul3A_417, %add3A_418 : i32
        %add3A_420 = vector.broadcast %add3A_419 : i32 to vector<16xi32>
        %add3A_421 = arith.addi %iota3A, %add3A_420 : vector<16xi32>
        %and3A = arith.constant 127 : i32
        %and3A_422 = vector.broadcast %and3A : i32 to vector<16xi32>
        %and3A_423 = arith.andi %add3A_421, %and3A_422 : vector<16xi32>
        %gather3A_424 = tpu.vector_load_idx %arg13[%add3A_396, %and3A_423] : memref<128x128xf32, #tpu.memory_space<vmem>>[vector<16xi32>, vector<16xi32>], vector<16xf32>,
        %gather3A_425 = tpu.vector_load_idx %arg16[%add3A_396, %and3A_423] : memref<128x128xf32, #tpu.memory_space<vmem>>[vector<16xi32>, vector<16xi32>], vector<16xf32>,
        %mul3A_426 = arith.mulf %gather3A_424, %gather3A_425 : vector<16xf32>
        %add3A_427 = arith.addf %scan3A_414, %mul3A_426 : vector<16xf32>
        %mul3A_428 = arith.constant 8 : i32
        %mul3A_429 = arith.muli %scan3A_413, %mul3A_428 : i32
        %add3A_430 = arith.constant 1 : i32
        %add3A_431 = arith.addi %mul3A_429, %add3A_430 : i32
        %add3A_432 = vector.broadcast %add3A_431 : i32 to vector<16xi32>
        %add3A_433 = arith.addi %iota3A, %add3A_432 : vector<16xi32>
        %and3A_434 = arith.constant 127 : i32
        %and3A_435 = vector.broadcast %and3A_434 : i32 to vector<16xi32>
        %and3A_436 = arith.andi %add3A_433, %and3A_435 : vector<16xi32>
        %gather3A_437 = tpu.vector_load_idx %arg13[%add3A_396, %and3A_436] : memref<128x128xf32, #tpu.memory_space<vmem>>[vector<16xi32>, vector<16xi32>], vector<16xf32>,
        %gather3A_438 = tpu.vector_load_idx %arg16[%add3A_396, %and3A_436] : memref<128x128xf32, #tpu.memory_space<vmem>>[vector<16xi32>, vector<16xi32>], vector<16xf32>,
        %mul3A_439 = arith.mulf %gather3A_437, %gather3A_438 : vector<16xf32>
        %add3A_440 = arith.addf %scan3A_415, %mul3A_439 : vector<16xf32>
        %mul3A_441 = arith.constant 8 : i32
        %mul3A_442 = arith.muli %scan3A_413, %mul3A_441 : i32
        %add3A_443 = arith.constant 2 : i32
        %add3A_444 = arith.addi %mul3A_442, %add3A_443 : i32
        %add3A_445 = vector.broadcast %add3A_444 : i32 to vector<16xi32>
        %add3A_446 = arith.addi %iota3A, %add3A_445 : vector<16xi32>
        %and3A_447 = arith.constant 127 : i32
        %and3A_448 = vector.broadcast %and3A_447 : i32 to vector<16xi32>
        %and3A_449 = arith.andi %add3A_446, %and3A_448 : vector<16xi32>
        %gather3A_450 = tpu.vector_load_idx %arg13[%add3A_396, %and3A_449] : memref<128x128xf32, #tpu.memory_space<vmem>>[vector<16xi32>, vector<16xi32>], vector<16xf32>,
        %gather3A_451 = tpu.vector_load_idx %arg16[%add3A_396, %and3A_449] : memref<128x128xf32, #tpu.memory_space<vmem>>[vector<16xi32>, vector<16xi32>], vector<16xf32>,
        %mul3A_452 = arith.mulf %gather3A_450, %gather3A_451 : vector<16xf32>
        %add3A_453 = arith.addf %add3A_427, %mul3A_452 : vector<16xf32>
        %mul3A_454 = arith.constant 8 : i32
        %mul3A_455 = arith.muli %scan3A_413, %mul3A_454 : i32
        %add3A_456 = arith.constant 3 : i32
        %add3A_457 = arith.addi %mul3A_455, %add3A_456 : i32
        %add3A_458 = vector.broadcast %add3A_457 : i32 to vector<16xi32>
        %add3A_459 = arith.addi %iota3A, %add3A_458 : vector<16xi32>
        %and3A_460 = arith.constant 127 : i32
        %and3A_461 = vector.broadcast %and3A_460 : i32 to vector<16xi32>
        %and3A_462 = arith.andi %add3A_459, %and3A_461 : vector<16xi32>
        %gather3A_463 = tpu.vector_load_idx %arg13[%add3A_396, %and3A_462] : memref<128x128xf32, #tpu.memory_space<vmem>>[vector<16xi32>, vector<16xi32>], vector<16xf32>,
        %gather3A_464 = tpu.vector_load_idx %arg16[%add3A_396, %and3A_462] : memref<128x128xf32, #tpu.memory_space<vmem>>[vector<16xi32>, vector<16xi32>], vector<16xf32>,
        %mul3A_465 = arith.mulf %gather3A_463, %gather3A_464 : vector<16xf32>
        %add3A_466 = arith.addf %add3A_440, %mul3A_465 : vector<16xf32>
        %mul3A_467 = arith.constant 8 : i32
        %mul3A_468 = arith.muli %scan3A_413, %mul3A_467 : i32
        %add3A_469 = arith.constant 4 : i32
        %add3A_470 = arith.addi %mul3A_468, %add3A_469 : i32
        %add3A_471 = vector.broadcast %add3A_470 : i32 to vector<16xi32>
        %add3A_472 = arith.addi %iota3A, %add3A_471 : vector<16xi32>
        %and3A_473 = arith.constant 127 : i32
        %and3A_474 = vector.broadcast %and3A_473 : i32 to vector<16xi32>
        %and3A_475 = arith.andi %add3A_472, %and3A_474 : vector<16xi32>
        %gather3A_476 = tpu.vector_load_idx %arg13[%add3A_396, %and3A_475] : memref<128x128xf32, #tpu.memory_space<vmem>>[vector<16xi32>, vector<16xi32>], vector<16xf32>,
        %gather3A_477 = tpu.vector_load_idx %arg16[%add3A_396, %and3A_475] : memref<128x128xf32, #tpu.memory_space<vmem>>[vector<16xi32>, vector<16xi32>], vector<16xf32>,
        %mul3A_478 = arith.mulf %gather3A_476, %gather3A_477 : vector<16xf32>
        %add3A_479 = arith.addf %add3A_453, %mul3A_478 : vector<16xf32>
        %mul3A_480 = arith.constant 8 : i32
        %mul3A_481 = arith.muli %scan3A_413, %mul3A_480 : i32
        %add3A_482 = arith.constant 5 : i32
        %add3A_483 = arith.addi %mul3A_481, %add3A_482 : i32
        %add3A_484 = vector.broadcast %add3A_483 : i32 to vector<16xi32>
        %add3A_485 = arith.addi %iota3A, %add3A_484 : vector<16xi32>
        %and3A_486 = arith.constant 127 : i32
        %and3A_487 = vector.broadcast %and3A_486 : i32 to vector<16xi32>
        %and3A_488 = arith.andi %add3A_485, %and3A_487 : vector<16xi32>
        %gather3A_489 = tpu.vector_load_idx %arg13[%add3A_396, %and3A_488] : memref<128x128xf32, #tpu.memory_space<vmem>>[vector<16xi32>, vector<16xi32>], vector<16xf32>,
        %gather3A_490 = tpu.vector_load_idx %arg16[%add3A_396, %and3A_488] : memref<128x128xf32, #tpu.memory_space<vmem>>[vector<16xi32>, vector<16xi32>], vector<16xf32>,
        %mul3A_491 = arith.mulf %gather3A_489, %gather3A_490 : vector<16xf32>
        %add3A_492 = arith.addf %add3A_466, %mul3A_491 : vector<16xf32>
        %mul3A_493 = arith.constant 8 : i32
        %mul3A_494 = arith.muli %scan3A_413, %mul3A_493 : i32
        %add3A_495 = arith.constant 6 : i32
        %add3A_496 = arith.addi %mul3A_494, %add3A_495 : i32
        %add3A_497 = vector.broadcast %add3A_496 : i32 to vector<16xi32>
        %add3A_498 = arith.addi %iota3A, %add3A_497 : vector<16xi32>
        %and3A_499 = arith.constant 127 : i32
        %and3A_500 = vector.broadcast %and3A_499 : i32 to vector<16xi32>
        %and3A_501 = arith.andi %add3A_498, %and3A_500 : vector<16xi32>
        %gather3A_502 = tpu.vector_load_idx %arg13[%add3A_396, %and3A_501] : memref<128x128xf32, #tpu.memory_space<vmem>>[vector<16xi32>, vector<16xi32>], vector<16xf32>,
        %gather3A_503 = tpu.vector_load_idx %arg16[%add3A_396, %and3A_501] : memref<128x128xf32, #tpu.memory_space<vmem>>[vector<16xi32>, vector<16xi32>], vector<16xf32>,
        %mul3A_504 = arith.mulf %gather3A_502, %gather3A_503 : vector<16xf32>
        %add3A_505 = arith.addf %add3A_479, %mul3A_504 : vector<16xf32>
        %mul3A_506 = arith.constant 8 : i32
        %mul3A_507 = arith.muli %scan3A_413, %mul3A_506 : i32
        %add3A_508 = arith.constant 7 : i32
        %add3A_509 = arith.addi %mul3A_507, %add3A_508 : i32
        %add3A_510 = vector.broadcast %add3A_509 : i32 to vector<16xi32>
        %add3A_511 = arith.addi %iota3A, %add3A_510 : vector<16xi32>
        %and3A_512 = arith.constant 127 : i32
        %and3A_513 = vector.broadcast %and3A_512 : i32 to vector<16xi32>
        %and3A_514 = arith.andi %add3A_511, %and3A_513 : vector<16xi32>
        %gather3A_515 = tpu.vector_load_idx %arg13[%add3A_396, %and3A_514] : memref<128x128xf32, #tpu.memory_space<vmem>>[vector<16xi32>, vector<16xi32>], vector<16xf32>,
        %gather3A_516 = tpu.vector_load_idx %arg16[%add3A_396, %and3A_514] : memref<128x128xf32, #tpu.memory_space<vmem>>[vector<16xi32>, vector<16xi32>], vector<16xf32>,
        %mul3A_517 = arith.mulf %gather3A_515, %gather3A_516 : vector<16xf32>
        %add3A_518 = arith.addf %add3A_492, %mul3A_517 : vector<16xf32>
        scf.yield %add3A_505, %add3A_518 : vector<16xf32>, vector<16xf32>
      }
      %scan3A_404 = arith.constant 16 : i32
      %add3A_405 = arith.addf %scan3A_403#0, %scan3A_403#1 : vector<16xf32>
      %mul3A_406 = arith.constant 16 : i32
      %mul3A_407 = arith.muli %scan3A_391, %mul3A_406 : i32
      %add3A_408 = arith.constant 0 : i32
      %add3A_409 = arith.addi %add3A_408, %mul3A_407 : i32
      %swap3A_410 = arith.index_cast %add3A_409 : i32 to index
      %swap3A_411 = tpu.vector_load %arg19[%swap3A_410] {strides = array<i32>} : memref<1024xf32, #tpu.memory_space<vmem>>, vector<16xf32>,
      tpu.vector_store %arg19[%swap3A_410], %add3A_405 {strides = array<i32>} : memref<1024xf32, #tpu.memory_space<vmem>>, vector<16xf32>,
      %scan3A_412 = arith.constant 0 : i32
      scf.yield %scan3A_412 : i32
    }
    %scan3A_42 = arith.constant 8 : i32
    %add3A_43 = arith.constant 384 : i32
    %add3A_44 = arith.addi %mul3A_2, %add3A_43 : i32
    "tpu.region"() ({
      %run_scoped3A = tpu.sem_alloc : memref<!tpu.dma_semaphore, #tpu.memory_space<semaphore_mem>>
      %dma_start3A_391 = tpu.memref_slice %arg2[%add3A_44] : memref<32768xi32, #tpu.memory_space<hbm>> -> memref<128xi32, #tpu.memory_space<hbm>>
      %dma_start3A_392 = tpu.memref_slice %arg2[%add3A_44] : memref<32768xi32, #tpu.memory_space<hbm>> -> memref<128xi32, #tpu.memory_space<hbm>>
      tpu.enqueue_dma source(%dma_start3A_392 : memref<128xi32, #tpu.memory_space<hbm>>) target(%arg21 : memref<128xi32, #tpu.memory_space<vmem>>) target_semaphore(%run_scoped3A : memref<!tpu.dma_semaphore, #tpu.memory_space<semaphore_mem>>)
      %dma_wait3A_393 = tpu.memref_slice %arg2[%add3A_44] : memref<32768xi32, #tpu.memory_space<hbm>> -> memref<128xi32, #tpu.memory_space<hbm>>
      %dma_wait3A_394 = tpu.memref_slice %arg2[%add3A_44] : memref<32768xi32, #tpu.memory_space<hbm>> -> memref<128xi32, #tpu.memory_space<hbm>>
      tpu.wait_dma2 semaphore(%run_scoped3A : memref<!tpu.dma_semaphore, #tpu.memory_space<semaphore_mem>>) src(%dma_wait3A_394 : memref<128xi32, #tpu.memory_space<hbm>>) dst(%arg21 : memref<128xi32, #tpu.memory_space<vmem>>)
      tpu.yield
    }) : () -> ()
    "tpu.region"() ({
      %run_scoped3A = tpu.sem_alloc : memref<!tpu.dma_semaphore, #tpu.memory_space<semaphore_mem>>
      %dma_start3A_391 = tpu.memref_slice %arg3[%add3A_44] : memref<32768xi32, #tpu.memory_space<hbm>> -> memref<128xi32, #tpu.memory_space<hbm>>
      %dma_start3A_392 = tpu.memref_slice %arg3[%add3A_44] : memref<32768xi32, #tpu.memory_space<hbm>> -> memref<128xi32, #tpu.memory_space<hbm>>
      tpu.enqueue_dma source(%dma_start3A_392 : memref<128xi32, #tpu.memory_space<hbm>>) target(%arg24 : memref<128xi32, #tpu.memory_space<vmem>>) target_semaphore(%run_scoped3A : memref<!tpu.dma_semaphore, #tpu.memory_space<semaphore_mem>>)
      %dma_wait3A_393 = tpu.memref_slice %arg3[%add3A_44] : memref<32768xi32, #tpu.memory_space<hbm>> -> memref<128xi32, #tpu.memory_space<hbm>>
      %dma_wait3A_394 = tpu.memref_slice %arg3[%add3A_44] : memref<32768xi32, #tpu.memory_space<hbm>> -> memref<128xi32, #tpu.memory_space<hbm>>
      tpu.wait_dma2 semaphore(%run_scoped3A : memref<!tpu.dma_semaphore, #tpu.memory_space<semaphore_mem>>) src(%dma_wait3A_394 : memref<128xi32, #tpu.memory_space<hbm>>) dst(%arg24 : memref<128xi32, #tpu.memory_space<vmem>>)
      tpu.yield
    }) : () -> ()
    %dma_start3A_45 = arith.constant 0 : i32
    %dma_start3A_46 = arith.constant 0 : i32
    %dma_start3A_47 = tpu.memref_slice %arg7[%dma_start3A_45, %dma_start3A_46] : memref<100000x128xf32, #tpu.memory_space<hbm>> -> memref<100000x128xf32, #tpu.memory_space<hbm>>
    tpu.enqueue_indirect_dma source(%dma_start3A_47 : memref<100000x128xf32, #tpu.memory_space<hbm>>) target(%arg13 : memref<128x128xf32, #tpu.memory_space<vmem>>) offsets(%arg21 : memref<128xi32, #tpu.memory_space<vmem>>) semaphore(%arg31 : memref<!tpu.dma_semaphore, #tpu.memory_space<semaphore_mem>>)
    %dma_start3A_48 = arith.constant 0 : i32
    %dma_start3A_49 = arith.constant 0 : i32
    %dma_start3A_50 = tpu.memref_slice %arg7[%dma_start3A_48, %dma_start3A_49] : memref<100000x128xf32, #tpu.memory_space<hbm>> -> memref<100000x128xf32, #tpu.memory_space<hbm>>
    tpu.enqueue_indirect_dma source(%dma_start3A_50 : memref<100000x128xf32, #tpu.memory_space<hbm>>) target(%arg16 : memref<128x128xf32, #tpu.memory_space<vmem>>) offsets(%arg24 : memref<128xi32, #tpu.memory_space<vmem>>) semaphore(%arg31 : memref<!tpu.dma_semaphore, #tpu.memory_space<semaphore_mem>>)
    %dma_wait3A_51 = arith.constant 0 : i32
    %dma_wait3A_52 = arith.constant 0 : i32
    %dma_wait3A_53 = tpu.memref_slice %arg7[%dma_wait3A_51, %dma_wait3A_52] : memref<100000x128xf32, #tpu.memory_space<hbm>> -> memref<100000x128xf32, #tpu.memory_space<hbm>>
    tpu.wait_indirect_dma semaphore(%arg32 : memref<!tpu.dma_semaphore, #tpu.memory_space<semaphore_mem>>) src(%dma_wait3A_53 : memref<100000x128xf32, #tpu.memory_space<hbm>>) dst(%arg14 : memref<128x128xf32, #tpu.memory_space<vmem>>)
    %dma_wait3A_54 = arith.constant 0 : i32
    %dma_wait3A_55 = arith.constant 0 : i32
    %dma_wait3A_56 = tpu.memref_slice %arg7[%dma_wait3A_54, %dma_wait3A_55] : memref<100000x128xf32, #tpu.memory_space<hbm>> -> memref<100000x128xf32, #tpu.memory_space<hbm>>
    tpu.wait_indirect_dma semaphore(%arg32 : memref<!tpu.dma_semaphore, #tpu.memory_space<semaphore_mem>>) src(%dma_wait3A_56 : memref<100000x128xf32, #tpu.memory_space<hbm>>) dst(%arg17 : memref<128x128xf32, #tpu.memory_space<vmem>>)
    %scan3A_57 = arith.constant 0 : i32
    %scan3A_58 = arith.constant 0 : i32
    %scan3A_59 = arith.constant 8 : i32
    %scan3A_60 = arith.addi %scan3A_58, %scan3A_59 : i32
    %scan3A_61 = arith.constant 1 : i32
    %scan3A_62 = scf.for %scan3A_391 = %scan3A_58 to %scan3A_60 step %scan3A_61 iter_args(%scan3A_392 = %scan3A_57) -> (i32)  : i32 {
      %mul3A_393 = arith.constant 16 : i32
      %mul3A_394 = arith.muli %scan3A_391, %mul3A_393 : i32
      %add3A_395 = vector.broadcast %mul3A_394 : i32 to vector<16xi32>
      %add3A_396 = arith.addi %add3A_395, %iota3A : vector<16xi32>
      %broadcast_in_dim3A_397 = arith.constant 0.000000e+00 : f32
      %broadcast_in_dim3A_398 = vector.broadcast %broadcast_in_dim3A_397 : f32 to vector<16xf32>
      %scan3A_399 = arith.constant 0 : i32
      %scan3A_400 = arith.constant 16 : i32
      %scan3A_401 = arith.addi %scan3A_399, %scan3A_400 : i32
      %scan3A_402 = arith.constant 1 : i32
      %scan3A_403:2 = scf.for %scan3A_413 = %scan3A_399 to %scan3A_401 step %scan3A_402 iter_args(%scan3A_414 = %broadcast_in_dim3A_398, %scan3A_415 = %broadcast_in_dim3A_398) -> (vector<16xf32>, vector<16xf32>)  : i32 {
        %mul3A_416 = arith.constant 8 : i32
        %mul3A_417 = arith.muli %scan3A_413, %mul3A_416 : i32
        %add3A_418 = arith.constant 0 : i32
        %add3A_419 = arith.addi %mul3A_417, %add3A_418 : i32
        %add3A_420 = vector.broadcast %add3A_419 : i32 to vector<16xi32>
        %add3A_421 = arith.addi %iota3A, %add3A_420 : vector<16xi32>
        %and3A = arith.constant 127 : i32
        %and3A_422 = vector.broadcast %and3A : i32 to vector<16xi32>
        %and3A_423 = arith.andi %add3A_421, %and3A_422 : vector<16xi32>
        %gather3A_424 = tpu.vector_load_idx %arg14[%add3A_396, %and3A_423] : memref<128x128xf32, #tpu.memory_space<vmem>>[vector<16xi32>, vector<16xi32>], vector<16xf32>,
        %gather3A_425 = tpu.vector_load_idx %arg17[%add3A_396, %and3A_423] : memref<128x128xf32, #tpu.memory_space<vmem>>[vector<16xi32>, vector<16xi32>], vector<16xf32>,
        %mul3A_426 = arith.mulf %gather3A_424, %gather3A_425 : vector<16xf32>
        %add3A_427 = arith.addf %scan3A_414, %mul3A_426 : vector<16xf32>
        %mul3A_428 = arith.constant 8 : i32
        %mul3A_429 = arith.muli %scan3A_413, %mul3A_428 : i32
        %add3A_430 = arith.constant 1 : i32
        %add3A_431 = arith.addi %mul3A_429, %add3A_430 : i32
        %add3A_432 = vector.broadcast %add3A_431 : i32 to vector<16xi32>
        %add3A_433 = arith.addi %iota3A, %add3A_432 : vector<16xi32>
        %and3A_434 = arith.constant 127 : i32
        %and3A_435 = vector.broadcast %and3A_434 : i32 to vector<16xi32>
        %and3A_436 = arith.andi %add3A_433, %and3A_435 : vector<16xi32>
        %gather3A_437 = tpu.vector_load_idx %arg14[%add3A_396, %and3A_436] : memref<128x128xf32, #tpu.memory_space<vmem>>[vector<16xi32>, vector<16xi32>], vector<16xf32>,
        %gather3A_438 = tpu.vector_load_idx %arg17[%add3A_396, %and3A_436] : memref<128x128xf32, #tpu.memory_space<vmem>>[vector<16xi32>, vector<16xi32>], vector<16xf32>,
        %mul3A_439 = arith.mulf %gather3A_437, %gather3A_438 : vector<16xf32>
        %add3A_440 = arith.addf %scan3A_415, %mul3A_439 : vector<16xf32>
        %mul3A_441 = arith.constant 8 : i32
        %mul3A_442 = arith.muli %scan3A_413, %mul3A_441 : i32
        %add3A_443 = arith.constant 2 : i32
        %add3A_444 = arith.addi %mul3A_442, %add3A_443 : i32
        %add3A_445 = vector.broadcast %add3A_444 : i32 to vector<16xi32>
        %add3A_446 = arith.addi %iota3A, %add3A_445 : vector<16xi32>
        %and3A_447 = arith.constant 127 : i32
        %and3A_448 = vector.broadcast %and3A_447 : i32 to vector<16xi32>
        %and3A_449 = arith.andi %add3A_446, %and3A_448 : vector<16xi32>
        %gather3A_450 = tpu.vector_load_idx %arg14[%add3A_396, %and3A_449] : memref<128x128xf32, #tpu.memory_space<vmem>>[vector<16xi32>, vector<16xi32>], vector<16xf32>,
        %gather3A_451 = tpu.vector_load_idx %arg17[%add3A_396, %and3A_449] : memref<128x128xf32, #tpu.memory_space<vmem>>[vector<16xi32>, vector<16xi32>], vector<16xf32>,
        %mul3A_452 = arith.mulf %gather3A_450, %gather3A_451 : vector<16xf32>
        %add3A_453 = arith.addf %add3A_427, %mul3A_452 : vector<16xf32>
        %mul3A_454 = arith.constant 8 : i32
        %mul3A_455 = arith.muli %scan3A_413, %mul3A_454 : i32
        %add3A_456 = arith.constant 3 : i32
        %add3A_457 = arith.addi %mul3A_455, %add3A_456 : i32
        %add3A_458 = vector.broadcast %add3A_457 : i32 to vector<16xi32>
        %add3A_459 = arith.addi %iota3A, %add3A_458 : vector<16xi32>
        %and3A_460 = arith.constant 127 : i32
        %and3A_461 = vector.broadcast %and3A_460 : i32 to vector<16xi32>
        %and3A_462 = arith.andi %add3A_459, %and3A_461 : vector<16xi32>
        %gather3A_463 = tpu.vector_load_idx %arg14[%add3A_396, %and3A_462] : memref<128x128xf32, #tpu.memory_space<vmem>>[vector<16xi32>, vector<16xi32>], vector<16xf32>,
        %gather3A_464 = tpu.vector_load_idx %arg17[%add3A_396, %and3A_462] : memref<128x128xf32, #tpu.memory_space<vmem>>[vector<16xi32>, vector<16xi32>], vector<16xf32>,
        %mul3A_465 = arith.mulf %gather3A_463, %gather3A_464 : vector<16xf32>
        %add3A_466 = arith.addf %add3A_440, %mul3A_465 : vector<16xf32>
        %mul3A_467 = arith.constant 8 : i32
        %mul3A_468 = arith.muli %scan3A_413, %mul3A_467 : i32
        %add3A_469 = arith.constant 4 : i32
        %add3A_470 = arith.addi %mul3A_468, %add3A_469 : i32
        %add3A_471 = vector.broadcast %add3A_470 : i32 to vector<16xi32>
        %add3A_472 = arith.addi %iota3A, %add3A_471 : vector<16xi32>
        %and3A_473 = arith.constant 127 : i32
        %and3A_474 = vector.broadcast %and3A_473 : i32 to vector<16xi32>
        %and3A_475 = arith.andi %add3A_472, %and3A_474 : vector<16xi32>
        %gather3A_476 = tpu.vector_load_idx %arg14[%add3A_396, %and3A_475] : memref<128x128xf32, #tpu.memory_space<vmem>>[vector<16xi32>, vector<16xi32>], vector<16xf32>,
        %gather3A_477 = tpu.vector_load_idx %arg17[%add3A_396, %and3A_475] : memref<128x128xf32, #tpu.memory_space<vmem>>[vector<16xi32>, vector<16xi32>], vector<16xf32>,
        %mul3A_478 = arith.mulf %gather3A_476, %gather3A_477 : vector<16xf32>
        %add3A_479 = arith.addf %add3A_453, %mul3A_478 : vector<16xf32>
        %mul3A_480 = arith.constant 8 : i32
        %mul3A_481 = arith.muli %scan3A_413, %mul3A_480 : i32
        %add3A_482 = arith.constant 5 : i32
        %add3A_483 = arith.addi %mul3A_481, %add3A_482 : i32
        %add3A_484 = vector.broadcast %add3A_483 : i32 to vector<16xi32>
        %add3A_485 = arith.addi %iota3A, %add3A_484 : vector<16xi32>
        %and3A_486 = arith.constant 127 : i32
        %and3A_487 = vector.broadcast %and3A_486 : i32 to vector<16xi32>
        %and3A_488 = arith.andi %add3A_485, %and3A_487 : vector<16xi32>
        %gather3A_489 = tpu.vector_load_idx %arg14[%add3A_396, %and3A_488] : memref<128x128xf32, #tpu.memory_space<vmem>>[vector<16xi32>, vector<16xi32>], vector<16xf32>,
        %gather3A_490 = tpu.vector_load_idx %arg17[%add3A_396, %and3A_488] : memref<128x128xf32, #tpu.memory_space<vmem>>[vector<16xi32>, vector<16xi32>], vector<16xf32>,
        %mul3A_491 = arith.mulf %gather3A_489, %gather3A_490 : vector<16xf32>
        %add3A_492 = arith.addf %add3A_466, %mul3A_491 : vector<16xf32>
        %mul3A_493 = arith.constant 8 : i32
        %mul3A_494 = arith.muli %scan3A_413, %mul3A_493 : i32
        %add3A_495 = arith.constant 6 : i32
        %add3A_496 = arith.addi %mul3A_494, %add3A_495 : i32
        %add3A_497 = vector.broadcast %add3A_496 : i32 to vector<16xi32>
        %add3A_498 = arith.addi %iota3A, %add3A_497 : vector<16xi32>
        %and3A_499 = arith.constant 127 : i32
        %and3A_500 = vector.broadcast %and3A_499 : i32 to vector<16xi32>
        %and3A_501 = arith.andi %add3A_498, %and3A_500 : vector<16xi32>
        %gather3A_502 = tpu.vector_load_idx %arg14[%add3A_396, %and3A_501] : memref<128x128xf32, #tpu.memory_space<vmem>>[vector<16xi32>, vector<16xi32>], vector<16xf32>,
        %gather3A_503 = tpu.vector_load_idx %arg17[%add3A_396, %and3A_501] : memref<128x128xf32, #tpu.memory_space<vmem>>[vector<16xi32>, vector<16xi32>], vector<16xf32>,
        %mul3A_504 = arith.mulf %gather3A_502, %gather3A_503 : vector<16xf32>
        %add3A_505 = arith.addf %add3A_479, %mul3A_504 : vector<16xf32>
        %mul3A_506 = arith.constant 8 : i32
        %mul3A_507 = arith.muli %scan3A_413, %mul3A_506 : i32
        %add3A_508 = arith.constant 7 : i32
        %add3A_509 = arith.addi %mul3A_507, %add3A_508 : i32
        %add3A_510 = vector.broadcast %add3A_509 : i32 to vector<16xi32>
        %add3A_511 = arith.addi %iota3A, %add3A_510 : vector<16xi32>
        %and3A_512 = arith.constant 127 : i32
        %and3A_513 = vector.broadcast %and3A_512 : i32 to vector<16xi32>
        %and3A_514 = arith.andi %add3A_511, %and3A_513 : vector<16xi32>
        %gather3A_515 = tpu.vector_load_idx %arg14[%add3A_396, %and3A_514] : memref<128x128xf32, #tpu.memory_space<vmem>>[vector<16xi32>, vector<16xi32>], vector<16xf32>,
        %gather3A_516 = tpu.vector_load_idx %arg17[%add3A_396, %and3A_514] : memref<128x128xf32, #tpu.memory_space<vmem>>[vector<16xi32>, vector<16xi32>], vector<16xf32>,
        %mul3A_517 = arith.mulf %gather3A_515, %gather3A_516 : vector<16xf32>
        %add3A_518 = arith.addf %add3A_492, %mul3A_517 : vector<16xf32>
        scf.yield %add3A_505, %add3A_518 : vector<16xf32>, vector<16xf32>
      }
      %scan3A_404 = arith.constant 16 : i32
      %add3A_405 = arith.addf %scan3A_403#0, %scan3A_403#1 : vector<16xf32>
      %mul3A_406 = arith.constant 16 : i32
      %mul3A_407 = arith.muli %scan3A_391, %mul3A_406 : i32
      %add3A_408 = arith.constant 128 : i32
      %add3A_409 = arith.addi %add3A_408, %mul3A_407 : i32
      %swap3A_410 = arith.index_cast %add3A_409 : i32 to index
      %swap3A_411 = tpu.vector_load %arg19[%swap3A_410] {strides = array<i32>} : memref<1024xf32, #tpu.memory_space<vmem>>, vector<16xf32>,
      tpu.vector_store %arg19[%swap3A_410], %add3A_405 {strides = array<i32>} : memref<1024xf32, #tpu.memory_space<vmem>>, vector<16xf32>,
      %scan3A_412 = arith.constant 0 : i32
      scf.yield %scan3A_412 : i32
    }
    %scan3A_63 = arith.constant 8 : i32
    %add3A_64 = arith.constant 512 : i32
    %add3A_65 = arith.addi %mul3A_2, %add3A_64 : i32
    "tpu.region"() ({
      %run_scoped3A = tpu.sem_alloc : memref<!tpu.dma_semaphore, #tpu.memory_space<semaphore_mem>>
      %dma_start3A_391 = tpu.memref_slice %arg2[%add3A_65] : memref<32768xi32, #tpu.memory_space<hbm>> -> memref<128xi32, #tpu.memory_space<hbm>>
      %dma_start3A_392 = tpu.memref_slice %arg2[%add3A_65] : memref<32768xi32, #tpu.memory_space<hbm>> -> memref<128xi32, #tpu.memory_space<hbm>>
      tpu.enqueue_dma source(%dma_start3A_392 : memref<128xi32, #tpu.memory_space<hbm>>) target(%arg22 : memref<128xi32, #tpu.memory_space<vmem>>) target_semaphore(%run_scoped3A : memref<!tpu.dma_semaphore, #tpu.memory_space<semaphore_mem>>)
      %dma_wait3A_393 = tpu.memref_slice %arg2[%add3A_65] : memref<32768xi32, #tpu.memory_space<hbm>> -> memref<128xi32, #tpu.memory_space<hbm>>
      %dma_wait3A_394 = tpu.memref_slice %arg2[%add3A_65] : memref<32768xi32, #tpu.memory_space<hbm>> -> memref<128xi32, #tpu.memory_space<hbm>>
      tpu.wait_dma2 semaphore(%run_scoped3A : memref<!tpu.dma_semaphore, #tpu.memory_space<semaphore_mem>>) src(%dma_wait3A_394 : memref<128xi32, #tpu.memory_space<hbm>>) dst(%arg22 : memref<128xi32, #tpu.memory_space<vmem>>)
      tpu.yield
    }) : () -> ()
    "tpu.region"() ({
      %run_scoped3A = tpu.sem_alloc : memref<!tpu.dma_semaphore, #tpu.memory_space<semaphore_mem>>
      %dma_start3A_391 = tpu.memref_slice %arg3[%add3A_65] : memref<32768xi32, #tpu.memory_space<hbm>> -> memref<128xi32, #tpu.memory_space<hbm>>
      %dma_start3A_392 = tpu.memref_slice %arg3[%add3A_65] : memref<32768xi32, #tpu.memory_space<hbm>> -> memref<128xi32, #tpu.memory_space<hbm>>
      tpu.enqueue_dma source(%dma_start3A_392 : memref<128xi32, #tpu.memory_space<hbm>>) target(%arg25 : memref<128xi32, #tpu.memory_space<vmem>>) target_semaphore(%run_scoped3A : memref<!tpu.dma_semaphore, #tpu.memory_space<semaphore_mem>>)
      %dma_wait3A_393 = tpu.memref_slice %arg3[%add3A_65] : memref<32768xi32, #tpu.memory_space<hbm>> -> memref<128xi32, #tpu.memory_space<hbm>>
      %dma_wait3A_394 = tpu.memref_slice %arg3[%add3A_65] : memref<32768xi32, #tpu.memory_space<hbm>> -> memref<128xi32, #tpu.memory_space<hbm>>
      tpu.wait_dma2 semaphore(%run_scoped3A : memref<!tpu.dma_semaphore, #tpu.memory_space<semaphore_mem>>) src(%dma_wait3A_394 : memref<128xi32, #tpu.memory_space<hbm>>) dst(%arg25 : memref<128xi32, #tpu.memory_space<vmem>>)
      tpu.yield
    }) : () -> ()
    %dma_start3A_66 = arith.constant 0 : i32
    %dma_start3A_67 = arith.constant 0 : i32
    %dma_start3A_68 = tpu.memref_slice %arg7[%dma_start3A_66, %dma_start3A_67] : memref<100000x128xf32, #tpu.memory_space<hbm>> -> memref<100000x128xf32, #tpu.memory_space<hbm>>
    tpu.enqueue_indirect_dma source(%dma_start3A_68 : memref<100000x128xf32, #tpu.memory_space<hbm>>) target(%arg14 : memref<128x128xf32, #tpu.memory_space<vmem>>) offsets(%arg22 : memref<128xi32, #tpu.memory_space<vmem>>) semaphore(%arg32 : memref<!tpu.dma_semaphore, #tpu.memory_space<semaphore_mem>>)
    %dma_start3A_69 = arith.constant 0 : i32
    %dma_start3A_70 = arith.constant 0 : i32
    %dma_start3A_71 = tpu.memref_slice %arg7[%dma_start3A_69, %dma_start3A_70] : memref<100000x128xf32, #tpu.memory_space<hbm>> -> memref<100000x128xf32, #tpu.memory_space<hbm>>
    tpu.enqueue_indirect_dma source(%dma_start3A_71 : memref<100000x128xf32, #tpu.memory_space<hbm>>) target(%arg17 : memref<128x128xf32, #tpu.memory_space<vmem>>) offsets(%arg25 : memref<128xi32, #tpu.memory_space<vmem>>) semaphore(%arg32 : memref<!tpu.dma_semaphore, #tpu.memory_space<semaphore_mem>>)
    %dma_wait3A_72 = arith.constant 0 : i32
    %dma_wait3A_73 = arith.constant 0 : i32
    %dma_wait3A_74 = tpu.memref_slice %arg7[%dma_wait3A_72, %dma_wait3A_73] : memref<100000x128xf32, #tpu.memory_space<hbm>> -> memref<100000x128xf32, #tpu.memory_space<hbm>>
    tpu.wait_indirect_dma semaphore(%arg33 : memref<!tpu.dma_semaphore, #tpu.memory_space<semaphore_mem>>) src(%dma_wait3A_74 : memref<100000x128xf32, #tpu.memory_space<hbm>>) dst(%arg15 : memref<128x128xf32, #tpu.memory_space<vmem>>)
    %dma_wait3A_75 = arith.constant 0 : i32
    %dma_wait3A_76 = arith.constant 0 : i32
    %dma_wait3A_77 = tpu.memref_slice %arg7[%dma_wait3A_75, %dma_wait3A_76] : memref<100000x128xf32, #tpu.memory_space<hbm>> -> memref<100000x128xf32, #tpu.memory_space<hbm>>
    tpu.wait_indirect_dma semaphore(%arg33 : memref<!tpu.dma_semaphore, #tpu.memory_space<semaphore_mem>>) src(%dma_wait3A_77 : memref<100000x128xf32, #tpu.memory_space<hbm>>) dst(%arg18 : memref<128x128xf32, #tpu.memory_space<vmem>>)
    %scan3A_78 = arith.constant 0 : i32
    %scan3A_79 = arith.constant 0 : i32
    %scan3A_80 = arith.constant 8 : i32
    %scan3A_81 = arith.addi %scan3A_79, %scan3A_80 : i32
    %scan3A_82 = arith.constant 1 : i32
    %scan3A_83 = scf.for %scan3A_391 = %scan3A_79 to %scan3A_81 step %scan3A_82 iter_args(%scan3A_392 = %scan3A_78) -> (i32)  : i32 {
      %mul3A_393 = arith.constant 16 : i32
      %mul3A_394 = arith.muli %scan3A_391, %mul3A_393 : i32
      %add3A_395 = vector.broadcast %mul3A_394 : i32 to vector<16xi32>
      %add3A_396 = arith.addi %add3A_395, %iota3A : vector<16xi32>
      %broadcast_in_dim3A_397 = arith.constant 0.000000e+00 : f32
      %broadcast_in_dim3A_398 = vector.broadcast %broadcast_in_dim3A_397 : f32 to vector<16xf32>
      %scan3A_399 = arith.constant 0 : i32
      %scan3A_400 = arith.constant 16 : i32
      %scan3A_401 = arith.addi %scan3A_399, %scan3A_400 : i32
      %scan3A_402 = arith.constant 1 : i32
      %scan3A_403:2 = scf.for %scan3A_413 = %scan3A_399 to %scan3A_401 step %scan3A_402 iter_args(%scan3A_414 = %broadcast_in_dim3A_398, %scan3A_415 = %broadcast_in_dim3A_398) -> (vector<16xf32>, vector<16xf32>)  : i32 {
        %mul3A_416 = arith.constant 8 : i32
        %mul3A_417 = arith.muli %scan3A_413, %mul3A_416 : i32
        %add3A_418 = arith.constant 0 : i32
        %add3A_419 = arith.addi %mul3A_417, %add3A_418 : i32
        %add3A_420 = vector.broadcast %add3A_419 : i32 to vector<16xi32>
        %add3A_421 = arith.addi %iota3A, %add3A_420 : vector<16xi32>
        %and3A = arith.constant 127 : i32
        %and3A_422 = vector.broadcast %and3A : i32 to vector<16xi32>
        %and3A_423 = arith.andi %add3A_421, %and3A_422 : vector<16xi32>
        %gather3A_424 = tpu.vector_load_idx %arg15[%add3A_396, %and3A_423] : memref<128x128xf32, #tpu.memory_space<vmem>>[vector<16xi32>, vector<16xi32>], vector<16xf32>,
        %gather3A_425 = tpu.vector_load_idx %arg18[%add3A_396, %and3A_423] : memref<128x128xf32, #tpu.memory_space<vmem>>[vector<16xi32>, vector<16xi32>], vector<16xf32>,
        %mul3A_426 = arith.mulf %gather3A_424, %gather3A_425 : vector<16xf32>
        %add3A_427 = arith.addf %scan3A_414, %mul3A_426 : vector<16xf32>
        %mul3A_428 = arith.constant 8 : i32
        %mul3A_429 = arith.muli %scan3A_413, %mul3A_428 : i32
        %add3A_430 = arith.constant 1 : i32
        %add3A_431 = arith.addi %mul3A_429, %add3A_430 : i32
        %add3A_432 = vector.broadcast %add3A_431 : i32 to vector<16xi32>
        %add3A_433 = arith.addi %iota3A, %add3A_432 : vector<16xi32>
        %and3A_434 = arith.constant 127 : i32
        %and3A_435 = vector.broadcast %and3A_434 : i32 to vector<16xi32>
        %and3A_436 = arith.andi %add3A_433, %and3A_435 : vector<16xi32>
        %gather3A_437 = tpu.vector_load_idx %arg15[%add3A_396, %and3A_436] : memref<128x128xf32, #tpu.memory_space<vmem>>[vector<16xi32>, vector<16xi32>], vector<16xf32>,
        %gather3A_438 = tpu.vector_load_idx %arg18[%add3A_396, %and3A_436] : memref<128x128xf32, #tpu.memory_space<vmem>>[vector<16xi32>, vector<16xi32>], vector<16xf32>,
        %mul3A_439 = arith.mulf %gather3A_437, %gather3A_438 : vector<16xf32>
        %add3A_440 = arith.addf %scan3A_415, %mul3A_439 : vector<16xf32>
        %mul3A_441 = arith.constant 8 : i32
        %mul3A_442 = arith.muli %scan3A_413, %mul3A_441 : i32
        %add3A_443 = arith.constant 2 : i32
        %add3A_444 = arith.addi %mul3A_442, %add3A_443 : i32
        %add3A_445 = vector.broadcast %add3A_444 : i32 to vector<16xi32>
        %add3A_446 = arith.addi %iota3A, %add3A_445 : vector<16xi32>
        %and3A_447 = arith.constant 127 : i32
        %and3A_448 = vector.broadcast %and3A_447 : i32 to vector<16xi32>
        %and3A_449 = arith.andi %add3A_446, %and3A_448 : vector<16xi32>
        %gather3A_450 = tpu.vector_load_idx %arg15[%add3A_396, %and3A_449] : memref<128x128xf32, #tpu.memory_space<vmem>>[vector<16xi32>, vector<16xi32>], vector<16xf32>,
        %gather3A_451 = tpu.vector_load_idx %arg18[%add3A_396, %and3A_449] : memref<128x128xf32, #tpu.memory_space<vmem>>[vector<16xi32>, vector<16xi32>], vector<16xf32>,
        %mul3A_452 = arith.mulf %gather3A_450, %gather3A_451 : vector<16xf32>
        %add3A_453 = arith.addf %add3A_427, %mul3A_452 : vector<16xf32>
        %mul3A_454 = arith.constant 8 : i32
        %mul3A_455 = arith.muli %scan3A_413, %mul3A_454 : i32
        %add3A_456 = arith.constant 3 : i32
        %add3A_457 = arith.addi %mul3A_455, %add3A_456 : i32
        %add3A_458 = vector.broadcast %add3A_457 : i32 to vector<16xi32>
        %add3A_459 = arith.addi %iota3A, %add3A_458 : vector<16xi32>
        %and3A_460 = arith.constant 127 : i32
        %and3A_461 = vector.broadcast %and3A_460 : i32 to vector<16xi32>
        %and3A_462 = arith.andi %add3A_459, %and3A_461 : vector<16xi32>
        %gather3A_463 = tpu.vector_load_idx %arg15[%add3A_396, %and3A_462] : memref<128x128xf32, #tpu.memory_space<vmem>>[vector<16xi32>, vector<16xi32>], vector<16xf32>,
        %gather3A_464 = tpu.vector_load_idx %arg18[%add3A_396, %and3A_462] : memref<128x128xf32, #tpu.memory_space<vmem>>[vector<16xi32>, vector<16xi32>], vector<16xf32>,
        %mul3A_465 = arith.mulf %gather3A_463, %gather3A_464 : vector<16xf32>
        %add3A_466 = arith.addf %add3A_440, %mul3A_465 : vector<16xf32>
        %mul3A_467 = arith.constant 8 : i32
        %mul3A_468 = arith.muli %scan3A_413, %mul3A_467 : i32
        %add3A_469 = arith.constant 4 : i32
        %add3A_470 = arith.addi %mul3A_468, %add3A_469 : i32
        %add3A_471 = vector.broadcast %add3A_470 : i32 to vector<16xi32>
        %add3A_472 = arith.addi %iota3A, %add3A_471 : vector<16xi32>
        %and3A_473 = arith.constant 127 : i32
        %and3A_474 = vector.broadcast %and3A_473 : i32 to vector<16xi32>
        %and3A_475 = arith.andi %add3A_472, %and3A_474 : vector<16xi32>
        %gather3A_476 = tpu.vector_load_idx %arg15[%add3A_396, %and3A_475] : memref<128x128xf32, #tpu.memory_space<vmem>>[vector<16xi32>, vector<16xi32>], vector<16xf32>,
        %gather3A_477 = tpu.vector_load_idx %arg18[%add3A_396, %and3A_475] : memref<128x128xf32, #tpu.memory_space<vmem>>[vector<16xi32>, vector<16xi32>], vector<16xf32>,
        %mul3A_478 = arith.mulf %gather3A_476, %gather3A_477 : vector<16xf32>
        %add3A_479 = arith.addf %add3A_453, %mul3A_478 : vector<16xf32>
        %mul3A_480 = arith.constant 8 : i32
        %mul3A_481 = arith.muli %scan3A_413, %mul3A_480 : i32
        %add3A_482 = arith.constant 5 : i32
        %add3A_483 = arith.addi %mul3A_481, %add3A_482 : i32
        %add3A_484 = vector.broadcast %add3A_483 : i32 to vector<16xi32>
        %add3A_485 = arith.addi %iota3A, %add3A_484 : vector<16xi32>
        %and3A_486 = arith.constant 127 : i32
        %and3A_487 = vector.broadcast %and3A_486 : i32 to vector<16xi32>
        %and3A_488 = arith.andi %add3A_485, %and3A_487 : vector<16xi32>
        %gather3A_489 = tpu.vector_load_idx %arg15[%add3A_396, %and3A_488] : memref<128x128xf32, #tpu.memory_space<vmem>>[vector<16xi32>, vector<16xi32>], vector<16xf32>,
        %gather3A_490 = tpu.vector_load_idx %arg18[%add3A_396, %and3A_488] : memref<128x128xf32, #tpu.memory_space<vmem>>[vector<16xi32>, vector<16xi32>], vector<16xf32>,
        %mul3A_491 = arith.mulf %gather3A_489, %gather3A_490 : vector<16xf32>
        %add3A_492 = arith.addf %add3A_466, %mul3A_491 : vector<16xf32>
        %mul3A_493 = arith.constant 8 : i32
        %mul3A_494 = arith.muli %scan3A_413, %mul3A_493 : i32
        %add3A_495 = arith.constant 6 : i32
        %add3A_496 = arith.addi %mul3A_494, %add3A_495 : i32
        %add3A_497 = vector.broadcast %add3A_496 : i32 to vector<16xi32>
        %add3A_498 = arith.addi %iota3A, %add3A_497 : vector<16xi32>
        %and3A_499 = arith.constant 127 : i32
        %and3A_500 = vector.broadcast %and3A_499 : i32 to vector<16xi32>
        %and3A_501 = arith.andi %add3A_498, %and3A_500 : vector<16xi32>
        %gather3A_502 = tpu.vector_load_idx %arg15[%add3A_396, %and3A_501] : memref<128x128xf32, #tpu.memory_space<vmem>>[vector<16xi32>, vector<16xi32>], vector<16xf32>,
        %gather3A_503 = tpu.vector_load_idx %arg18[%add3A_396, %and3A_501] : memref<128x128xf32, #tpu.memory_space<vmem>>[vector<16xi32>, vector<16xi32>], vector<16xf32>,
        %mul3A_504 = arith.mulf %gather3A_502, %gather3A_503 : vector<16xf32>
        %add3A_505 = arith.addf %add3A_479, %mul3A_504 : vector<16xf32>
        %mul3A_506 = arith.constant 8 : i32
        %mul3A_507 = arith.muli %scan3A_413, %mul3A_506 : i32
        %add3A_508 = arith.constant 7 : i32
        %add3A_509 = arith.addi %mul3A_507, %add3A_508 : i32
        %add3A_510 = vector.broadcast %add3A_509 : i32 to vector<16xi32>
        %add3A_511 = arith.addi %iota3A, %add3A_510 : vector<16xi32>
        %and3A_512 = arith.constant 127 : i32
        %and3A_513 = vector.broadcast %and3A_512 : i32 to vector<16xi32>
        %and3A_514 = arith.andi %add3A_511, %and3A_513 : vector<16xi32>
        %gather3A_515 = tpu.vector_load_idx %arg15[%add3A_396, %and3A_514] : memref<128x128xf32, #tpu.memory_space<vmem>>[vector<16xi32>, vector<16xi32>], vector<16xf32>,
        %gather3A_516 = tpu.vector_load_idx %arg18[%add3A_396, %and3A_514] : memref<128x128xf32, #tpu.memory_space<vmem>>[vector<16xi32>, vector<16xi32>], vector<16xf32>,
        %mul3A_517 = arith.mulf %gather3A_515, %gather3A_516 : vector<16xf32>
        %add3A_518 = arith.addf %add3A_492, %mul3A_517 : vector<16xf32>
        scf.yield %add3A_505, %add3A_518 : vector<16xf32>, vector<16xf32>
      }
      %scan3A_404 = arith.constant 16 : i32
      %add3A_405 = arith.addf %scan3A_403#0, %scan3A_403#1 : vector<16xf32>
      %mul3A_406 = arith.constant 16 : i32
      %mul3A_407 = arith.muli %scan3A_391, %mul3A_406 : i32
      %add3A_408 = arith.constant 256 : i32
      %add3A_409 = arith.addi %add3A_408, %mul3A_407 : i32
      %swap3A_410 = arith.index_cast %add3A_409 : i32 to index
      %swap3A_411 = tpu.vector_load %arg19[%swap3A_410] {strides = array<i32>} : memref<1024xf32, #tpu.memory_space<vmem>>, vector<16xf32>,
      tpu.vector_store %arg19[%swap3A_410], %add3A_405 {strides = array<i32>} : memref<1024xf32, #tpu.memory_space<vmem>>, vector<16xf32>,
      %scan3A_412 = arith.constant 0 : i32
      scf.yield %scan3A_412 : i32
    }
    %scan3A_84 = arith.constant 8 : i32
    %add3A_85 = arith.constant 640 : i32
    %add3A_86 = arith.addi %mul3A_2, %add3A_85 : i32
    "tpu.region"() ({
      %run_scoped3A = tpu.sem_alloc : memref<!tpu.dma_semaphore, #tpu.memory_space<semaphore_mem>>
      %dma_start3A_391 = tpu.memref_slice %arg2[%add3A_86] : memref<32768xi32, #tpu.memory_space<hbm>> -> memref<128xi32, #tpu.memory_space<hbm>>
      %dma_start3A_392 = tpu.memref_slice %arg2[%add3A_86] : memref<32768xi32, #tpu.memory_space<hbm>> -> memref<128xi32, #tpu.memory_space<hbm>>
      tpu.enqueue_dma source(%dma_start3A_392 : memref<128xi32, #tpu.memory_space<hbm>>) target(%arg23 : memref<128xi32, #tpu.memory_space<vmem>>) target_semaphore(%run_scoped3A : memref<!tpu.dma_semaphore, #tpu.memory_space<semaphore_mem>>)
      %dma_wait3A_393 = tpu.memref_slice %arg2[%add3A_86] : memref<32768xi32, #tpu.memory_space<hbm>> -> memref<128xi32, #tpu.memory_space<hbm>>
      %dma_wait3A_394 = tpu.memref_slice %arg2[%add3A_86] : memref<32768xi32, #tpu.memory_space<hbm>> -> memref<128xi32, #tpu.memory_space<hbm>>
      tpu.wait_dma2 semaphore(%run_scoped3A : memref<!tpu.dma_semaphore, #tpu.memory_space<semaphore_mem>>) src(%dma_wait3A_394 : memref<128xi32, #tpu.memory_space<hbm>>) dst(%arg23 : memref<128xi32, #tpu.memory_space<vmem>>)
      tpu.yield
    }) : () -> ()
    "tpu.region"() ({
      %run_scoped3A = tpu.sem_alloc : memref<!tpu.dma_semaphore, #tpu.memory_space<semaphore_mem>>
      %dma_start3A_391 = tpu.memref_slice %arg3[%add3A_86] : memref<32768xi32, #tpu.memory_space<hbm>> -> memref<128xi32, #tpu.memory_space<hbm>>
      %dma_start3A_392 = tpu.memref_slice %arg3[%add3A_86] : memref<32768xi32, #tpu.memory_space<hbm>> -> memref<128xi32, #tpu.memory_space<hbm>>
      tpu.enqueue_dma source(%dma_start3A_392 : memref<128xi32, #tpu.memory_space<hbm>>) target(%arg26 : memref<128xi32, #tpu.memory_space<vmem>>) target_semaphore(%run_scoped3A : memref<!tpu.dma_semaphore, #tpu.memory_space<semaphore_mem>>)
      %dma_wait3A_393 = tpu.memref_slice %arg3[%add3A_86] : memref<32768xi32, #tpu.memory_space<hbm>> -> memref<128xi32, #tpu.memory_space<hbm>>
      %dma_wait3A_394 = tpu.memref_slice %arg3[%add3A_86] : memref<32768xi32, #tpu.memory_space<hbm>> -> memref<128xi32, #tpu.memory_space<hbm>>
      tpu.wait_dma2 semaphore(%run_scoped3A : memref<!tpu.dma_semaphore, #tpu.memory_space<semaphore_mem>>) src(%dma_wait3A_394 : memref<128xi32, #tpu.memory_space<hbm>>) dst(%arg26 : memref<128xi32, #tpu.memory_space<vmem>>)
      tpu.yield
    }) : () -> ()
    %dma_start3A_87 = arith.constant 0 : i32
    %dma_start3A_88 = arith.constant 0 : i32
    %dma_start3A_89 = tpu.memref_slice %arg7[%dma_start3A_87, %dma_start3A_88] : memref<100000x128xf32, #tpu.memory_space<hbm>> -> memref<100000x128xf32, #tpu.memory_space<hbm>>
    tpu.enqueue_indirect_dma source(%dma_start3A_89 : memref<100000x128xf32, #tpu.memory_space<hbm>>) target(%arg15 : memref<128x128xf32, #tpu.memory_space<vmem>>) offsets(%arg23 : memref<128xi32, #tpu.memory_space<vmem>>) semaphore(%arg33 : memref<!tpu.dma_semaphore, #tpu.memory_space<semaphore_mem>>)
    %dma_start3A_90 = arith.constant 0 : i32
    %dma_start3A_91 = arith.constant 0 : i32
    %dma_start3A_92 = tpu.memref_slice %arg7[%dma_start3A_90, %dma_start3A_91] : memref<100000x128xf32, #tpu.memory_space<hbm>> -> memref<100000x128xf32, #tpu.memory_space<hbm>>
    tpu.enqueue_indirect_dma source(%dma_start3A_92 : memref<100000x128xf32, #tpu.memory_space<hbm>>) target(%arg18 : memref<128x128xf32, #tpu.memory_space<vmem>>) offsets(%arg26 : memref<128xi32, #tpu.memory_space<vmem>>) semaphore(%arg33 : memref<!tpu.dma_semaphore, #tpu.memory_space<semaphore_mem>>)
    %dma_wait3A_93 = arith.constant 0 : i32
    %dma_wait3A_94 = arith.constant 0 : i32
    %dma_wait3A_95 = tpu.memref_slice %arg7[%dma_wait3A_93, %dma_wait3A_94] : memref<100000x128xf32, #tpu.memory_space<hbm>> -> memref<100000x128xf32, #tpu.memory_space<hbm>>
    tpu.wait_indirect_dma semaphore(%arg31 : memref<!tpu.dma_semaphore, #tpu.memory_space<semaphore_mem>>) src(%dma_wait3A_95 : memref<100000x128xf32, #tpu.memory_space<hbm>>) dst(%arg13 : memref<128x128xf32, #tpu.memory_space<vmem>>)
    %dma_wait3A_96 = arith.constant 0 : i32
    %dma_wait3A_97 = arith.constant 0 : i32
    %dma_wait3A_98 = tpu.memref_slice %arg7[%dma_wait3A_96, %dma_wait3A_97] : memref<100000x128xf32, #tpu.memory_space<hbm>> -> memref<100000x128xf32, #tpu.memory_space<hbm>>
    tpu.wait_indirect_dma semaphore(%arg31 : memref<!tpu.dma_semaphore, #tpu.memory_space<semaphore_mem>>) src(%dma_wait3A_98 : memref<100000x128xf32, #tpu.memory_space<hbm>>) dst(%arg16 : memref<128x128xf32, #tpu.memory_space<vmem>>)
    %scan3A_99 = arith.constant 0 : i32
    %scan3A_100 = arith.constant 0 : i32
    %scan3A_101 = arith.constant 8 : i32
    %scan3A_102 = arith.addi %scan3A_100, %scan3A_101 : i32
    %scan3A_103 = arith.constant 1 : i32
    %scan3A_104 = scf.for %scan3A_391 = %scan3A_100 to %scan3A_102 step %scan3A_103 iter_args(%scan3A_392 = %scan3A_99) -> (i32)  : i32 {
      %mul3A_393 = arith.constant 16 : i32
      %mul3A_394 = arith.muli %scan3A_391, %mul3A_393 : i32
      %add3A_395 = vector.broadcast %mul3A_394 : i32 to vector<16xi32>
      %add3A_396 = arith.addi %add3A_395, %iota3A : vector<16xi32>
      %broadcast_in_dim3A_397 = arith.constant 0.000000e+00 : f32
      %broadcast_in_dim3A_398 = vector.broadcast %broadcast_in_dim3A_397 : f32 to vector<16xf32>
      %scan3A_399 = arith.constant 0 : i32
      %scan3A_400 = arith.constant 16 : i32
      %scan3A_401 = arith.addi %scan3A_399, %scan3A_400 : i32
      %scan3A_402 = arith.constant 1 : i32
      %scan3A_403:2 = scf.for %scan3A_413 = %scan3A_399 to %scan3A_401 step %scan3A_402 iter_args(%scan3A_414 = %broadcast_in_dim3A_398, %scan3A_415 = %broadcast_in_dim3A_398) -> (vector<16xf32>, vector<16xf32>)  : i32 {
        %mul3A_416 = arith.constant 8 : i32
        %mul3A_417 = arith.muli %scan3A_413, %mul3A_416 : i32
        %add3A_418 = arith.constant 0 : i32
        %add3A_419 = arith.addi %mul3A_417, %add3A_418 : i32
        %add3A_420 = vector.broadcast %add3A_419 : i32 to vector<16xi32>
        %add3A_421 = arith.addi %iota3A, %add3A_420 : vector<16xi32>
        %and3A = arith.constant 127 : i32
        %and3A_422 = vector.broadcast %and3A : i32 to vector<16xi32>
        %and3A_423 = arith.andi %add3A_421, %and3A_422 : vector<16xi32>
        %gather3A_424 = tpu.vector_load_idx %arg13[%add3A_396, %and3A_423] : memref<128x128xf32, #tpu.memory_space<vmem>>[vector<16xi32>, vector<16xi32>], vector<16xf32>,
        %gather3A_425 = tpu.vector_load_idx %arg16[%add3A_396, %and3A_423] : memref<128x128xf32, #tpu.memory_space<vmem>>[vector<16xi32>, vector<16xi32>], vector<16xf32>,
        %mul3A_426 = arith.mulf %gather3A_424, %gather3A_425 : vector<16xf32>
        %add3A_427 = arith.addf %scan3A_414, %mul3A_426 : vector<16xf32>
        %mul3A_428 = arith.constant 8 : i32
        %mul3A_429 = arith.muli %scan3A_413, %mul3A_428 : i32
        %add3A_430 = arith.constant 1 : i32
        %add3A_431 = arith.addi %mul3A_429, %add3A_430 : i32
        %add3A_432 = vector.broadcast %add3A_431 : i32 to vector<16xi32>
        %add3A_433 = arith.addi %iota3A, %add3A_432 : vector<16xi32>
        %and3A_434 = arith.constant 127 : i32
        %and3A_435 = vector.broadcast %and3A_434 : i32 to vector<16xi32>
        %and3A_436 = arith.andi %add3A_433, %and3A_435 : vector<16xi32>
        %gather3A_437 = tpu.vector_load_idx %arg13[%add3A_396, %and3A_436] : memref<128x128xf32, #tpu.memory_space<vmem>>[vector<16xi32>, vector<16xi32>], vector<16xf32>,
        %gather3A_438 = tpu.vector_load_idx %arg16[%add3A_396, %and3A_436] : memref<128x128xf32, #tpu.memory_space<vmem>>[vector<16xi32>, vector<16xi32>], vector<16xf32>,
        %mul3A_439 = arith.mulf %gather3A_437, %gather3A_438 : vector<16xf32>
        %add3A_440 = arith.addf %scan3A_415, %mul3A_439 : vector<16xf32>
        %mul3A_441 = arith.constant 8 : i32
        %mul3A_442 = arith.muli %scan3A_413, %mul3A_441 : i32
        %add3A_443 = arith.constant 2 : i32
        %add3A_444 = arith.addi %mul3A_442, %add3A_443 : i32
        %add3A_445 = vector.broadcast %add3A_444 : i32 to vector<16xi32>
        %add3A_446 = arith.addi %iota3A, %add3A_445 : vector<16xi32>
        %and3A_447 = arith.constant 127 : i32
        %and3A_448 = vector.broadcast %and3A_447 : i32 to vector<16xi32>
        %and3A_449 = arith.andi %add3A_446, %and3A_448 : vector<16xi32>
        %gather3A_450 = tpu.vector_load_idx %arg13[%add3A_396, %and3A_449] : memref<128x128xf32, #tpu.memory_space<vmem>>[vector<16xi32>, vector<16xi32>], vector<16xf32>,
        %gather3A_451 = tpu.vector_load_idx %arg16[%add3A_396, %and3A_449] : memref<128x128xf32, #tpu.memory_space<vmem>>[vector<16xi32>, vector<16xi32>], vector<16xf32>,
        %mul3A_452 = arith.mulf %gather3A_450, %gather3A_451 : vector<16xf32>
        %add3A_453 = arith.addf %add3A_427, %mul3A_452 : vector<16xf32>
        %mul3A_454 = arith.constant 8 : i32
        %mul3A_455 = arith.muli %scan3A_413, %mul3A_454 : i32
        %add3A_456 = arith.constant 3 : i32
        %add3A_457 = arith.addi %mul3A_455, %add3A_456 : i32
        %add3A_458 = vector.broadcast %add3A_457 : i32 to vector<16xi32>
        %add3A_459 = arith.addi %iota3A, %add3A_458 : vector<16xi32>
        %and3A_460 = arith.constant 127 : i32
        %and3A_461 = vector.broadcast %and3A_460 : i32 to vector<16xi32>
        %and3A_462 = arith.andi %add3A_459, %and3A_461 : vector<16xi32>
        %gather3A_463 = tpu.vector_load_idx %arg13[%add3A_396, %and3A_462] : memref<128x128xf32, #tpu.memory_space<vmem>>[vector<16xi32>, vector<16xi32>], vector<16xf32>,
        %gather3A_464 = tpu.vector_load_idx %arg16[%add3A_396, %and3A_462] : memref<128x128xf32, #tpu.memory_space<vmem>>[vector<16xi32>, vector<16xi32>], vector<16xf32>,
        %mul3A_465 = arith.mulf %gather3A_463, %gather3A_464 : vector<16xf32>
        %add3A_466 = arith.addf %add3A_440, %mul3A_465 : vector<16xf32>
        %mul3A_467 = arith.constant 8 : i32
        %mul3A_468 = arith.muli %scan3A_413, %mul3A_467 : i32
        %add3A_469 = arith.constant 4 : i32
        %add3A_470 = arith.addi %mul3A_468, %add3A_469 : i32
        %add3A_471 = vector.broadcast %add3A_470 : i32 to vector<16xi32>
        %add3A_472 = arith.addi %iota3A, %add3A_471 : vector<16xi32>
        %and3A_473 = arith.constant 127 : i32
        %and3A_474 = vector.broadcast %and3A_473 : i32 to vector<16xi32>
        %and3A_475 = arith.andi %add3A_472, %and3A_474 : vector<16xi32>
        %gather3A_476 = tpu.vector_load_idx %arg13[%add3A_396, %and3A_475] : memref<128x128xf32, #tpu.memory_space<vmem>>[vector<16xi32>, vector<16xi32>], vector<16xf32>,
        %gather3A_477 = tpu.vector_load_idx %arg16[%add3A_396, %and3A_475] : memref<128x128xf32, #tpu.memory_space<vmem>>[vector<16xi32>, vector<16xi32>], vector<16xf32>,
        %mul3A_478 = arith.mulf %gather3A_476, %gather3A_477 : vector<16xf32>
        %add3A_479 = arith.addf %add3A_453, %mul3A_478 : vector<16xf32>
        %mul3A_480 = arith.constant 8 : i32
        %mul3A_481 = arith.muli %scan3A_413, %mul3A_480 : i32
        %add3A_482 = arith.constant 5 : i32
        %add3A_483 = arith.addi %mul3A_481, %add3A_482 : i32
        %add3A_484 = vector.broadcast %add3A_483 : i32 to vector<16xi32>
        %add3A_485 = arith.addi %iota3A, %add3A_484 : vector<16xi32>
        %and3A_486 = arith.constant 127 : i32
        %and3A_487 = vector.broadcast %and3A_486 : i32 to vector<16xi32>
        %and3A_488 = arith.andi %add3A_485, %and3A_487 : vector<16xi32>
        %gather3A_489 = tpu.vector_load_idx %arg13[%add3A_396, %and3A_488] : memref<128x128xf32, #tpu.memory_space<vmem>>[vector<16xi32>, vector<16xi32>], vector<16xf32>,
        %gather3A_490 = tpu.vector_load_idx %arg16[%add3A_396, %and3A_488] : memref<128x128xf32, #tpu.memory_space<vmem>>[vector<16xi32>, vector<16xi32>], vector<16xf32>,
        %mul3A_491 = arith.mulf %gather3A_489, %gather3A_490 : vector<16xf32>
        %add3A_492 = arith.addf %add3A_466, %mul3A_491 : vector<16xf32>
        %mul3A_493 = arith.constant 8 : i32
        %mul3A_494 = arith.muli %scan3A_413, %mul3A_493 : i32
        %add3A_495 = arith.constant 6 : i32
        %add3A_496 = arith.addi %mul3A_494, %add3A_495 : i32
        %add3A_497 = vector.broadcast %add3A_496 : i32 to vector<16xi32>
        %add3A_498 = arith.addi %iota3A, %add3A_497 : vector<16xi32>
        %and3A_499 = arith.constant 127 : i32
        %and3A_500 = vector.broadcast %and3A_499 : i32 to vector<16xi32>
        %and3A_501 = arith.andi %add3A_498, %and3A_500 : vector<16xi32>
        %gather3A_502 = tpu.vector_load_idx %arg13[%add3A_396, %and3A_501] : memref<128x128xf32, #tpu.memory_space<vmem>>[vector<16xi32>, vector<16xi32>], vector<16xf32>,
        %gather3A_503 = tpu.vector_load_idx %arg16[%add3A_396, %and3A_501] : memref<128x128xf32, #tpu.memory_space<vmem>>[vector<16xi32>, vector<16xi32>], vector<16xf32>,
        %mul3A_504 = arith.mulf %gather3A_502, %gather3A_503 : vector<16xf32>
        %add3A_505 = arith.addf %add3A_479, %mul3A_504 : vector<16xf32>
        %mul3A_506 = arith.constant 8 : i32
        %mul3A_507 = arith.muli %scan3A_413, %mul3A_506 : i32
        %add3A_508 = arith.constant 7 : i32
        %add3A_509 = arith.addi %mul3A_507, %add3A_508 : i32
        %add3A_510 = vector.broadcast %add3A_509 : i32 to vector<16xi32>
        %add3A_511 = arith.addi %iota3A, %add3A_510 : vector<16xi32>
        %and3A_512 = arith.constant 127 : i32
        %and3A_513 = vector.broadcast %and3A_512 : i32 to vector<16xi32>
        %and3A_514 = arith.andi %add3A_511, %and3A_513 : vector<16xi32>
        %gather3A_515 = tpu.vector_load_idx %arg13[%add3A_396, %and3A_514] : memref<128x128xf32, #tpu.memory_space<vmem>>[vector<16xi32>, vector<16xi32>], vector<16xf32>,
        %gather3A_516 = tpu.vector_load_idx %arg16[%add3A_396, %and3A_514] : memref<128x128xf32, #tpu.memory_space<vmem>>[vector<16xi32>, vector<16xi32>], vector<16xf32>,
        %mul3A_517 = arith.mulf %gather3A_515, %gather3A_516 : vector<16xf32>
        %add3A_518 = arith.addf %add3A_492, %mul3A_517 : vector<16xf32>
        scf.yield %add3A_505, %add3A_518 : vector<16xf32>, vector<16xf32>
      }
      %scan3A_404 = arith.constant 16 : i32
      %add3A_405 = arith.addf %scan3A_403#0, %scan3A_403#1 : vector<16xf32>
      %mul3A_406 = arith.constant 16 : i32
      %mul3A_407 = arith.muli %scan3A_391, %mul3A_406 : i32
      %add3A_408 = arith.constant 384 : i32
      %add3A_409 = arith.addi %add3A_408, %mul3A_407 : i32
      %swap3A_410 = arith.index_cast %add3A_409 : i32 to index
      %swap3A_411 = tpu.vector_load %arg19[%swap3A_410] {strides = array<i32>} : memref<1024xf32, #tpu.memory_space<vmem>>, vector<16xf32>,
      tpu.vector_store %arg19[%swap3A_410], %add3A_405 {strides = array<i32>} : memref<1024xf32, #tpu.memory_space<vmem>>, vector<16xf32>,
      %scan3A_412 = arith.constant 0 : i32
      scf.yield %scan3A_412 : i32
    }
    %scan3A_105 = arith.constant 8 : i32
    %add3A_106 = arith.constant 768 : i32
    %add3A_107 = arith.addi %mul3A_2, %add3A_106 : i32
    "tpu.region"() ({
      %run_scoped3A = tpu.sem_alloc : memref<!tpu.dma_semaphore, #tpu.memory_space<semaphore_mem>>
      %dma_start3A_391 = tpu.memref_slice %arg2[%add3A_107] : memref<32768xi32, #tpu.memory_space<hbm>> -> memref<128xi32, #tpu.memory_space<hbm>>
      %dma_start3A_392 = tpu.memref_slice %arg2[%add3A_107] : memref<32768xi32, #tpu.memory_space<hbm>> -> memref<128xi32, #tpu.memory_space<hbm>>
      tpu.enqueue_dma source(%dma_start3A_392 : memref<128xi32, #tpu.memory_space<hbm>>) target(%arg21 : memref<128xi32, #tpu.memory_space<vmem>>) target_semaphore(%run_scoped3A : memref<!tpu.dma_semaphore, #tpu.memory_space<semaphore_mem>>)
      %dma_wait3A_393 = tpu.memref_slice %arg2[%add3A_107] : memref<32768xi32, #tpu.memory_space<hbm>> -> memref<128xi32, #tpu.memory_space<hbm>>
      %dma_wait3A_394 = tpu.memref_slice %arg2[%add3A_107] : memref<32768xi32, #tpu.memory_space<hbm>> -> memref<128xi32, #tpu.memory_space<hbm>>
      tpu.wait_dma2 semaphore(%run_scoped3A : memref<!tpu.dma_semaphore, #tpu.memory_space<semaphore_mem>>) src(%dma_wait3A_394 : memref<128xi32, #tpu.memory_space<hbm>>) dst(%arg21 : memref<128xi32, #tpu.memory_space<vmem>>)
      tpu.yield
    }) : () -> ()
    "tpu.region"() ({
      %run_scoped3A = tpu.sem_alloc : memref<!tpu.dma_semaphore, #tpu.memory_space<semaphore_mem>>
      %dma_start3A_391 = tpu.memref_slice %arg3[%add3A_107] : memref<32768xi32, #tpu.memory_space<hbm>> -> memref<128xi32, #tpu.memory_space<hbm>>
      %dma_start3A_392 = tpu.memref_slice %arg3[%add3A_107] : memref<32768xi32, #tpu.memory_space<hbm>> -> memref<128xi32, #tpu.memory_space<hbm>>
      tpu.enqueue_dma source(%dma_start3A_392 : memref<128xi32, #tpu.memory_space<hbm>>) target(%arg24 : memref<128xi32, #tpu.memory_space<vmem>>) target_semaphore(%run_scoped3A : memref<!tpu.dma_semaphore, #tpu.memory_space<semaphore_mem>>)
      %dma_wait3A_393 = tpu.memref_slice %arg3[%add3A_107] : memref<32768xi32, #tpu.memory_space<hbm>> -> memref<128xi32, #tpu.memory_space<hbm>>
      %dma_wait3A_394 = tpu.memref_slice %arg3[%add3A_107] : memref<32768xi32, #tpu.memory_space<hbm>> -> memref<128xi32, #tpu.memory_space<hbm>>
      tpu.wait_dma2 semaphore(%run_scoped3A : memref<!tpu.dma_semaphore, #tpu.memory_space<semaphore_mem>>) src(%dma_wait3A_394 : memref<128xi32, #tpu.memory_space<hbm>>) dst(%arg24 : memref<128xi32, #tpu.memory_space<vmem>>)
      tpu.yield
    }) : () -> ()
    %dma_start3A_108 = arith.constant 0 : i32
    %dma_start3A_109 = arith.constant 0 : i32
    %dma_start3A_110 = tpu.memref_slice %arg7[%dma_start3A_108, %dma_start3A_109] : memref<100000x128xf32, #tpu.memory_space<hbm>> -> memref<100000x128xf32, #tpu.memory_space<hbm>>
    tpu.enqueue_indirect_dma source(%dma_start3A_110 : memref<100000x128xf32, #tpu.memory_space<hbm>>) target(%arg13 : memref<128x128xf32, #tpu.memory_space<vmem>>) offsets(%arg21 : memref<128xi32, #tpu.memory_space<vmem>>) semaphore(%arg31 : memref<!tpu.dma_semaphore, #tpu.memory_space<semaphore_mem>>)
    %dma_start3A_111 = arith.constant 0 : i32
    %dma_start3A_112 = arith.constant 0 : i32
    %dma_start3A_113 = tpu.memref_slice %arg7[%dma_start3A_111, %dma_start3A_112] : memref<100000x128xf32, #tpu.memory_space<hbm>> -> memref<100000x128xf32, #tpu.memory_space<hbm>>
    tpu.enqueue_indirect_dma source(%dma_start3A_113 : memref<100000x128xf32, #tpu.memory_space<hbm>>) target(%arg16 : memref<128x128xf32, #tpu.memory_space<vmem>>) offsets(%arg24 : memref<128xi32, #tpu.memory_space<vmem>>) semaphore(%arg31 : memref<!tpu.dma_semaphore, #tpu.memory_space<semaphore_mem>>)
    %dma_wait3A_114 = arith.constant 0 : i32
    %dma_wait3A_115 = arith.constant 0 : i32
    %dma_wait3A_116 = tpu.memref_slice %arg7[%dma_wait3A_114, %dma_wait3A_115] : memref<100000x128xf32, #tpu.memory_space<hbm>> -> memref<100000x128xf32, #tpu.memory_space<hbm>>
    tpu.wait_indirect_dma semaphore(%arg32 : memref<!tpu.dma_semaphore, #tpu.memory_space<semaphore_mem>>) src(%dma_wait3A_116 : memref<100000x128xf32, #tpu.memory_space<hbm>>) dst(%arg14 : memref<128x128xf32, #tpu.memory_space<vmem>>)
    %dma_wait3A_117 = arith.constant 0 : i32
    %dma_wait3A_118 = arith.constant 0 : i32
    %dma_wait3A_119 = tpu.memref_slice %arg7[%dma_wait3A_117, %dma_wait3A_118] : memref<100000x128xf32, #tpu.memory_space<hbm>> -> memref<100000x128xf32, #tpu.memory_space<hbm>>
    tpu.wait_indirect_dma semaphore(%arg32 : memref<!tpu.dma_semaphore, #tpu.memory_space<semaphore_mem>>) src(%dma_wait3A_119 : memref<100000x128xf32, #tpu.memory_space<hbm>>) dst(%arg17 : memref<128x128xf32, #tpu.memory_space<vmem>>)
    %scan3A_120 = arith.constant 0 : i32
    %scan3A_121 = arith.constant 0 : i32
    %scan3A_122 = arith.constant 8 : i32
    %scan3A_123 = arith.addi %scan3A_121, %scan3A_122 : i32
    %scan3A_124 = arith.constant 1 : i32
    %scan3A_125 = scf.for %scan3A_391 = %scan3A_121 to %scan3A_123 step %scan3A_124 iter_args(%scan3A_392 = %scan3A_120) -> (i32)  : i32 {
      %mul3A_393 = arith.constant 16 : i32
      %mul3A_394 = arith.muli %scan3A_391, %mul3A_393 : i32
      %add3A_395 = vector.broadcast %mul3A_394 : i32 to vector<16xi32>
      %add3A_396 = arith.addi %add3A_395, %iota3A : vector<16xi32>
      %broadcast_in_dim3A_397 = arith.constant 0.000000e+00 : f32
      %broadcast_in_dim3A_398 = vector.broadcast %broadcast_in_dim3A_397 : f32 to vector<16xf32>
      %scan3A_399 = arith.constant 0 : i32
      %scan3A_400 = arith.constant 16 : i32
      %scan3A_401 = arith.addi %scan3A_399, %scan3A_400 : i32
      %scan3A_402 = arith.constant 1 : i32
      %scan3A_403:2 = scf.for %scan3A_413 = %scan3A_399 to %scan3A_401 step %scan3A_402 iter_args(%scan3A_414 = %broadcast_in_dim3A_398, %scan3A_415 = %broadcast_in_dim3A_398) -> (vector<16xf32>, vector<16xf32>)  : i32 {
        %mul3A_416 = arith.constant 8 : i32
        %mul3A_417 = arith.muli %scan3A_413, %mul3A_416 : i32
        %add3A_418 = arith.constant 0 : i32
        %add3A_419 = arith.addi %mul3A_417, %add3A_418 : i32
        %add3A_420 = vector.broadcast %add3A_419 : i32 to vector<16xi32>
        %add3A_421 = arith.addi %iota3A, %add3A_420 : vector<16xi32>
        %and3A = arith.constant 127 : i32
        %and3A_422 = vector.broadcast %and3A : i32 to vector<16xi32>
        %and3A_423 = arith.andi %add3A_421, %and3A_422 : vector<16xi32>
        %gather3A_424 = tpu.vector_load_idx %arg14[%add3A_396, %and3A_423] : memref<128x128xf32, #tpu.memory_space<vmem>>[vector<16xi32>, vector<16xi32>], vector<16xf32>,
        %gather3A_425 = tpu.vector_load_idx %arg17[%add3A_396, %and3A_423] : memref<128x128xf32, #tpu.memory_space<vmem>>[vector<16xi32>, vector<16xi32>], vector<16xf32>,
        %mul3A_426 = arith.mulf %gather3A_424, %gather3A_425 : vector<16xf32>
        %add3A_427 = arith.addf %scan3A_414, %mul3A_426 : vector<16xf32>
        %mul3A_428 = arith.constant 8 : i32
        %mul3A_429 = arith.muli %scan3A_413, %mul3A_428 : i32
        %add3A_430 = arith.constant 1 : i32
        %add3A_431 = arith.addi %mul3A_429, %add3A_430 : i32
        %add3A_432 = vector.broadcast %add3A_431 : i32 to vector<16xi32>
        %add3A_433 = arith.addi %iota3A, %add3A_432 : vector<16xi32>
        %and3A_434 = arith.constant 127 : i32
        %and3A_435 = vector.broadcast %and3A_434 : i32 to vector<16xi32>
        %and3A_436 = arith.andi %add3A_433, %and3A_435 : vector<16xi32>
        %gather3A_437 = tpu.vector_load_idx %arg14[%add3A_396, %and3A_436] : memref<128x128xf32, #tpu.memory_space<vmem>>[vector<16xi32>, vector<16xi32>], vector<16xf32>,
        %gather3A_438 = tpu.vector_load_idx %arg17[%add3A_396, %and3A_436] : memref<128x128xf32, #tpu.memory_space<vmem>>[vector<16xi32>, vector<16xi32>], vector<16xf32>,
        %mul3A_439 = arith.mulf %gather3A_437, %gather3A_438 : vector<16xf32>
        %add3A_440 = arith.addf %scan3A_415, %mul3A_439 : vector<16xf32>
        %mul3A_441 = arith.constant 8 : i32
        %mul3A_442 = arith.muli %scan3A_413, %mul3A_441 : i32
        %add3A_443 = arith.constant 2 : i32
        %add3A_444 = arith.addi %mul3A_442, %add3A_443 : i32
        %add3A_445 = vector.broadcast %add3A_444 : i32 to vector<16xi32>
        %add3A_446 = arith.addi %iota3A, %add3A_445 : vector<16xi32>
        %and3A_447 = arith.constant 127 : i32
        %and3A_448 = vector.broadcast %and3A_447 : i32 to vector<16xi32>
        %and3A_449 = arith.andi %add3A_446, %and3A_448 : vector<16xi32>
        %gather3A_450 = tpu.vector_load_idx %arg14[%add3A_396, %and3A_449] : memref<128x128xf32, #tpu.memory_space<vmem>>[vector<16xi32>, vector<16xi32>], vector<16xf32>,
        %gather3A_451 = tpu.vector_load_idx %arg17[%add3A_396, %and3A_449] : memref<128x128xf32, #tpu.memory_space<vmem>>[vector<16xi32>, vector<16xi32>], vector<16xf32>,
        %mul3A_452 = arith.mulf %gather3A_450, %gather3A_451 : vector<16xf32>
        %add3A_453 = arith.addf %add3A_427, %mul3A_452 : vector<16xf32>
        %mul3A_454 = arith.constant 8 : i32
        %mul3A_455 = arith.muli %scan3A_413, %mul3A_454 : i32
        %add3A_456 = arith.constant 3 : i32
        %add3A_457 = arith.addi %mul3A_455, %add3A_456 : i32
        %add3A_458 = vector.broadcast %add3A_457 : i32 to vector<16xi32>
        %add3A_459 = arith.addi %iota3A, %add3A_458 : vector<16xi32>
        %and3A_460 = arith.constant 127 : i32
        %and3A_461 = vector.broadcast %and3A_460 : i32 to vector<16xi32>
        %and3A_462 = arith.andi %add3A_459, %and3A_461 : vector<16xi32>
        %gather3A_463 = tpu.vector_load_idx %arg14[%add3A_396, %and3A_462] : memref<128x128xf32, #tpu.memory_space<vmem>>[vector<16xi32>, vector<16xi32>], vector<16xf32>,
        %gather3A_464 = tpu.vector_load_idx %arg17[%add3A_396, %and3A_462] : memref<128x128xf32, #tpu.memory_space<vmem>>[vector<16xi32>, vector<16xi32>], vector<16xf32>,
        %mul3A_465 = arith.mulf %gather3A_463, %gather3A_464 : vector<16xf32>
        %add3A_466 = arith.addf %add3A_440, %mul3A_465 : vector<16xf32>
        %mul3A_467 = arith.constant 8 : i32
        %mul3A_468 = arith.muli %scan3A_413, %mul3A_467 : i32
        %add3A_469 = arith.constant 4 : i32
        %add3A_470 = arith.addi %mul3A_468, %add3A_469 : i32
        %add3A_471 = vector.broadcast %add3A_470 : i32 to vector<16xi32>
        %add3A_472 = arith.addi %iota3A, %add3A_471 : vector<16xi32>
        %and3A_473 = arith.constant 127 : i32
        %and3A_474 = vector.broadcast %and3A_473 : i32 to vector<16xi32>
        %and3A_475 = arith.andi %add3A_472, %and3A_474 : vector<16xi32>
        %gather3A_476 = tpu.vector_load_idx %arg14[%add3A_396, %and3A_475] : memref<128x128xf32, #tpu.memory_space<vmem>>[vector<16xi32>, vector<16xi32>], vector<16xf32>,
        %gather3A_477 = tpu.vector_load_idx %arg17[%add3A_396, %and3A_475] : memref<128x128xf32, #tpu.memory_space<vmem>>[vector<16xi32>, vector<16xi32>], vector<16xf32>,
        %mul3A_478 = arith.mulf %gather3A_476, %gather3A_477 : vector<16xf32>
        %add3A_479 = arith.addf %add3A_453, %mul3A_478 : vector<16xf32>
        %mul3A_480 = arith.constant 8 : i32
        %mul3A_481 = arith.muli %scan3A_413, %mul3A_480 : i32
        %add3A_482 = arith.constant 5 : i32
        %add3A_483 = arith.addi %mul3A_481, %add3A_482 : i32
        %add3A_484 = vector.broadcast %add3A_483 : i32 to vector<16xi32>
        %add3A_485 = arith.addi %iota3A, %add3A_484 : vector<16xi32>
        %and3A_486 = arith.constant 127 : i32
        %and3A_487 = vector.broadcast %and3A_486 : i32 to vector<16xi32>
        %and3A_488 = arith.andi %add3A_485, %and3A_487 : vector<16xi32>
        %gather3A_489 = tpu.vector_load_idx %arg14[%add3A_396, %and3A_488] : memref<128x128xf32, #tpu.memory_space<vmem>>[vector<16xi32>, vector<16xi32>], vector<16xf32>,
        %gather3A_490 = tpu.vector_load_idx %arg17[%add3A_396, %and3A_488] : memref<128x128xf32, #tpu.memory_space<vmem>>[vector<16xi32>, vector<16xi32>], vector<16xf32>,
        %mul3A_491 = arith.mulf %gather3A_489, %gather3A_490 : vector<16xf32>
        %add3A_492 = arith.addf %add3A_466, %mul3A_491 : vector<16xf32>
        %mul3A_493 = arith.constant 8 : i32
        %mul3A_494 = arith.muli %scan3A_413, %mul3A_493 : i32
        %add3A_495 = arith.constant 6 : i32
        %add3A_496 = arith.addi %mul3A_494, %add3A_495 : i32
        %add3A_497 = vector.broadcast %add3A_496 : i32 to vector<16xi32>
        %add3A_498 = arith.addi %iota3A, %add3A_497 : vector<16xi32>
        %and3A_499 = arith.constant 127 : i32
        %and3A_500 = vector.broadcast %and3A_499 : i32 to vector<16xi32>
        %and3A_501 = arith.andi %add3A_498, %and3A_500 : vector<16xi32>
        %gather3A_502 = tpu.vector_load_idx %arg14[%add3A_396, %and3A_501] : memref<128x128xf32, #tpu.memory_space<vmem>>[vector<16xi32>, vector<16xi32>], vector<16xf32>,
        %gather3A_503 = tpu.vector_load_idx %arg17[%add3A_396, %and3A_501] : memref<128x128xf32, #tpu.memory_space<vmem>>[vector<16xi32>, vector<16xi32>], vector<16xf32>,
        %mul3A_504 = arith.mulf %gather3A_502, %gather3A_503 : vector<16xf32>
        %add3A_505 = arith.addf %add3A_479, %mul3A_504 : vector<16xf32>
        %mul3A_506 = arith.constant 8 : i32
        %mul3A_507 = arith.muli %scan3A_413, %mul3A_506 : i32
        %add3A_508 = arith.constant 7 : i32
        %add3A_509 = arith.addi %mul3A_507, %add3A_508 : i32
        %add3A_510 = vector.broadcast %add3A_509 : i32 to vector<16xi32>
        %add3A_511 = arith.addi %iota3A, %add3A_510 : vector<16xi32>
        %and3A_512 = arith.constant 127 : i32
        %and3A_513 = vector.broadcast %and3A_512 : i32 to vector<16xi32>
        %and3A_514 = arith.andi %add3A_511, %and3A_513 : vector<16xi32>
        %gather3A_515 = tpu.vector_load_idx %arg14[%add3A_396, %and3A_514] : memref<128x128xf32, #tpu.memory_space<vmem>>[vector<16xi32>, vector<16xi32>], vector<16xf32>,
        %gather3A_516 = tpu.vector_load_idx %arg17[%add3A_396, %and3A_514] : memref<128x128xf32, #tpu.memory_space<vmem>>[vector<16xi32>, vector<16xi32>], vector<16xf32>,
        %mul3A_517 = arith.mulf %gather3A_515, %gather3A_516 : vector<16xf32>
        %add3A_518 = arith.addf %add3A_492, %mul3A_517 : vector<16xf32>
        scf.yield %add3A_505, %add3A_518 : vector<16xf32>, vector<16xf32>
      }
      %scan3A_404 = arith.constant 16 : i32
      %add3A_405 = arith.addf %scan3A_403#0, %scan3A_403#1 : vector<16xf32>
      %mul3A_406 = arith.constant 16 : i32
      %mul3A_407 = arith.muli %scan3A_391, %mul3A_406 : i32
      %add3A_408 = arith.constant 512 : i32
      %add3A_409 = arith.addi %add3A_408, %mul3A_407 : i32
      %swap3A_410 = arith.index_cast %add3A_409 : i32 to index
      %swap3A_411 = tpu.vector_load %arg19[%swap3A_410] {strides = array<i32>} : memref<1024xf32, #tpu.memory_space<vmem>>, vector<16xf32>,
      tpu.vector_store %arg19[%swap3A_410], %add3A_405 {strides = array<i32>} : memref<1024xf32, #tpu.memory_space<vmem>>, vector<16xf32>,
      %scan3A_412 = arith.constant 0 : i32
      scf.yield %scan3A_412 : i32
    }
    %scan3A_126 = arith.constant 8 : i32
    %add3A_127 = arith.constant 896 : i32
    %add3A_128 = arith.addi %mul3A_2, %add3A_127 : i32
    "tpu.region"() ({
      %run_scoped3A = tpu.sem_alloc : memref<!tpu.dma_semaphore, #tpu.memory_space<semaphore_mem>>
      %dma_start3A_391 = tpu.memref_slice %arg2[%add3A_128] : memref<32768xi32, #tpu.memory_space<hbm>> -> memref<128xi32, #tpu.memory_space<hbm>>
      %dma_start3A_392 = tpu.memref_slice %arg2[%add3A_128] : memref<32768xi32, #tpu.memory_space<hbm>> -> memref<128xi32, #tpu.memory_space<hbm>>
      tpu.enqueue_dma source(%dma_start3A_392 : memref<128xi32, #tpu.memory_space<hbm>>) target(%arg22 : memref<128xi32, #tpu.memory_space<vmem>>) target_semaphore(%run_scoped3A : memref<!tpu.dma_semaphore, #tpu.memory_space<semaphore_mem>>)
      %dma_wait3A_393 = tpu.memref_slice %arg2[%add3A_128] : memref<32768xi32, #tpu.memory_space<hbm>> -> memref<128xi32, #tpu.memory_space<hbm>>
      %dma_wait3A_394 = tpu.memref_slice %arg2[%add3A_128] : memref<32768xi32, #tpu.memory_space<hbm>> -> memref<128xi32, #tpu.memory_space<hbm>>
      tpu.wait_dma2 semaphore(%run_scoped3A : memref<!tpu.dma_semaphore, #tpu.memory_space<semaphore_mem>>) src(%dma_wait3A_394 : memref<128xi32, #tpu.memory_space<hbm>>) dst(%arg22 : memref<128xi32, #tpu.memory_space<vmem>>)
      tpu.yield
    }) : () -> ()
    "tpu.region"() ({
      %run_scoped3A = tpu.sem_alloc : memref<!tpu.dma_semaphore, #tpu.memory_space<semaphore_mem>>
      %dma_start3A_391 = tpu.memref_slice %arg3[%add3A_128] : memref<32768xi32, #tpu.memory_space<hbm>> -> memref<128xi32, #tpu.memory_space<hbm>>
      %dma_start3A_392 = tpu.memref_slice %arg3[%add3A_128] : memref<32768xi32, #tpu.memory_space<hbm>> -> memref<128xi32, #tpu.memory_space<hbm>>
      tpu.enqueue_dma source(%dma_start3A_392 : memref<128xi32, #tpu.memory_space<hbm>>) target(%arg25 : memref<128xi32, #tpu.memory_space<vmem>>) target_semaphore(%run_scoped3A : memref<!tpu.dma_semaphore, #tpu.memory_space<semaphore_mem>>)
      %dma_wait3A_393 = tpu.memref_slice %arg3[%add3A_128] : memref<32768xi32, #tpu.memory_space<hbm>> -> memref<128xi32, #tpu.memory_space<hbm>>
      %dma_wait3A_394 = tpu.memref_slice %arg3[%add3A_128] : memref<32768xi32, #tpu.memory_space<hbm>> -> memref<128xi32, #tpu.memory_space<hbm>>
      tpu.wait_dma2 semaphore(%run_scoped3A : memref<!tpu.dma_semaphore, #tpu.memory_space<semaphore_mem>>) src(%dma_wait3A_394 : memref<128xi32, #tpu.memory_space<hbm>>) dst(%arg25 : memref<128xi32, #tpu.memory_space<vmem>>)
      tpu.yield
    }) : () -> ()
    %dma_start3A_129 = arith.constant 0 : i32
    %dma_start3A_130 = arith.constant 0 : i32
    %dma_start3A_131 = tpu.memref_slice %arg7[%dma_start3A_129, %dma_start3A_130] : memref<100000x128xf32, #tpu.memory_space<hbm>> -> memref<100000x128xf32, #tpu.memory_space<hbm>>
    tpu.enqueue_indirect_dma source(%dma_start3A_131 : memref<100000x128xf32, #tpu.memory_space<hbm>>) target(%arg14 : memref<128x128xf32, #tpu.memory_space<vmem>>) offsets(%arg22 : memref<128xi32, #tpu.memory_space<vmem>>) semaphore(%arg32 : memref<!tpu.dma_semaphore, #tpu.memory_space<semaphore_mem>>)
    %dma_start3A_132 = arith.constant 0 : i32
    %dma_start3A_133 = arith.constant 0 : i32
    %dma_start3A_134 = tpu.memref_slice %arg7[%dma_start3A_132, %dma_start3A_133] : memref<100000x128xf32, #tpu.memory_space<hbm>> -> memref<100000x128xf32, #tpu.memory_space<hbm>>
    tpu.enqueue_indirect_dma source(%dma_start3A_134 : memref<100000x128xf32, #tpu.memory_space<hbm>>) target(%arg17 : memref<128x128xf32, #tpu.memory_space<vmem>>) offsets(%arg25 : memref<128xi32, #tpu.memory_space<vmem>>) semaphore(%arg32 : memref<!tpu.dma_semaphore, #tpu.memory_space<semaphore_mem>>)
    %dma_wait3A_135 = arith.constant 0 : i32
    %dma_wait3A_136 = arith.constant 0 : i32
    %dma_wait3A_137 = tpu.memref_slice %arg7[%dma_wait3A_135, %dma_wait3A_136] : memref<100000x128xf32, #tpu.memory_space<hbm>> -> memref<100000x128xf32, #tpu.memory_space<hbm>>
    tpu.wait_indirect_dma semaphore(%arg33 : memref<!tpu.dma_semaphore, #tpu.memory_space<semaphore_mem>>) src(%dma_wait3A_137 : memref<100000x128xf32, #tpu.memory_space<hbm>>) dst(%arg15 : memref<128x128xf32, #tpu.memory_space<vmem>>)
    %dma_wait3A_138 = arith.constant 0 : i32
    %dma_wait3A_139 = arith.constant 0 : i32
    %dma_wait3A_140 = tpu.memref_slice %arg7[%dma_wait3A_138, %dma_wait3A_139] : memref<100000x128xf32, #tpu.memory_space<hbm>> -> memref<100000x128xf32, #tpu.memory_space<hbm>>
    tpu.wait_indirect_dma semaphore(%arg33 : memref<!tpu.dma_semaphore, #tpu.memory_space<semaphore_mem>>) src(%dma_wait3A_140 : memref<100000x128xf32, #tpu.memory_space<hbm>>) dst(%arg18 : memref<128x128xf32, #tpu.memory_space<vmem>>)
    %scan3A_141 = arith.constant 0 : i32
    %scan3A_142 = arith.constant 0 : i32
    %scan3A_143 = arith.constant 8 : i32
    %scan3A_144 = arith.addi %scan3A_142, %scan3A_143 : i32
    %scan3A_145 = arith.constant 1 : i32
    %scan3A_146 = scf.for %scan3A_391 = %scan3A_142 to %scan3A_144 step %scan3A_145 iter_args(%scan3A_392 = %scan3A_141) -> (i32)  : i32 {
      %mul3A_393 = arith.constant 16 : i32
      %mul3A_394 = arith.muli %scan3A_391, %mul3A_393 : i32
      %add3A_395 = vector.broadcast %mul3A_394 : i32 to vector<16xi32>
      %add3A_396 = arith.addi %add3A_395, %iota3A : vector<16xi32>
      %broadcast_in_dim3A_397 = arith.constant 0.000000e+00 : f32
      %broadcast_in_dim3A_398 = vector.broadcast %broadcast_in_dim3A_397 : f32 to vector<16xf32>
      %scan3A_399 = arith.constant 0 : i32
      %scan3A_400 = arith.constant 16 : i32
      %scan3A_401 = arith.addi %scan3A_399, %scan3A_400 : i32
      %scan3A_402 = arith.constant 1 : i32
      %scan3A_403:2 = scf.for %scan3A_413 = %scan3A_399 to %scan3A_401 step %scan3A_402 iter_args(%scan3A_414 = %broadcast_in_dim3A_398, %scan3A_415 = %broadcast_in_dim3A_398) -> (vector<16xf32>, vector<16xf32>)  : i32 {
        %mul3A_416 = arith.constant 8 : i32
        %mul3A_417 = arith.muli %scan3A_413, %mul3A_416 : i32
        %add3A_418 = arith.constant 0 : i32
        %add3A_419 = arith.addi %mul3A_417, %add3A_418 : i32
        %add3A_420 = vector.broadcast %add3A_419 : i32 to vector<16xi32>
        %add3A_421 = arith.addi %iota3A, %add3A_420 : vector<16xi32>
        %and3A = arith.constant 127 : i32
        %and3A_422 = vector.broadcast %and3A : i32 to vector<16xi32>
        %and3A_423 = arith.andi %add3A_421, %and3A_422 : vector<16xi32>
        %gather3A_424 = tpu.vector_load_idx %arg15[%add3A_396, %and3A_423] : memref<128x128xf32, #tpu.memory_space<vmem>>[vector<16xi32>, vector<16xi32>], vector<16xf32>,
        %gather3A_425 = tpu.vector_load_idx %arg18[%add3A_396, %and3A_423] : memref<128x128xf32, #tpu.memory_space<vmem>>[vector<16xi32>, vector<16xi32>], vector<16xf32>,
        %mul3A_426 = arith.mulf %gather3A_424, %gather3A_425 : vector<16xf32>
        %add3A_427 = arith.addf %scan3A_414, %mul3A_426 : vector<16xf32>
        %mul3A_428 = arith.constant 8 : i32
        %mul3A_429 = arith.muli %scan3A_413, %mul3A_428 : i32
        %add3A_430 = arith.constant 1 : i32
        %add3A_431 = arith.addi %mul3A_429, %add3A_430 : i32
        %add3A_432 = vector.broadcast %add3A_431 : i32 to vector<16xi32>
        %add3A_433 = arith.addi %iota3A, %add3A_432 : vector<16xi32>
        %and3A_434 = arith.constant 127 : i32
        %and3A_435 = vector.broadcast %and3A_434 : i32 to vector<16xi32>
        %and3A_436 = arith.andi %add3A_433, %and3A_435 : vector<16xi32>
        %gather3A_437 = tpu.vector_load_idx %arg15[%add3A_396, %and3A_436] : memref<128x128xf32, #tpu.memory_space<vmem>>[vector<16xi32>, vector<16xi32>], vector<16xf32>,
        %gather3A_438 = tpu.vector_load_idx %arg18[%add3A_396, %and3A_436] : memref<128x128xf32, #tpu.memory_space<vmem>>[vector<16xi32>, vector<16xi32>], vector<16xf32>,
        %mul3A_439 = arith.mulf %gather3A_437, %gather3A_438 : vector<16xf32>
        %add3A_440 = arith.addf %scan3A_415, %mul3A_439 : vector<16xf32>
        %mul3A_441 = arith.constant 8 : i32
        %mul3A_442 = arith.muli %scan3A_413, %mul3A_441 : i32
        %add3A_443 = arith.constant 2 : i32
        %add3A_444 = arith.addi %mul3A_442, %add3A_443 : i32
        %add3A_445 = vector.broadcast %add3A_444 : i32 to vector<16xi32>
        %add3A_446 = arith.addi %iota3A, %add3A_445 : vector<16xi32>
        %and3A_447 = arith.constant 127 : i32
        %and3A_448 = vector.broadcast %and3A_447 : i32 to vector<16xi32>
        %and3A_449 = arith.andi %add3A_446, %and3A_448 : vector<16xi32>
        %gather3A_450 = tpu.vector_load_idx %arg15[%add3A_396, %and3A_449] : memref<128x128xf32, #tpu.memory_space<vmem>>[vector<16xi32>, vector<16xi32>], vector<16xf32>,
        %gather3A_451 = tpu.vector_load_idx %arg18[%add3A_396, %and3A_449] : memref<128x128xf32, #tpu.memory_space<vmem>>[vector<16xi32>, vector<16xi32>], vector<16xf32>,
        %mul3A_452 = arith.mulf %gather3A_450, %gather3A_451 : vector<16xf32>
        %add3A_453 = arith.addf %add3A_427, %mul3A_452 : vector<16xf32>
        %mul3A_454 = arith.constant 8 : i32
        %mul3A_455 = arith.muli %scan3A_413, %mul3A_454 : i32
        %add3A_456 = arith.constant 3 : i32
        %add3A_457 = arith.addi %mul3A_455, %add3A_456 : i32
        %add3A_458 = vector.broadcast %add3A_457 : i32 to vector<16xi32>
        %add3A_459 = arith.addi %iota3A, %add3A_458 : vector<16xi32>
        %and3A_460 = arith.constant 127 : i32
        %and3A_461 = vector.broadcast %and3A_460 : i32 to vector<16xi32>
        %and3A_462 = arith.andi %add3A_459, %and3A_461 : vector<16xi32>
        %gather3A_463 = tpu.vector_load_idx %arg15[%add3A_396, %and3A_462] : memref<128x128xf32, #tpu.memory_space<vmem>>[vector<16xi32>, vector<16xi32>], vector<16xf32>,
        %gather3A_464 = tpu.vector_load_idx %arg18[%add3A_396, %and3A_462] : memref<128x128xf32, #tpu.memory_space<vmem>>[vector<16xi32>, vector<16xi32>], vector<16xf32>,
        %mul3A_465 = arith.mulf %gather3A_463, %gather3A_464 : vector<16xf32>
        %add3A_466 = arith.addf %add3A_440, %mul3A_465 : vector<16xf32>
        %mul3A_467 = arith.constant 8 : i32
        %mul3A_468 = arith.muli %scan3A_413, %mul3A_467 : i32
        %add3A_469 = arith.constant 4 : i32
        %add3A_470 = arith.addi %mul3A_468, %add3A_469 : i32
        %add3A_471 = vector.broadcast %add3A_470 : i32 to vector<16xi32>
        %add3A_472 = arith.addi %iota3A, %add3A_471 : vector<16xi32>
        %and3A_473 = arith.constant 127 : i32
        %and3A_474 = vector.broadcast %and3A_473 : i32 to vector<16xi32>
        %and3A_475 = arith.andi %add3A_472, %and3A_474 : vector<16xi32>
        %gather3A_476 = tpu.vector_load_idx %arg15[%add3A_396, %and3A_475] : memref<128x128xf32, #tpu.memory_space<vmem>>[vector<16xi32>, vector<16xi32>], vector<16xf32>,
        %gather3A_477 = tpu.vector_load_idx %arg18[%add3A_396, %and3A_475] : memref<128x128xf32, #tpu.memory_space<vmem>>[vector<16xi32>, vector<16xi32>], vector<16xf32>,
        %mul3A_478 = arith.mulf %gather3A_476, %gather3A_477 : vector<16xf32>
        %add3A_479 = arith.addf %add3A_453, %mul3A_478 : vector<16xf32>
        %mul3A_480 = arith.constant 8 : i32
        %mul3A_481 = arith.muli %scan3A_413, %mul3A_480 : i32
        %add3A_482 = arith.constant 5 : i32
        %add3A_483 = arith.addi %mul3A_481, %add3A_482 : i32
        %add3A_484 = vector.broadcast %add3A_483 : i32 to vector<16xi32>
        %add3A_485 = arith.addi %iota3A, %add3A_484 : vector<16xi32>
        %and3A_486 = arith.constant 127 : i32
        %and3A_487 = vector.broadcast %and3A_486 : i32 to vector<16xi32>
        %and3A_488 = arith.andi %add3A_485, %and3A_487 : vector<16xi32>
        %gather3A_489 = tpu.vector_load_idx %arg15[%add3A_396, %and3A_488] : memref<128x128xf32, #tpu.memory_space<vmem>>[vector<16xi32>, vector<16xi32>], vector<16xf32>,
        %gather3A_490 = tpu.vector_load_idx %arg18[%add3A_396, %and3A_488] : memref<128x128xf32, #tpu.memory_space<vmem>>[vector<16xi32>, vector<16xi32>], vector<16xf32>,
        %mul3A_491 = arith.mulf %gather3A_489, %gather3A_490 : vector<16xf32>
        %add3A_492 = arith.addf %add3A_466, %mul3A_491 : vector<16xf32>
        %mul3A_493 = arith.constant 8 : i32
        %mul3A_494 = arith.muli %scan3A_413, %mul3A_493 : i32
        %add3A_495 = arith.constant 6 : i32
        %add3A_496 = arith.addi %mul3A_494, %add3A_495 : i32
        %add3A_497 = vector.broadcast %add3A_496 : i32 to vector<16xi32>
        %add3A_498 = arith.addi %iota3A, %add3A_497 : vector<16xi32>
        %and3A_499 = arith.constant 127 : i32
        %and3A_500 = vector.broadcast %and3A_499 : i32 to vector<16xi32>
        %and3A_501 = arith.andi %add3A_498, %and3A_500 : vector<16xi32>
        %gather3A_502 = tpu.vector_load_idx %arg15[%add3A_396, %and3A_501] : memref<128x128xf32, #tpu.memory_space<vmem>>[vector<16xi32>, vector<16xi32>], vector<16xf32>,
        %gather3A_503 = tpu.vector_load_idx %arg18[%add3A_396, %and3A_501] : memref<128x128xf32, #tpu.memory_space<vmem>>[vector<16xi32>, vector<16xi32>], vector<16xf32>,
        %mul3A_504 = arith.mulf %gather3A_502, %gather3A_503 : vector<16xf32>
        %add3A_505 = arith.addf %add3A_479, %mul3A_504 : vector<16xf32>
        %mul3A_506 = arith.constant 8 : i32
        %mul3A_507 = arith.muli %scan3A_413, %mul3A_506 : i32
        %add3A_508 = arith.constant 7 : i32
        %add3A_509 = arith.addi %mul3A_507, %add3A_508 : i32
        %add3A_510 = vector.broadcast %add3A_509 : i32 to vector<16xi32>
        %add3A_511 = arith.addi %iota3A, %add3A_510 : vector<16xi32>
        %and3A_512 = arith.constant 127 : i32
        %and3A_513 = vector.broadcast %and3A_512 : i32 to vector<16xi32>
        %and3A_514 = arith.andi %add3A_511, %and3A_513 : vector<16xi32>
        %gather3A_515 = tpu.vector_load_idx %arg15[%add3A_396, %and3A_514] : memref<128x128xf32, #tpu.memory_space<vmem>>[vector<16xi32>, vector<16xi32>], vector<16xf32>,
        %gather3A_516 = tpu.vector_load_idx %arg18[%add3A_396, %and3A_514] : memref<128x128xf32, #tpu.memory_space<vmem>>[vector<16xi32>, vector<16xi32>], vector<16xf32>,
        %mul3A_517 = arith.mulf %gather3A_515, %gather3A_516 : vector<16xf32>
        %add3A_518 = arith.addf %add3A_492, %mul3A_517 : vector<16xf32>
        scf.yield %add3A_505, %add3A_518 : vector<16xf32>, vector<16xf32>
      }
      %scan3A_404 = arith.constant 16 : i32
      %add3A_405 = arith.addf %scan3A_403#0, %scan3A_403#1 : vector<16xf32>
      %mul3A_406 = arith.constant 16 : i32
      %mul3A_407 = arith.muli %scan3A_391, %mul3A_406 : i32
      %add3A_408 = arith.constant 640 : i32
      %add3A_409 = arith.addi %add3A_408, %mul3A_407 : i32
      %swap3A_410 = arith.index_cast %add3A_409 : i32 to index
      %swap3A_411 = tpu.vector_load %arg19[%swap3A_410] {strides = array<i32>} : memref<1024xf32, #tpu.memory_space<vmem>>, vector<16xf32>,
      tpu.vector_store %arg19[%swap3A_410], %add3A_405 {strides = array<i32>} : memref<1024xf32, #tpu.memory_space<vmem>>, vector<16xf32>,
      %scan3A_412 = arith.constant 0 : i32
      scf.yield %scan3A_412 : i32
    }
    %scan3A_147 = arith.constant 8 : i32
    %dma_wait3A_148 = arith.constant 0 : i32
    %dma_wait3A_149 = arith.constant 0 : i32
    %dma_wait3A_150 = tpu.memref_slice %arg7[%dma_wait3A_148, %dma_wait3A_149] : memref<100000x128xf32, #tpu.memory_space<hbm>> -> memref<100000x128xf32, #tpu.memory_space<hbm>>
    tpu.wait_indirect_dma semaphore(%arg31 : memref<!tpu.dma_semaphore, #tpu.memory_space<semaphore_mem>>) src(%dma_wait3A_150 : memref<100000x128xf32, #tpu.memory_space<hbm>>) dst(%arg13 : memref<128x128xf32, #tpu.memory_space<vmem>>)
    %dma_wait3A_151 = arith.constant 0 : i32
    %dma_wait3A_152 = arith.constant 0 : i32
    %dma_wait3A_153 = tpu.memref_slice %arg7[%dma_wait3A_151, %dma_wait3A_152] : memref<100000x128xf32, #tpu.memory_space<hbm>> -> memref<100000x128xf32, #tpu.memory_space<hbm>>
    tpu.wait_indirect_dma semaphore(%arg31 : memref<!tpu.dma_semaphore, #tpu.memory_space<semaphore_mem>>) src(%dma_wait3A_153 : memref<100000x128xf32, #tpu.memory_space<hbm>>) dst(%arg16 : memref<128x128xf32, #tpu.memory_space<vmem>>)
    %scan3A_154 = arith.constant 0 : i32
    %scan3A_155 = arith.constant 0 : i32
    %scan3A_156 = arith.constant 8 : i32
    %scan3A_157 = arith.addi %scan3A_155, %scan3A_156 : i32
    %scan3A_158 = arith.constant 1 : i32
    %scan3A_159 = scf.for %scan3A_391 = %scan3A_155 to %scan3A_157 step %scan3A_158 iter_args(%scan3A_392 = %scan3A_154) -> (i32)  : i32 {
      %mul3A_393 = arith.constant 16 : i32
      %mul3A_394 = arith.muli %scan3A_391, %mul3A_393 : i32
      %add3A_395 = vector.broadcast %mul3A_394 : i32 to vector<16xi32>
      %add3A_396 = arith.addi %add3A_395, %iota3A : vector<16xi32>
      %broadcast_in_dim3A_397 = arith.constant 0.000000e+00 : f32
      %broadcast_in_dim3A_398 = vector.broadcast %broadcast_in_dim3A_397 : f32 to vector<16xf32>
      %scan3A_399 = arith.constant 0 : i32
      %scan3A_400 = arith.constant 16 : i32
      %scan3A_401 = arith.addi %scan3A_399, %scan3A_400 : i32
      %scan3A_402 = arith.constant 1 : i32
      %scan3A_403:2 = scf.for %scan3A_413 = %scan3A_399 to %scan3A_401 step %scan3A_402 iter_args(%scan3A_414 = %broadcast_in_dim3A_398, %scan3A_415 = %broadcast_in_dim3A_398) -> (vector<16xf32>, vector<16xf32>)  : i32 {
        %mul3A_416 = arith.constant 8 : i32
        %mul3A_417 = arith.muli %scan3A_413, %mul3A_416 : i32
        %add3A_418 = arith.constant 0 : i32
        %add3A_419 = arith.addi %mul3A_417, %add3A_418 : i32
        %add3A_420 = vector.broadcast %add3A_419 : i32 to vector<16xi32>
        %add3A_421 = arith.addi %iota3A, %add3A_420 : vector<16xi32>
        %and3A = arith.constant 127 : i32
        %and3A_422 = vector.broadcast %and3A : i32 to vector<16xi32>
        %and3A_423 = arith.andi %add3A_421, %and3A_422 : vector<16xi32>
        %gather3A_424 = tpu.vector_load_idx %arg13[%add3A_396, %and3A_423] : memref<128x128xf32, #tpu.memory_space<vmem>>[vector<16xi32>, vector<16xi32>], vector<16xf32>,
        %gather3A_425 = tpu.vector_load_idx %arg16[%add3A_396, %and3A_423] : memref<128x128xf32, #tpu.memory_space<vmem>>[vector<16xi32>, vector<16xi32>], vector<16xf32>,
        %mul3A_426 = arith.mulf %gather3A_424, %gather3A_425 : vector<16xf32>
        %add3A_427 = arith.addf %scan3A_414, %mul3A_426 : vector<16xf32>
        %mul3A_428 = arith.constant 8 : i32
        %mul3A_429 = arith.muli %scan3A_413, %mul3A_428 : i32
        %add3A_430 = arith.constant 1 : i32
        %add3A_431 = arith.addi %mul3A_429, %add3A_430 : i32
        %add3A_432 = vector.broadcast %add3A_431 : i32 to vector<16xi32>
        %add3A_433 = arith.addi %iota3A, %add3A_432 : vector<16xi32>
        %and3A_434 = arith.constant 127 : i32
        %and3A_435 = vector.broadcast %and3A_434 : i32 to vector<16xi32>
        %and3A_436 = arith.andi %add3A_433, %and3A_435 : vector<16xi32>
        %gather3A_437 = tpu.vector_load_idx %arg13[%add3A_396, %and3A_436] : memref<128x128xf32, #tpu.memory_space<vmem>>[vector<16xi32>, vector<16xi32>], vector<16xf32>,
        %gather3A_438 = tpu.vector_load_idx %arg16[%add3A_396, %and3A_436] : memref<128x128xf32, #tpu.memory_space<vmem>>[vector<16xi32>, vector<16xi32>], vector<16xf32>,
        %mul3A_439 = arith.mulf %gather3A_437, %gather3A_438 : vector<16xf32>
        %add3A_440 = arith.addf %scan3A_415, %mul3A_439 : vector<16xf32>
        %mul3A_441 = arith.constant 8 : i32
        %mul3A_442 = arith.muli %scan3A_413, %mul3A_441 : i32
        %add3A_443 = arith.constant 2 : i32
        %add3A_444 = arith.addi %mul3A_442, %add3A_443 : i32
        %add3A_445 = vector.broadcast %add3A_444 : i32 to vector<16xi32>
        %add3A_446 = arith.addi %iota3A, %add3A_445 : vector<16xi32>
        %and3A_447 = arith.constant 127 : i32
        %and3A_448 = vector.broadcast %and3A_447 : i32 to vector<16xi32>
        %and3A_449 = arith.andi %add3A_446, %and3A_448 : vector<16xi32>
        %gather3A_450 = tpu.vector_load_idx %arg13[%add3A_396, %and3A_449] : memref<128x128xf32, #tpu.memory_space<vmem>>[vector<16xi32>, vector<16xi32>], vector<16xf32>,
        %gather3A_451 = tpu.vector_load_idx %arg16[%add3A_396, %and3A_449] : memref<128x128xf32, #tpu.memory_space<vmem>>[vector<16xi32>, vector<16xi32>], vector<16xf32>,
        %mul3A_452 = arith.mulf %gather3A_450, %gather3A_451 : vector<16xf32>
        %add3A_453 = arith.addf %add3A_427, %mul3A_452 : vector<16xf32>
        %mul3A_454 = arith.constant 8 : i32
        %mul3A_455 = arith.muli %scan3A_413, %mul3A_454 : i32
        %add3A_456 = arith.constant 3 : i32
        %add3A_457 = arith.addi %mul3A_455, %add3A_456 : i32
        %add3A_458 = vector.broadcast %add3A_457 : i32 to vector<16xi32>
        %add3A_459 = arith.addi %iota3A, %add3A_458 : vector<16xi32>
        %and3A_460 = arith.constant 127 : i32
        %and3A_461 = vector.broadcast %and3A_460 : i32 to vector<16xi32>
        %and3A_462 = arith.andi %add3A_459, %and3A_461 : vector<16xi32>
        %gather3A_463 = tpu.vector_load_idx %arg13[%add3A_396, %and3A_462] : memref<128x128xf32, #tpu.memory_space<vmem>>[vector<16xi32>, vector<16xi32>], vector<16xf32>,
        %gather3A_464 = tpu.vector_load_idx %arg16[%add3A_396, %and3A_462] : memref<128x128xf32, #tpu.memory_space<vmem>>[vector<16xi32>, vector<16xi32>], vector<16xf32>,
        %mul3A_465 = arith.mulf %gather3A_463, %gather3A_464 : vector<16xf32>
        %add3A_466 = arith.addf %add3A_440, %mul3A_465 : vector<16xf32>
        %mul3A_467 = arith.constant 8 : i32
        %mul3A_468 = arith.muli %scan3A_413, %mul3A_467 : i32
        %add3A_469 = arith.constant 4 : i32
        %add3A_470 = arith.addi %mul3A_468, %add3A_469 : i32
        %add3A_471 = vector.broadcast %add3A_470 : i32 to vector<16xi32>
        %add3A_472 = arith.addi %iota3A, %add3A_471 : vector<16xi32>
        %and3A_473 = arith.constant 127 : i32
        %and3A_474 = vector.broadcast %and3A_473 : i32 to vector<16xi32>
        %and3A_475 = arith.andi %add3A_472, %and3A_474 : vector<16xi32>
        %gather3A_476 = tpu.vector_load_idx %arg13[%add3A_396, %and3A_475] : memref<128x128xf32, #tpu.memory_space<vmem>>[vector<16xi32>, vector<16xi32>], vector<16xf32>,
        %gather3A_477 = tpu.vector_load_idx %arg16[%add3A_396, %and3A_475] : memref<128x128xf32, #tpu.memory_space<vmem>>[vector<16xi32>, vector<16xi32>], vector<16xf32>,
        %mul3A_478 = arith.mulf %gather3A_476, %gather3A_477 : vector<16xf32>
        %add3A_479 = arith.addf %add3A_453, %mul3A_478 : vector<16xf32>
        %mul3A_480 = arith.constant 8 : i32
        %mul3A_481 = arith.muli %scan3A_413, %mul3A_480 : i32
        %add3A_482 = arith.constant 5 : i32
        %add3A_483 = arith.addi %mul3A_481, %add3A_482 : i32
        %add3A_484 = vector.broadcast %add3A_483 : i32 to vector<16xi32>
        %add3A_485 = arith.addi %iota3A, %add3A_484 : vector<16xi32>
        %and3A_486 = arith.constant 127 : i32
        %and3A_487 = vector.broadcast %and3A_486 : i32 to vector<16xi32>
        %and3A_488 = arith.andi %add3A_485, %and3A_487 : vector<16xi32>
        %gather3A_489 = tpu.vector_load_idx %arg13[%add3A_396, %and3A_488] : memref<128x128xf32, #tpu.memory_space<vmem>>[vector<16xi32>, vector<16xi32>], vector<16xf32>,
        %gather3A_490 = tpu.vector_load_idx %arg16[%add3A_396, %and3A_488] : memref<128x128xf32, #tpu.memory_space<vmem>>[vector<16xi32>, vector<16xi32>], vector<16xf32>,
        %mul3A_491 = arith.mulf %gather3A_489, %gather3A_490 : vector<16xf32>
        %add3A_492 = arith.addf %add3A_466, %mul3A_491 : vector<16xf32>
        %mul3A_493 = arith.constant 8 : i32
        %mul3A_494 = arith.muli %scan3A_413, %mul3A_493 : i32
        %add3A_495 = arith.constant 6 : i32
        %add3A_496 = arith.addi %mul3A_494, %add3A_495 : i32
        %add3A_497 = vector.broadcast %add3A_496 : i32 to vector<16xi32>
        %add3A_498 = arith.addi %iota3A, %add3A_497 : vector<16xi32>
        %and3A_499 = arith.constant 127 : i32
        %and3A_500 = vector.broadcast %and3A_499 : i32 to vector<16xi32>
        %and3A_501 = arith.andi %add3A_498, %and3A_500 : vector<16xi32>
        %gather3A_502 = tpu.vector_load_idx %arg13[%add3A_396, %and3A_501] : memref<128x128xf32, #tpu.memory_space<vmem>>[vector<16xi32>, vector<16xi32>], vector<16xf32>,
        %gather3A_503 = tpu.vector_load_idx %arg16[%add3A_396, %and3A_501] : memref<128x128xf32, #tpu.memory_space<vmem>>[vector<16xi32>, vector<16xi32>], vector<16xf32>,
        %mul3A_504 = arith.mulf %gather3A_502, %gather3A_503 : vector<16xf32>
        %add3A_505 = arith.addf %add3A_479, %mul3A_504 : vector<16xf32>
        %mul3A_506 = arith.constant 8 : i32
        %mul3A_507 = arith.muli %scan3A_413, %mul3A_506 : i32
        %add3A_508 = arith.constant 7 : i32
        %add3A_509 = arith.addi %mul3A_507, %add3A_508 : i32
        %add3A_510 = vector.broadcast %add3A_509 : i32 to vector<16xi32>
        %add3A_511 = arith.addi %iota3A, %add3A_510 : vector<16xi32>
        %and3A_512 = arith.constant 127 : i32
        %and3A_513 = vector.broadcast %and3A_512 : i32 to vector<16xi32>
        %and3A_514 = arith.andi %add3A_511, %and3A_513 : vector<16xi32>
        %gather3A_515 = tpu.vector_load_idx %arg13[%add3A_396, %and3A_514] : memref<128x128xf32, #tpu.memory_space<vmem>>[vector<16xi32>, vector<16xi32>], vector<16xf32>,
        %gather3A_516 = tpu.vector_load_idx %arg16[%add3A_396, %and3A_514] : memref<128x128xf32, #tpu.memory_space<vmem>>[vector<16xi32>, vector<16xi32>], vector<16xf32>,
        %mul3A_517 = arith.mulf %gather3A_515, %gather3A_516 : vector<16xf32>
        %add3A_518 = arith.addf %add3A_492, %mul3A_517 : vector<16xf32>
        scf.yield %add3A_505, %add3A_518 : vector<16xf32>, vector<16xf32>
      }
      %scan3A_404 = arith.constant 16 : i32
      %add3A_405 = arith.addf %scan3A_403#0, %scan3A_403#1 : vector<16xf32>
      %mul3A_406 = arith.constant 16 : i32
      %mul3A_407 = arith.muli %scan3A_391, %mul3A_406 : i32
      %add3A_408 = arith.constant 768 : i32
      %add3A_409 = arith.addi %add3A_408, %mul3A_407 : i32
      %swap3A_410 = arith.index_cast %add3A_409 : i32 to index
      %swap3A_411 = tpu.vector_load %arg19[%swap3A_410] {strides = array<i32>} : memref<1024xf32, #tpu.memory_space<vmem>>, vector<16xf32>,
      tpu.vector_store %arg19[%swap3A_410], %add3A_405 {strides = array<i32>} : memref<1024xf32, #tpu.memory_space<vmem>>, vector<16xf32>,
      %scan3A_412 = arith.constant 0 : i32
      scf.yield %scan3A_412 : i32
    }
    %scan3A_160 = arith.constant 8 : i32
    %dma_wait3A_161 = arith.constant 0 : i32
    %dma_wait3A_162 = arith.constant 0 : i32
    %dma_wait3A_163 = tpu.memref_slice %arg7[%dma_wait3A_161, %dma_wait3A_162] : memref<100000x128xf32, #tpu.memory_space<hbm>> -> memref<100000x128xf32, #tpu.memory_space<hbm>>
    tpu.wait_indirect_dma semaphore(%arg32 : memref<!tpu.dma_semaphore, #tpu.memory_space<semaphore_mem>>) src(%dma_wait3A_163 : memref<100000x128xf32, #tpu.memory_space<hbm>>) dst(%arg14 : memref<128x128xf32, #tpu.memory_space<vmem>>)
    %dma_wait3A_164 = arith.constant 0 : i32
    %dma_wait3A_165 = arith.constant 0 : i32
    %dma_wait3A_166 = tpu.memref_slice %arg7[%dma_wait3A_164, %dma_wait3A_165] : memref<100000x128xf32, #tpu.memory_space<hbm>> -> memref<100000x128xf32, #tpu.memory_space<hbm>>
    tpu.wait_indirect_dma semaphore(%arg32 : memref<!tpu.dma_semaphore, #tpu.memory_space<semaphore_mem>>) src(%dma_wait3A_166 : memref<100000x128xf32, #tpu.memory_space<hbm>>) dst(%arg17 : memref<128x128xf32, #tpu.memory_space<vmem>>)
    %scan3A_167 = arith.constant 0 : i32
    %scan3A_168 = arith.constant 0 : i32
    %scan3A_169 = arith.constant 8 : i32
    %scan3A_170 = arith.addi %scan3A_168, %scan3A_169 : i32
    %scan3A_171 = arith.constant 1 : i32
    %scan3A_172 = scf.for %scan3A_391 = %scan3A_168 to %scan3A_170 step %scan3A_171 iter_args(%scan3A_392 = %scan3A_167) -> (i32)  : i32 {
      %mul3A_393 = arith.constant 16 : i32
      %mul3A_394 = arith.muli %scan3A_391, %mul3A_393 : i32
      %add3A_395 = vector.broadcast %mul3A_394 : i32 to vector<16xi32>
      %add3A_396 = arith.addi %add3A_395, %iota3A : vector<16xi32>
      %broadcast_in_dim3A_397 = arith.constant 0.000000e+00 : f32
      %broadcast_in_dim3A_398 = vector.broadcast %broadcast_in_dim3A_397 : f32 to vector<16xf32>
      %scan3A_399 = arith.constant 0 : i32
      %scan3A_400 = arith.constant 16 : i32
      %scan3A_401 = arith.addi %scan3A_399, %scan3A_400 : i32
      %scan3A_402 = arith.constant 1 : i32
      %scan3A_403:2 = scf.for %scan3A_413 = %scan3A_399 to %scan3A_401 step %scan3A_402 iter_args(%scan3A_414 = %broadcast_in_dim3A_398, %scan3A_415 = %broadcast_in_dim3A_398) -> (vector<16xf32>, vector<16xf32>)  : i32 {
        %mul3A_416 = arith.constant 8 : i32
        %mul3A_417 = arith.muli %scan3A_413, %mul3A_416 : i32
        %add3A_418 = arith.constant 0 : i32
        %add3A_419 = arith.addi %mul3A_417, %add3A_418 : i32
        %add3A_420 = vector.broadcast %add3A_419 : i32 to vector<16xi32>
        %add3A_421 = arith.addi %iota3A, %add3A_420 : vector<16xi32>
        %and3A = arith.constant 127 : i32
        %and3A_422 = vector.broadcast %and3A : i32 to vector<16xi32>
        %and3A_423 = arith.andi %add3A_421, %and3A_422 : vector<16xi32>
        %gather3A_424 = tpu.vector_load_idx %arg14[%add3A_396, %and3A_423] : memref<128x128xf32, #tpu.memory_space<vmem>>[vector<16xi32>, vector<16xi32>], vector<16xf32>,
        %gather3A_425 = tpu.vector_load_idx %arg17[%add3A_396, %and3A_423] : memref<128x128xf32, #tpu.memory_space<vmem>>[vector<16xi32>, vector<16xi32>], vector<16xf32>,
        %mul3A_426 = arith.mulf %gather3A_424, %gather3A_425 : vector<16xf32>
        %add3A_427 = arith.addf %scan3A_414, %mul3A_426 : vector<16xf32>
        %mul3A_428 = arith.constant 8 : i32
        %mul3A_429 = arith.muli %scan3A_413, %mul3A_428 : i32
        %add3A_430 = arith.constant 1 : i32
        %add3A_431 = arith.addi %mul3A_429, %add3A_430 : i32
        %add3A_432 = vector.broadcast %add3A_431 : i32 to vector<16xi32>
        %add3A_433 = arith.addi %iota3A, %add3A_432 : vector<16xi32>
        %and3A_434 = arith.constant 127 : i32
        %and3A_435 = vector.broadcast %and3A_434 : i32 to vector<16xi32>
        %and3A_436 = arith.andi %add3A_433, %and3A_435 : vector<16xi32>
        %gather3A_437 = tpu.vector_load_idx %arg14[%add3A_396, %and3A_436] : memref<128x128xf32, #tpu.memory_space<vmem>>[vector<16xi32>, vector<16xi32>], vector<16xf32>,
        %gather3A_438 = tpu.vector_load_idx %arg17[%add3A_396, %and3A_436] : memref<128x128xf32, #tpu.memory_space<vmem>>[vector<16xi32>, vector<16xi32>], vector<16xf32>,
        %mul3A_439 = arith.mulf %gather3A_437, %gather3A_438 : vector<16xf32>
        %add3A_440 = arith.addf %scan3A_415, %mul3A_439 : vector<16xf32>
        %mul3A_441 = arith.constant 8 : i32
        %mul3A_442 = arith.muli %scan3A_413, %mul3A_441 : i32
        %add3A_443 = arith.constant 2 : i32
        %add3A_444 = arith.addi %mul3A_442, %add3A_443 : i32
        %add3A_445 = vector.broadcast %add3A_444 : i32 to vector<16xi32>
        %add3A_446 = arith.addi %iota3A, %add3A_445 : vector<16xi32>
        %and3A_447 = arith.constant 127 : i32
        %and3A_448 = vector.broadcast %and3A_447 : i32 to vector<16xi32>
        %and3A_449 = arith.andi %add3A_446, %and3A_448 : vector<16xi32>
        %gather3A_450 = tpu.vector_load_idx %arg14[%add3A_396, %and3A_449] : memref<128x128xf32, #tpu.memory_space<vmem>>[vector<16xi32>, vector<16xi32>], vector<16xf32>,
        %gather3A_451 = tpu.vector_load_idx %arg17[%add3A_396, %and3A_449] : memref<128x128xf32, #tpu.memory_space<vmem>>[vector<16xi32>, vector<16xi32>], vector<16xf32>,
        %mul3A_452 = arith.mulf %gather3A_450, %gather3A_451 : vector<16xf32>
        %add3A_453 = arith.addf %add3A_427, %mul3A_452 : vector<16xf32>
        %mul3A_454 = arith.constant 8 : i32
        %mul3A_455 = arith.muli %scan3A_413, %mul3A_454 : i32
        %add3A_456 = arith.constant 3 : i32
        %add3A_457 = arith.addi %mul3A_455, %add3A_456 : i32
        %add3A_458 = vector.broadcast %add3A_457 : i32 to vector<16xi32>
        %add3A_459 = arith.addi %iota3A, %add3A_458 : vector<16xi32>
        %and3A_460 = arith.constant 127 : i32
        %and3A_461 = vector.broadcast %and3A_460 : i32 to vector<16xi32>
        %and3A_462 = arith.andi %add3A_459, %and3A_461 : vector<16xi32>
        %gather3A_463 = tpu.vector_load_idx %arg14[%add3A_396, %and3A_462] : memref<128x128xf32, #tpu.memory_space<vmem>>[vector<16xi32>, vector<16xi32>], vector<16xf32>,
        %gather3A_464 = tpu.vector_load_idx %arg17[%add3A_396, %and3A_462] : memref<128x128xf32, #tpu.memory_space<vmem>>[vector<16xi32>, vector<16xi32>], vector<16xf32>,
        %mul3A_465 = arith.mulf %gather3A_463, %gather3A_464 : vector<16xf32>
        %add3A_466 = arith.addf %add3A_440, %mul3A_465 : vector<16xf32>
        %mul3A_467 = arith.constant 8 : i32
        %mul3A_468 = arith.muli %scan3A_413, %mul3A_467 : i32
        %add3A_469 = arith.constant 4 : i32
        %add3A_470 = arith.addi %mul3A_468, %add3A_469 : i32
        %add3A_471 = vector.broadcast %add3A_470 : i32 to vector<16xi32>
        %add3A_472 = arith.addi %iota3A, %add3A_471 : vector<16xi32>
        %and3A_473 = arith.constant 127 : i32
        %and3A_474 = vector.broadcast %and3A_473 : i32 to vector<16xi32>
        %and3A_475 = arith.andi %add3A_472, %and3A_474 : vector<16xi32>
        %gather3A_476 = tpu.vector_load_idx %arg14[%add3A_396, %and3A_475] : memref<128x128xf32, #tpu.memory_space<vmem>>[vector<16xi32>, vector<16xi32>], vector<16xf32>,
        %gather3A_477 = tpu.vector_load_idx %arg17[%add3A_396, %and3A_475] : memref<128x128xf32, #tpu.memory_space<vmem>>[vector<16xi32>, vector<16xi32>], vector<16xf32>,
        %mul3A_478 = arith.mulf %gather3A_476, %gather3A_477 : vector<16xf32>
        %add3A_479 = arith.addf %add3A_453, %mul3A_478 : vector<16xf32>
        %mul3A_480 = arith.constant 8 : i32
        %mul3A_481 = arith.muli %scan3A_413, %mul3A_480 : i32
        %add3A_482 = arith.constant 5 : i32
        %add3A_483 = arith.addi %mul3A_481, %add3A_482 : i32
        %add3A_484 = vector.broadcast %add3A_483 : i32 to vector<16xi32>
        %add3A_485 = arith.addi %iota3A, %add3A_484 : vector<16xi32>
        %and3A_486 = arith.constant 127 : i32
        %and3A_487 = vector.broadcast %and3A_486 : i32 to vector<16xi32>
        %and3A_488 = arith.andi %add3A_485, %and3A_487 : vector<16xi32>
        %gather3A_489 = tpu.vector_load_idx %arg14[%add3A_396, %and3A_488] : memref<128x128xf32, #tpu.memory_space<vmem>>[vector<16xi32>, vector<16xi32>], vector<16xf32>,
        %gather3A_490 = tpu.vector_load_idx %arg17[%add3A_396, %and3A_488] : memref<128x128xf32, #tpu.memory_space<vmem>>[vector<16xi32>, vector<16xi32>], vector<16xf32>,
        %mul3A_491 = arith.mulf %gather3A_489, %gather3A_490 : vector<16xf32>
        %add3A_492 = arith.addf %add3A_466, %mul3A_491 : vector<16xf32>
        %mul3A_493 = arith.constant 8 : i32
        %mul3A_494 = arith.muli %scan3A_413, %mul3A_493 : i32
        %add3A_495 = arith.constant 6 : i32
        %add3A_496 = arith.addi %mul3A_494, %add3A_495 : i32
        %add3A_497 = vector.broadcast %add3A_496 : i32 to vector<16xi32>
        %add3A_498 = arith.addi %iota3A, %add3A_497 : vector<16xi32>
        %and3A_499 = arith.constant 127 : i32
        %and3A_500 = vector.broadcast %and3A_499 : i32 to vector<16xi32>
        %and3A_501 = arith.andi %add3A_498, %and3A_500 : vector<16xi32>
        %gather3A_502 = tpu.vector_load_idx %arg14[%add3A_396, %and3A_501] : memref<128x128xf32, #tpu.memory_space<vmem>>[vector<16xi32>, vector<16xi32>], vector<16xf32>,
        %gather3A_503 = tpu.vector_load_idx %arg17[%add3A_396, %and3A_501] : memref<128x128xf32, #tpu.memory_space<vmem>>[vector<16xi32>, vector<16xi32>], vector<16xf32>,
        %mul3A_504 = arith.mulf %gather3A_502, %gather3A_503 : vector<16xf32>
        %add3A_505 = arith.addf %add3A_479, %mul3A_504 : vector<16xf32>
        %mul3A_506 = arith.constant 8 : i32
        %mul3A_507 = arith.muli %scan3A_413, %mul3A_506 : i32
        %add3A_508 = arith.constant 7 : i32
        %add3A_509 = arith.addi %mul3A_507, %add3A_508 : i32
        %add3A_510 = vector.broadcast %add3A_509 : i32 to vector<16xi32>
        %add3A_511 = arith.addi %iota3A, %add3A_510 : vector<16xi32>
        %and3A_512 = arith.constant 127 : i32
        %and3A_513 = vector.broadcast %and3A_512 : i32 to vector<16xi32>
        %and3A_514 = arith.andi %add3A_511, %and3A_513 : vector<16xi32>
        %gather3A_515 = tpu.vector_load_idx %arg14[%add3A_396, %and3A_514] : memref<128x128xf32, #tpu.memory_space<vmem>>[vector<16xi32>, vector<16xi32>], vector<16xf32>,
        %gather3A_516 = tpu.vector_load_idx %arg17[%add3A_396, %and3A_514] : memref<128x128xf32, #tpu.memory_space<vmem>>[vector<16xi32>, vector<16xi32>], vector<16xf32>,
        %mul3A_517 = arith.mulf %gather3A_515, %gather3A_516 : vector<16xf32>
        %add3A_518 = arith.addf %add3A_492, %mul3A_517 : vector<16xf32>
        scf.yield %add3A_505, %add3A_518 : vector<16xf32>, vector<16xf32>
      }
      %scan3A_404 = arith.constant 16 : i32
      %add3A_405 = arith.addf %scan3A_403#0, %scan3A_403#1 : vector<16xf32>
      %mul3A_406 = arith.constant 16 : i32
      %mul3A_407 = arith.muli %scan3A_391, %mul3A_406 : i32
      %add3A_408 = arith.constant 896 : i32
      %add3A_409 = arith.addi %add3A_408, %mul3A_407 : i32
      %swap3A_410 = arith.index_cast %add3A_409 : i32 to index
      %swap3A_411 = tpu.vector_load %arg19[%swap3A_410] {strides = array<i32>} : memref<1024xf32, #tpu.memory_space<vmem>>, vector<16xf32>,
      tpu.vector_store %arg19[%swap3A_410], %add3A_405 {strides = array<i32>} : memref<1024xf32, #tpu.memory_space<vmem>>, vector<16xf32>,
      %scan3A_412 = arith.constant 0 : i32
      scf.yield %scan3A_412 : i32
    }
    %scan3A_173 = arith.constant 8 : i32
    %dma_wait3A_174 = tpu.memref_slice %arg4[%mul3A_2] : memref<32768xi32, #tpu.memory_space<hbm>> -> memref<1024xi32, #tpu.memory_space<hbm>>
    %dma_wait3A_175 = tpu.memref_slice %arg4[%mul3A_2] : memref<32768xi32, #tpu.memory_space<hbm>> -> memref<1024xi32, #tpu.memory_space<hbm>>
    tpu.wait_dma2 semaphore(%arg34 : memref<!tpu.dma_semaphore, #tpu.memory_space<semaphore_mem>>) src(%dma_wait3A_175 : memref<1024xi32, #tpu.memory_space<hbm>>) dst(%arg27 : memref<1024xi32, #tpu.memory_space<vmem>>)
    %dma_wait3A_176 = tpu.memref_slice %arg5[%mul3A_2] : memref<32768xf32, #tpu.memory_space<hbm>> -> memref<1024xf32, #tpu.memory_space<hbm>>
    %dma_wait3A_177 = tpu.memref_slice %arg5[%mul3A_2] : memref<32768xf32, #tpu.memory_space<hbm>> -> memref<1024xf32, #tpu.memory_space<hbm>>
    tpu.wait_dma2 semaphore(%arg34 : memref<!tpu.dma_semaphore, #tpu.memory_space<semaphore_mem>>) src(%dma_wait3A_177 : memref<1024xf32, #tpu.memory_space<hbm>>) dst(%arg20 : memref<1024xf32, #tpu.memory_space<vmem>>)
    %dma_wait3A_178 = tpu.memref_slice %arg6[%mul3A_2] : memref<32768xi32, #tpu.memory_space<hbm>> -> memref<1024xi32, #tpu.memory_space<hbm>>
    %dma_wait3A_179 = tpu.memref_slice %arg6[%mul3A_2] : memref<32768xi32, #tpu.memory_space<hbm>> -> memref<1024xi32, #tpu.memory_space<hbm>>
    tpu.wait_dma2 semaphore(%arg34 : memref<!tpu.dma_semaphore, #tpu.memory_space<semaphore_mem>>) src(%dma_wait3A_179 : memref<1024xi32, #tpu.memory_space<hbm>>) dst(%arg35 : memref<1024xi32, #tpu.memory_space<vmem>>)
    tpu.wait_dma2 semaphore(%arg34 : memref<!tpu.dma_semaphore, #tpu.memory_space<semaphore_mem>>) src(%arg8 : memref<10000xf32, #tpu.memory_space<hbm>>) dst(%arg37 : memref<10000xf32, #tpu.memory_space<vmem>>)
    tpu.wait_dma2 semaphore(%arg34 : memref<!tpu.dma_semaphore, #tpu.memory_space<semaphore_mem>>) src(%arg9 : memref<16xf32, #tpu.memory_space<hbm>>) dst(%arg12 : memref<16xf32, #tpu.memory_space<vmem>>)
    %barrier3A = arith.constant 0 : index
    tpu.barrier barrier_id(%barrier3A)
    %get3A = arith.constant 0 : index
    %get3A_180 = tpu.vector_load %arg12[%get3A] {strides = array<i32>} : memref<16xf32, #tpu.memory_space<vmem>>, vector<16xf32>,
    %broadcast_in_dim3A = arith.constant 0.000000e+00 : f32
    %broadcast_in_dim3A_181 = vector.broadcast %broadcast_in_dim3A : f32 to vector<16xf32>
    %broadcast_in_dim3A_182 = arith.constant 0.000000e+00 : f32
    %broadcast_in_dim3A_183 = vector.broadcast %broadcast_in_dim3A_182 : f32 to vector<16xf32>
    %broadcast_in_dim3A_184 = arith.constant 0.000000e+00 : f32
    %broadcast_in_dim3A_185 = vector.broadcast %broadcast_in_dim3A_184 : f32 to vector<16xf32>
    %broadcast_in_dim3A_186 = arith.constant 0.000000e+00 : f32
    %broadcast_in_dim3A_187 = vector.broadcast %broadcast_in_dim3A_186 : f32 to vector<16xf32>
    %broadcast_in_dim3A_188 = arith.constant 0.000000e+00 : f32
    %broadcast_in_dim3A_189 = vector.broadcast %broadcast_in_dim3A_188 : f32 to vector<16xf32>
    %broadcast_in_dim3A_190 = arith.constant 0.000000e+00 : f32
    %broadcast_in_dim3A_191 = vector.broadcast %broadcast_in_dim3A_190 : f32 to vector<16xf32>
    %broadcast_in_dim3A_192 = arith.constant 0.000000e+00 : f32
    %broadcast_in_dim3A_193 = vector.broadcast %broadcast_in_dim3A_192 : f32 to vector<16xf32>
    %broadcast_in_dim3A_194 = arith.constant 0.000000e+00 : f32
    %broadcast_in_dim3A_195 = vector.broadcast %broadcast_in_dim3A_194 : f32 to vector<16xf32>
    %broadcast_in_dim3A_196 = arith.constant 0.000000e+00 : f32
    %broadcast_in_dim3A_197 = vector.broadcast %broadcast_in_dim3A_196 : f32 to vector<16xf32>
    %broadcast_in_dim3A_198 = arith.constant 0.000000e+00 : f32
    %broadcast_in_dim3A_199 = vector.broadcast %broadcast_in_dim3A_198 : f32 to vector<16xf32>
    %broadcast_in_dim3A_200 = arith.constant 0.000000e+00 : f32
    %broadcast_in_dim3A_201 = vector.broadcast %broadcast_in_dim3A_200 : f32 to vector<16xf32>
    %broadcast_in_dim3A_202 = arith.constant 0.000000e+00 : f32
    %broadcast_in_dim3A_203 = vector.broadcast %broadcast_in_dim3A_202 : f32 to vector<16xf32>
    %broadcast_in_dim3A_204 = arith.constant 0.000000e+00 : f32
    %broadcast_in_dim3A_205 = vector.broadcast %broadcast_in_dim3A_204 : f32 to vector<16xf32>
    %broadcast_in_dim3A_206 = arith.constant 0.000000e+00 : f32
    %broadcast_in_dim3A_207 = vector.broadcast %broadcast_in_dim3A_206 : f32 to vector<16xf32>
    %broadcast_in_dim3A_208 = arith.constant 0.000000e+00 : f32
    %broadcast_in_dim3A_209 = vector.broadcast %broadcast_in_dim3A_208 : f32 to vector<16xf32>
    %broadcast_in_dim3A_210 = arith.constant 0.000000e+00 : f32
    %broadcast_in_dim3A_211 = vector.broadcast %broadcast_in_dim3A_210 : f32 to vector<16xf32>
    %scan3A_212 = arith.constant 0 : i32
    %scan3A_213 = arith.constant 64 : i32
    %scan3A_214 = arith.addi %scan3A_212, %scan3A_213 : i32
    %scan3A_215 = arith.constant 1 : i32
    %scan3A_216:16 = scf.for %scan3A_391 = %scan3A_212 to %scan3A_214 step %scan3A_215 iter_args(%scan3A_392 = %broadcast_in_dim3A_181, %scan3A_393 = %broadcast_in_dim3A_183, %scan3A_394 = %broadcast_in_dim3A_185, %scan3A_395 = %broadcast_in_dim3A_187, %scan3A_396 = %broadcast_in_dim3A_189, %scan3A_397 = %broadcast_in_dim3A_191, %scan3A_398 = %broadcast_in_dim3A_193, %scan3A_399 = %broadcast_in_dim3A_195, %scan3A_400 = %broadcast_in_dim3A_197, %scan3A_401 = %broadcast_in_dim3A_199, %scan3A_402 = %broadcast_in_dim3A_201, %scan3A_403 = %broadcast_in_dim3A_203, %scan3A_404 = %broadcast_in_dim3A_205, %scan3A_405 = %broadcast_in_dim3A_207, %scan3A_406 = %broadcast_in_dim3A_209, %scan3A_407 = %broadcast_in_dim3A_211) -> (vector<16xf32>, vector<16xf32>, vector<16xf32>, vector<16xf32>, vector<16xf32>, vector<16xf32>, vector<16xf32>, vector<16xf32>, vector<16xf32>, vector<16xf32>, vector<16xf32>, vector<16xf32>, vector<16xf32>, vector<16xf32>, vector<16xf32>, vector<16xf32>)  : i32 {
      %mul3A_408 = arith.constant 16 : i32
      %mul3A_409 = arith.muli %scan3A_391, %mul3A_408 : i32
      %get3A_410 = arith.index_cast %mul3A_409 : i32 to index
      %get3A_411 = tpu.vector_load %arg27[%get3A_410] {strides = array<i32>} : memref<1024xi32, #tpu.memory_space<vmem>>, vector<16xi32>,
      %gather3A_412 = tpu.vector_load_idx %arg37[%get3A_411] : memref<10000xf32, #tpu.memory_space<vmem>>[vector<16xi32>], vector<16xf32>,
      %get3A_413 = arith.index_cast %mul3A_409 : i32 to index
      %get3A_414 = tpu.vector_load %arg20[%get3A_413] {strides = array<i32>} : memref<1024xf32, #tpu.memory_space<vmem>>, vector<16xf32>,
      %get3A_415 = arith.index_cast %mul3A_409 : i32 to index
      %get3A_416 = tpu.vector_load %arg19[%get3A_415] {strides = array<i32>} : memref<1024xf32, #tpu.memory_space<vmem>>, vector<16xf32>,
      %get3A_417 = arith.index_cast %mul3A_409 : i32 to index
      %get3A_418 = tpu.vector_load %arg35[%get3A_417] {strides = array<i32>} : memref<1024xi32, #tpu.memory_space<vmem>>, vector<16xi32>,
      %div3A = arith.divf %gather3A_412, %get3A_414 : vector<16xf32>
      %mul3A_419 = arith.mulf %div3A, %get3A_416 : vector<16xf32>
      %add3A_420 = arith.addf %mul3A_419, %get3A_180 : vector<16xf32>
      %eq3A_421 = arith.constant 0 : i32
      %eq3A_422 = vector.broadcast %eq3A_421 : i32 to vector<16xi32>
      %eq3A_423 = arith.cmpi eq, %get3A_418, %eq3A_422 : vector<16xi32>
      %jit3A = arith.constant 0.000000e+00 : f32
      %broadcast_in_dim3A_424 = vector.broadcast %jit3A : f32 to vector<16xf32>
      %select_n3A = arith.select %eq3A_423, %add3A_420, %broadcast_in_dim3A_424 : vector<16xi1>, vector<16xf32>
      %add3A_425 = arith.addf %scan3A_392, %select_n3A : vector<16xf32>
      %eq3A_426 = arith.constant 1 : i32
      %eq3A_427 = vector.broadcast %eq3A_426 : i32 to vector<16xi32>
      %eq3A_428 = arith.cmpi eq, %get3A_418, %eq3A_427 : vector<16xi32>
      %jit3A_429 = arith.constant 0.000000e+00 : f32
      %broadcast_in_dim3A_430 = vector.broadcast %jit3A_429 : f32 to vector<16xf32>
      %select_n3A_431 = arith.select %eq3A_428, %add3A_420, %broadcast_in_dim3A_430 : vector<16xi1>, vector<16xf32>
      %add3A_432 = arith.addf %scan3A_393, %select_n3A_431 : vector<16xf32>
      %eq3A_433 = arith.constant 2 : i32
      %eq3A_434 = vector.broadcast %eq3A_433 : i32 to vector<16xi32>
      %eq3A_435 = arith.cmpi eq, %get3A_418, %eq3A_434 : vector<16xi32>
      %jit3A_436 = arith.constant 0.000000e+00 : f32
      %broadcast_in_dim3A_437 = vector.broadcast %jit3A_436 : f32 to vector<16xf32>
      %select_n3A_438 = arith.select %eq3A_435, %add3A_420, %broadcast_in_dim3A_437 : vector<16xi1>, vector<16xf32>
      %add3A_439 = arith.addf %scan3A_394, %select_n3A_438 : vector<16xf32>
      %eq3A_440 = arith.constant 3 : i32
      %eq3A_441 = vector.broadcast %eq3A_440 : i32 to vector<16xi32>
      %eq3A_442 = arith.cmpi eq, %get3A_418, %eq3A_441 : vector<16xi32>
      %jit3A_443 = arith.constant 0.000000e+00 : f32
      %broadcast_in_dim3A_444 = vector.broadcast %jit3A_443 : f32 to vector<16xf32>
      %select_n3A_445 = arith.select %eq3A_442, %add3A_420, %broadcast_in_dim3A_444 : vector<16xi1>, vector<16xf32>
      %add3A_446 = arith.addf %scan3A_395, %select_n3A_445 : vector<16xf32>
      %eq3A_447 = arith.constant 4 : i32
      %eq3A_448 = vector.broadcast %eq3A_447 : i32 to vector<16xi32>
      %eq3A_449 = arith.cmpi eq, %get3A_418, %eq3A_448 : vector<16xi32>
      %jit3A_450 = arith.constant 0.000000e+00 : f32
      %broadcast_in_dim3A_451 = vector.broadcast %jit3A_450 : f32 to vector<16xf32>
      %select_n3A_452 = arith.select %eq3A_449, %add3A_420, %broadcast_in_dim3A_451 : vector<16xi1>, vector<16xf32>
      %add3A_453 = arith.addf %scan3A_396, %select_n3A_452 : vector<16xf32>
      %eq3A_454 = arith.constant 5 : i32
      %eq3A_455 = vector.broadcast %eq3A_454 : i32 to vector<16xi32>
      %eq3A_456 = arith.cmpi eq, %get3A_418, %eq3A_455 : vector<16xi32>
      %jit3A_457 = arith.constant 0.000000e+00 : f32
      %broadcast_in_dim3A_458 = vector.broadcast %jit3A_457 : f32 to vector<16xf32>
      %select_n3A_459 = arith.select %eq3A_456, %add3A_420, %broadcast_in_dim3A_458 : vector<16xi1>, vector<16xf32>
      %add3A_460 = arith.addf %scan3A_397, %select_n3A_459 : vector<16xf32>
      %eq3A_461 = arith.constant 6 : i32
      %eq3A_462 = vector.broadcast %eq3A_461 : i32 to vector<16xi32>
      %eq3A_463 = arith.cmpi eq, %get3A_418, %eq3A_462 : vector<16xi32>
      %jit3A_464 = arith.constant 0.000000e+00 : f32
      %broadcast_in_dim3A_465 = vector.broadcast %jit3A_464 : f32 to vector<16xf32>
      %select_n3A_466 = arith.select %eq3A_463, %add3A_420, %broadcast_in_dim3A_465 : vector<16xi1>, vector<16xf32>
      %add3A_467 = arith.addf %scan3A_398, %select_n3A_466 : vector<16xf32>
      %eq3A_468 = arith.constant 7 : i32
      %eq3A_469 = vector.broadcast %eq3A_468 : i32 to vector<16xi32>
      %eq3A_470 = arith.cmpi eq, %get3A_418, %eq3A_469 : vector<16xi32>
      %jit3A_471 = arith.constant 0.000000e+00 : f32
      %broadcast_in_dim3A_472 = vector.broadcast %jit3A_471 : f32 to vector<16xf32>
      %select_n3A_473 = arith.select %eq3A_470, %add3A_420, %broadcast_in_dim3A_472 : vector<16xi1>, vector<16xf32>
      %add3A_474 = arith.addf %scan3A_399, %select_n3A_473 : vector<16xf32>
      %eq3A_475 = arith.constant 8 : i32
      %eq3A_476 = vector.broadcast %eq3A_475 : i32 to vector<16xi32>
      %eq3A_477 = arith.cmpi eq, %get3A_418, %eq3A_476 : vector<16xi32>
      %jit3A_478 = arith.constant 0.000000e+00 : f32
      %broadcast_in_dim3A_479 = vector.broadcast %jit3A_478 : f32 to vector<16xf32>
      %select_n3A_480 = arith.select %eq3A_477, %add3A_420, %broadcast_in_dim3A_479 : vector<16xi1>, vector<16xf32>
      %add3A_481 = arith.addf %scan3A_400, %select_n3A_480 : vector<16xf32>
      %eq3A_482 = arith.constant 9 : i32
      %eq3A_483 = vector.broadcast %eq3A_482 : i32 to vector<16xi32>
      %eq3A_484 = arith.cmpi eq, %get3A_418, %eq3A_483 : vector<16xi32>
      %jit3A_485 = arith.constant 0.000000e+00 : f32
      %broadcast_in_dim3A_486 = vector.broadcast %jit3A_485 : f32 to vector<16xf32>
      %select_n3A_487 = arith.select %eq3A_484, %add3A_420, %broadcast_in_dim3A_486 : vector<16xi1>, vector<16xf32>
      %add3A_488 = arith.addf %scan3A_401, %select_n3A_487 : vector<16xf32>
      %eq3A_489 = arith.constant 10 : i32
      %eq3A_490 = vector.broadcast %eq3A_489 : i32 to vector<16xi32>
      %eq3A_491 = arith.cmpi eq, %get3A_418, %eq3A_490 : vector<16xi32>
      %jit3A_492 = arith.constant 0.000000e+00 : f32
      %broadcast_in_dim3A_493 = vector.broadcast %jit3A_492 : f32 to vector<16xf32>
      %select_n3A_494 = arith.select %eq3A_491, %add3A_420, %broadcast_in_dim3A_493 : vector<16xi1>, vector<16xf32>
      %add3A_495 = arith.addf %scan3A_402, %select_n3A_494 : vector<16xf32>
      %eq3A_496 = arith.constant 11 : i32
      %eq3A_497 = vector.broadcast %eq3A_496 : i32 to vector<16xi32>
      %eq3A_498 = arith.cmpi eq, %get3A_418, %eq3A_497 : vector<16xi32>
      %jit3A_499 = arith.constant 0.000000e+00 : f32
      %broadcast_in_dim3A_500 = vector.broadcast %jit3A_499 : f32 to vector<16xf32>
      %select_n3A_501 = arith.select %eq3A_498, %add3A_420, %broadcast_in_dim3A_500 : vector<16xi1>, vector<16xf32>
      %add3A_502 = arith.addf %scan3A_403, %select_n3A_501 : vector<16xf32>
      %eq3A_503 = arith.constant 12 : i32
      %eq3A_504 = vector.broadcast %eq3A_503 : i32 to vector<16xi32>
      %eq3A_505 = arith.cmpi eq, %get3A_418, %eq3A_504 : vector<16xi32>
      %jit3A_506 = arith.constant 0.000000e+00 : f32
      %broadcast_in_dim3A_507 = vector.broadcast %jit3A_506 : f32 to vector<16xf32>
      %select_n3A_508 = arith.select %eq3A_505, %add3A_420, %broadcast_in_dim3A_507 : vector<16xi1>, vector<16xf32>
      %add3A_509 = arith.addf %scan3A_404, %select_n3A_508 : vector<16xf32>
      %eq3A_510 = arith.constant 13 : i32
      %eq3A_511 = vector.broadcast %eq3A_510 : i32 to vector<16xi32>
      %eq3A_512 = arith.cmpi eq, %get3A_418, %eq3A_511 : vector<16xi32>
      %jit3A_513 = arith.constant 0.000000e+00 : f32
      %broadcast_in_dim3A_514 = vector.broadcast %jit3A_513 : f32 to vector<16xf32>
      %select_n3A_515 = arith.select %eq3A_512, %add3A_420, %broadcast_in_dim3A_514 : vector<16xi1>, vector<16xf32>
      %add3A_516 = arith.addf %scan3A_405, %select_n3A_515 : vector<16xf32>
      %eq3A_517 = arith.constant 14 : i32
      %eq3A_518 = vector.broadcast %eq3A_517 : i32 to vector<16xi32>
      %eq3A_519 = arith.cmpi eq, %get3A_418, %eq3A_518 : vector<16xi32>
      %jit3A_520 = arith.constant 0.000000e+00 : f32
      %broadcast_in_dim3A_521 = vector.broadcast %jit3A_520 : f32 to vector<16xf32>
      %select_n3A_522 = arith.select %eq3A_519, %add3A_420, %broadcast_in_dim3A_521 : vector<16xi1>, vector<16xf32>
      %add3A_523 = arith.addf %scan3A_406, %select_n3A_522 : vector<16xf32>
      %eq3A_524 = arith.constant 15 : i32
      %eq3A_525 = vector.broadcast %eq3A_524 : i32 to vector<16xi32>
      %eq3A_526 = arith.cmpi eq, %get3A_418, %eq3A_525 : vector<16xi32>
      %jit3A_527 = arith.constant 0.000000e+00 : f32
      %broadcast_in_dim3A_528 = vector.broadcast %jit3A_527 : f32 to vector<16xf32>
      %select_n3A_529 = arith.select %eq3A_526, %add3A_420, %broadcast_in_dim3A_528 : vector<16xi1>, vector<16xf32>
      %add3A_530 = arith.addf %scan3A_407, %select_n3A_529 : vector<16xf32>
      scf.yield %add3A_425, %add3A_432, %add3A_439, %add3A_446, %add3A_453, %add3A_460, %add3A_467, %add3A_474, %add3A_481, %add3A_488, %add3A_495, %add3A_502, %add3A_509, %add3A_516, %add3A_523, %add3A_530 : vector<16xf32>, vector<16xf32>, vector<16xf32>, vector<16xf32>, vector<16xf32>, vector<16xf32>, vector<16xf32>, vector<16xf32>, vector<16xf32>, vector<16xf32>, vector<16xf32>, vector<16xf32>, vector<16xf32>, vector<16xf32>, vector<16xf32>, vector<16xf32>
    }
    %scan3A_217 = arith.constant 64 : i32
    %swap3A = arith.constant 0 : index
    %swap3A_218 = tpu.vector_load %arg11[%swap3A] {strides = array<i32>} : memref<256xf32, #tpu.memory_space<vmem>>, vector<16xf32>,
    tpu.vector_store %arg11[%swap3A], %scan3A_216#0 {strides = array<i32>} : memref<256xf32, #tpu.memory_space<vmem>>, vector<16xf32>,
    %swap3A_219 = arith.constant 16 : index
    %swap3A_220 = tpu.vector_load %arg11[%swap3A_219] {strides = array<i32>} : memref<256xf32, #tpu.memory_space<vmem>>, vector<16xf32>,
    tpu.vector_store %arg11[%swap3A_219], %scan3A_216#1 {strides = array<i32>} : memref<256xf32, #tpu.memory_space<vmem>>, vector<16xf32>,
    %swap3A_221 = arith.constant 32 : index
    %swap3A_222 = tpu.vector_load %arg11[%swap3A_221] {strides = array<i32>} : memref<256xf32, #tpu.memory_space<vmem>>, vector<16xf32>,
    tpu.vector_store %arg11[%swap3A_221], %scan3A_216#2 {strides = array<i32>} : memref<256xf32, #tpu.memory_space<vmem>>, vector<16xf32>,
    %swap3A_223 = arith.constant 48 : index
    %swap3A_224 = tpu.vector_load %arg11[%swap3A_223] {strides = array<i32>} : memref<256xf32, #tpu.memory_space<vmem>>, vector<16xf32>,
    tpu.vector_store %arg11[%swap3A_223], %scan3A_216#3 {strides = array<i32>} : memref<256xf32, #tpu.memory_space<vmem>>, vector<16xf32>,
    %swap3A_225 = arith.constant 64 : index
    %swap3A_226 = tpu.vector_load %arg11[%swap3A_225] {strides = array<i32>} : memref<256xf32, #tpu.memory_space<vmem>>, vector<16xf32>,
    tpu.vector_store %arg11[%swap3A_225], %scan3A_216#4 {strides = array<i32>} : memref<256xf32, #tpu.memory_space<vmem>>, vector<16xf32>,
    %swap3A_227 = arith.constant 80 : index
    %swap3A_228 = tpu.vector_load %arg11[%swap3A_227] {strides = array<i32>} : memref<256xf32, #tpu.memory_space<vmem>>, vector<16xf32>,
    tpu.vector_store %arg11[%swap3A_227], %scan3A_216#5 {strides = array<i32>} : memref<256xf32, #tpu.memory_space<vmem>>, vector<16xf32>,
    %swap3A_229 = arith.constant 96 : index
    %swap3A_230 = tpu.vector_load %arg11[%swap3A_229] {strides = array<i32>} : memref<256xf32, #tpu.memory_space<vmem>>, vector<16xf32>,
    tpu.vector_store %arg11[%swap3A_229], %scan3A_216#6 {strides = array<i32>} : memref<256xf32, #tpu.memory_space<vmem>>, vector<16xf32>,
    %swap3A_231 = arith.constant 112 : index
    %swap3A_232 = tpu.vector_load %arg11[%swap3A_231] {strides = array<i32>} : memref<256xf32, #tpu.memory_space<vmem>>, vector<16xf32>,
    tpu.vector_store %arg11[%swap3A_231], %scan3A_216#7 {strides = array<i32>} : memref<256xf32, #tpu.memory_space<vmem>>, vector<16xf32>,
    %swap3A_233 = arith.constant 128 : index
    %swap3A_234 = tpu.vector_load %arg11[%swap3A_233] {strides = array<i32>} : memref<256xf32, #tpu.memory_space<vmem>>, vector<16xf32>,
    tpu.vector_store %arg11[%swap3A_233], %scan3A_216#8 {strides = array<i32>} : memref<256xf32, #tpu.memory_space<vmem>>, vector<16xf32>,
    %swap3A_235 = arith.constant 144 : index
    %swap3A_236 = tpu.vector_load %arg11[%swap3A_235] {strides = array<i32>} : memref<256xf32, #tpu.memory_space<vmem>>, vector<16xf32>,
    tpu.vector_store %arg11[%swap3A_235], %scan3A_216#9 {strides = array<i32>} : memref<256xf32, #tpu.memory_space<vmem>>, vector<16xf32>,
    %swap3A_237 = arith.constant 160 : index
    %swap3A_238 = tpu.vector_load %arg11[%swap3A_237] {strides = array<i32>} : memref<256xf32, #tpu.memory_space<vmem>>, vector<16xf32>,
    tpu.vector_store %arg11[%swap3A_237], %scan3A_216#10 {strides = array<i32>} : memref<256xf32, #tpu.memory_space<vmem>>, vector<16xf32>,
    %swap3A_239 = arith.constant 176 : index
    %swap3A_240 = tpu.vector_load %arg11[%swap3A_239] {strides = array<i32>} : memref<256xf32, #tpu.memory_space<vmem>>, vector<16xf32>,
    tpu.vector_store %arg11[%swap3A_239], %scan3A_216#11 {strides = array<i32>} : memref<256xf32, #tpu.memory_space<vmem>>, vector<16xf32>,
    %swap3A_241 = arith.constant 192 : index
    %swap3A_242 = tpu.vector_load %arg11[%swap3A_241] {strides = array<i32>} : memref<256xf32, #tpu.memory_space<vmem>>, vector<16xf32>,
    tpu.vector_store %arg11[%swap3A_241], %scan3A_216#12 {strides = array<i32>} : memref<256xf32, #tpu.memory_space<vmem>>, vector<16xf32>,
    %swap3A_243 = arith.constant 208 : index
    %swap3A_244 = tpu.vector_load %arg11[%swap3A_243] {strides = array<i32>} : memref<256xf32, #tpu.memory_space<vmem>>, vector<16xf32>,
    tpu.vector_store %arg11[%swap3A_243], %scan3A_216#13 {strides = array<i32>} : memref<256xf32, #tpu.memory_space<vmem>>, vector<16xf32>,
    %swap3A_245 = arith.constant 224 : index
    %swap3A_246 = tpu.vector_load %arg11[%swap3A_245] {strides = array<i32>} : memref<256xf32, #tpu.memory_space<vmem>>, vector<16xf32>,
    tpu.vector_store %arg11[%swap3A_245], %scan3A_216#14 {strides = array<i32>} : memref<256xf32, #tpu.memory_space<vmem>>, vector<16xf32>,
    %swap3A_247 = arith.constant 240 : index
    %swap3A_248 = tpu.vector_load %arg11[%swap3A_247] {strides = array<i32>} : memref<256xf32, #tpu.memory_space<vmem>>, vector<16xf32>,
    tpu.vector_store %arg11[%swap3A_247], %scan3A_216#15 {strides = array<i32>} : memref<256xf32, #tpu.memory_space<vmem>>, vector<16xf32>,
    %barrier3A_249 = arith.constant 0 : index
    tpu.barrier barrier_id(%barrier3A_249)
    %broadcast_in_dim3A_250 = arith.constant 0.000000e+00 : f32
    %broadcast_in_dim3A_251 = vector.broadcast %broadcast_in_dim3A_250 : f32 to vector<16xf32>
    %mul3A_252 = arith.constant 16 : i32
    %mul3A_253 = vector.broadcast %mul3A_252 : i32 to vector<16xi32>
    %mul3A_254 = arith.muli %iota3A, %mul3A_253 : vector<16xi32>
    %add3A_255 = arith.constant 0 : i32
    %add3A_256 = vector.broadcast %add3A_255 : i32 to vector<16xi32>
    %add3A_257 = arith.addi %mul3A_254, %add3A_256 : vector<16xi32>
    %gather3A = tpu.vector_load_idx %arg11[%add3A_257] : memref<256xf32, #tpu.memory_space<vmem>>[vector<16xi32>], vector<16xf32>,
    %add3A_258 = arith.addf %broadcast_in_dim3A_251, %gather3A : vector<16xf32>
    %mul3A_259 = arith.constant 16 : i32
    %mul3A_260 = vector.broadcast %mul3A_259 : i32 to vector<16xi32>
    %mul3A_261 = arith.muli %iota3A, %mul3A_260 : vector<16xi32>
    %add3A_262 = arith.constant 1 : i32
    %add3A_263 = vector.broadcast %add3A_262 : i32 to vector<16xi32>
    %add3A_264 = arith.addi %mul3A_261, %add3A_263 : vector<16xi32>
    %gather3A_265 = tpu.vector_load_idx %arg11[%add3A_264] : memref<256xf32, #tpu.memory_space<vmem>>[vector<16xi32>], vector<16xf32>,
    %add3A_266 = arith.addf %add3A_258, %gather3A_265 : vector<16xf32>
    %mul3A_267 = arith.constant 16 : i32
    %mul3A_268 = vector.broadcast %mul3A_267 : i32 to vector<16xi32>
    %mul3A_269 = arith.muli %iota3A, %mul3A_268 : vector<16xi32>
    %add3A_270 = arith.constant 2 : i32
    %add3A_271 = vector.broadcast %add3A_270 : i32 to vector<16xi32>
    %add3A_272 = arith.addi %mul3A_269, %add3A_271 : vector<16xi32>
    %gather3A_273 = tpu.vector_load_idx %arg11[%add3A_272] : memref<256xf32, #tpu.memory_space<vmem>>[vector<16xi32>], vector<16xf32>,
    %add3A_274 = arith.addf %add3A_266, %gather3A_273 : vector<16xf32>
    %mul3A_275 = arith.constant 16 : i32
    %mul3A_276 = vector.broadcast %mul3A_275 : i32 to vector<16xi32>
    %mul3A_277 = arith.muli %iota3A, %mul3A_276 : vector<16xi32>
    %add3A_278 = arith.constant 3 : i32
    %add3A_279 = vector.broadcast %add3A_278 : i32 to vector<16xi32>
    %add3A_280 = arith.addi %mul3A_277, %add3A_279 : vector<16xi32>
    %gather3A_281 = tpu.vector_load_idx %arg11[%add3A_280] : memref<256xf32, #tpu.memory_space<vmem>>[vector<16xi32>], vector<16xf32>,
    %add3A_282 = arith.addf %add3A_274, %gather3A_281 : vector<16xf32>
    %mul3A_283 = arith.constant 16 : i32
    %mul3A_284 = vector.broadcast %mul3A_283 : i32 to vector<16xi32>
    %mul3A_285 = arith.muli %iota3A, %mul3A_284 : vector<16xi32>
    %add3A_286 = arith.constant 4 : i32
    %add3A_287 = vector.broadcast %add3A_286 : i32 to vector<16xi32>
    %add3A_288 = arith.addi %mul3A_285, %add3A_287 : vector<16xi32>
    %gather3A_289 = tpu.vector_load_idx %arg11[%add3A_288] : memref<256xf32, #tpu.memory_space<vmem>>[vector<16xi32>], vector<16xf32>,
    %add3A_290 = arith.addf %add3A_282, %gather3A_289 : vector<16xf32>
    %mul3A_291 = arith.constant 16 : i32
    %mul3A_292 = vector.broadcast %mul3A_291 : i32 to vector<16xi32>
    %mul3A_293 = arith.muli %iota3A, %mul3A_292 : vector<16xi32>
    %add3A_294 = arith.constant 5 : i32
    %add3A_295 = vector.broadcast %add3A_294 : i32 to vector<16xi32>
    %add3A_296 = arith.addi %mul3A_293, %add3A_295 : vector<16xi32>
    %gather3A_297 = tpu.vector_load_idx %arg11[%add3A_296] : memref<256xf32, #tpu.memory_space<vmem>>[vector<16xi32>], vector<16xf32>,
    %add3A_298 = arith.addf %add3A_290, %gather3A_297 : vector<16xf32>
    %mul3A_299 = arith.constant 16 : i32
    %mul3A_300 = vector.broadcast %mul3A_299 : i32 to vector<16xi32>
    %mul3A_301 = arith.muli %iota3A, %mul3A_300 : vector<16xi32>
    %add3A_302 = arith.constant 6 : i32
    %add3A_303 = vector.broadcast %add3A_302 : i32 to vector<16xi32>
    %add3A_304 = arith.addi %mul3A_301, %add3A_303 : vector<16xi32>
    %gather3A_305 = tpu.vector_load_idx %arg11[%add3A_304] : memref<256xf32, #tpu.memory_space<vmem>>[vector<16xi32>], vector<16xf32>,
    %add3A_306 = arith.addf %add3A_298, %gather3A_305 : vector<16xf32>
    %mul3A_307 = arith.constant 16 : i32
    %mul3A_308 = vector.broadcast %mul3A_307 : i32 to vector<16xi32>
    %mul3A_309 = arith.muli %iota3A, %mul3A_308 : vector<16xi32>
    %add3A_310 = arith.constant 7 : i32
    %add3A_311 = vector.broadcast %add3A_310 : i32 to vector<16xi32>
    %add3A_312 = arith.addi %mul3A_309, %add3A_311 : vector<16xi32>
    %gather3A_313 = tpu.vector_load_idx %arg11[%add3A_312] : memref<256xf32, #tpu.memory_space<vmem>>[vector<16xi32>], vector<16xf32>,
    %add3A_314 = arith.addf %add3A_306, %gather3A_313 : vector<16xf32>
    %mul3A_315 = arith.constant 16 : i32
    %mul3A_316 = vector.broadcast %mul3A_315 : i32 to vector<16xi32>
    %mul3A_317 = arith.muli %iota3A, %mul3A_316 : vector<16xi32>
    %add3A_318 = arith.constant 8 : i32
    %add3A_319 = vector.broadcast %add3A_318 : i32 to vector<16xi32>
    %add3A_320 = arith.addi %mul3A_317, %add3A_319 : vector<16xi32>
    %gather3A_321 = tpu.vector_load_idx %arg11[%add3A_320] : memref<256xf32, #tpu.memory_space<vmem>>[vector<16xi32>], vector<16xf32>,
    %add3A_322 = arith.addf %add3A_314, %gather3A_321 : vector<16xf32>
    %mul3A_323 = arith.constant 16 : i32
    %mul3A_324 = vector.broadcast %mul3A_323 : i32 to vector<16xi32>
    %mul3A_325 = arith.muli %iota3A, %mul3A_324 : vector<16xi32>
    %add3A_326 = arith.constant 9 : i32
    %add3A_327 = vector.broadcast %add3A_326 : i32 to vector<16xi32>
    %add3A_328 = arith.addi %mul3A_325, %add3A_327 : vector<16xi32>
    %gather3A_329 = tpu.vector_load_idx %arg11[%add3A_328] : memref<256xf32, #tpu.memory_space<vmem>>[vector<16xi32>], vector<16xf32>,
    %add3A_330 = arith.addf %add3A_322, %gather3A_329 : vector<16xf32>
    %mul3A_331 = arith.constant 16 : i32
    %mul3A_332 = vector.broadcast %mul3A_331 : i32 to vector<16xi32>
    %mul3A_333 = arith.muli %iota3A, %mul3A_332 : vector<16xi32>
    %add3A_334 = arith.constant 10 : i32
    %add3A_335 = vector.broadcast %add3A_334 : i32 to vector<16xi32>
    %add3A_336 = arith.addi %mul3A_333, %add3A_335 : vector<16xi32>
    %gather3A_337 = tpu.vector_load_idx %arg11[%add3A_336] : memref<256xf32, #tpu.memory_space<vmem>>[vector<16xi32>], vector<16xf32>,
    %add3A_338 = arith.addf %add3A_330, %gather3A_337 : vector<16xf32>
    %mul3A_339 = arith.constant 16 : i32
    %mul3A_340 = vector.broadcast %mul3A_339 : i32 to vector<16xi32>
    %mul3A_341 = arith.muli %iota3A, %mul3A_340 : vector<16xi32>
    %add3A_342 = arith.constant 11 : i32
    %add3A_343 = vector.broadcast %add3A_342 : i32 to vector<16xi32>
    %add3A_344 = arith.addi %mul3A_341, %add3A_343 : vector<16xi32>
    %gather3A_345 = tpu.vector_load_idx %arg11[%add3A_344] : memref<256xf32, #tpu.memory_space<vmem>>[vector<16xi32>], vector<16xf32>,
    %add3A_346 = arith.addf %add3A_338, %gather3A_345 : vector<16xf32>
    %mul3A_347 = arith.constant 16 : i32
    %mul3A_348 = vector.broadcast %mul3A_347 : i32 to vector<16xi32>
    %mul3A_349 = arith.muli %iota3A, %mul3A_348 : vector<16xi32>
    %add3A_350 = arith.constant 12 : i32
    %add3A_351 = vector.broadcast %add3A_350 : i32 to vector<16xi32>
    %add3A_352 = arith.addi %mul3A_349, %add3A_351 : vector<16xi32>
    %gather3A_353 = tpu.vector_load_idx %arg11[%add3A_352] : memref<256xf32, #tpu.memory_space<vmem>>[vector<16xi32>], vector<16xf32>,
    %add3A_354 = arith.addf %add3A_346, %gather3A_353 : vector<16xf32>
    %mul3A_355 = arith.constant 16 : i32
    %mul3A_356 = vector.broadcast %mul3A_355 : i32 to vector<16xi32>
    %mul3A_357 = arith.muli %iota3A, %mul3A_356 : vector<16xi32>
    %add3A_358 = arith.constant 13 : i32
    %add3A_359 = vector.broadcast %add3A_358 : i32 to vector<16xi32>
    %add3A_360 = arith.addi %mul3A_357, %add3A_359 : vector<16xi32>
    %gather3A_361 = tpu.vector_load_idx %arg11[%add3A_360] : memref<256xf32, #tpu.memory_space<vmem>>[vector<16xi32>], vector<16xf32>,
    %add3A_362 = arith.addf %add3A_354, %gather3A_361 : vector<16xf32>
    %mul3A_363 = arith.constant 16 : i32
    %mul3A_364 = vector.broadcast %mul3A_363 : i32 to vector<16xi32>
    %mul3A_365 = arith.muli %iota3A, %mul3A_364 : vector<16xi32>
    %add3A_366 = arith.constant 14 : i32
    %add3A_367 = vector.broadcast %add3A_366 : i32 to vector<16xi32>
    %add3A_368 = arith.addi %mul3A_365, %add3A_367 : vector<16xi32>
    %gather3A_369 = tpu.vector_load_idx %arg11[%add3A_368] : memref<256xf32, #tpu.memory_space<vmem>>[vector<16xi32>], vector<16xf32>,
    %add3A_370 = arith.addf %add3A_362, %gather3A_369 : vector<16xf32>
    %mul3A_371 = arith.constant 16 : i32
    %mul3A_372 = vector.broadcast %mul3A_371 : i32 to vector<16xi32>
    %mul3A_373 = arith.muli %iota3A, %mul3A_372 : vector<16xi32>
    %add3A_374 = arith.constant 15 : i32
    %add3A_375 = vector.broadcast %add3A_374 : i32 to vector<16xi32>
    %add3A_376 = arith.addi %mul3A_373, %add3A_375 : vector<16xi32>
    %gather3A_377 = tpu.vector_load_idx %arg11[%add3A_376] : memref<256xf32, #tpu.memory_space<vmem>>[vector<16xi32>], vector<16xf32>,
    %add3A_378 = arith.addf %add3A_370, %gather3A_377 : vector<16xf32>
    %swap3A_379 = arith.constant 0 : index
    %swap3A_380 = tpu.vector_load %arg30[%swap3A_379] {strides = array<i32>} : memref<16xf32, #tpu.memory_space<vmem>>, vector<16xf32>,
    tpu.vector_store %arg30[%swap3A_379], %add3A_378 {strides = array<i32>} : memref<16xf32, #tpu.memory_space<vmem>>, vector<16xf32>,
    %barrier3A_381 = arith.constant 0 : index
    tpu.barrier barrier_id(%barrier3A_381)
    "tpu.region"() ({
      %run_scoped3A = tpu.sem_alloc : memref<!tpu.dma_semaphore, #tpu.memory_space<semaphore_mem>>
      %dma_start3A_391 = arith.constant 0 : i32
      %dma_start3A_392 = tpu.memref_slice %arg36[%arg1, %dma_start3A_391] : memref<16x16xf32, #tpu.memory_space<vmem_shared>> -> memref<1x16xf32, #tpu.memory_space<vmem_shared>>
      %dma_start3A_393 = tpu.memref_squeeze %dma_start3A_392 : memref<1x16xf32, #tpu.memory_space<vmem_shared>> -> memref<16xf32, #tpu.memory_space<vmem_shared>>
      %dma_start3A_394 = arith.constant 0 : i32
      %dma_start3A_395 = tpu.memref_slice %arg36[%arg1, %dma_start3A_394] : memref<16x16xf32, #tpu.memory_space<vmem_shared>> -> memref<1x16xf32, #tpu.memory_space<vmem_shared>>
      %dma_start3A_396 = tpu.memref_squeeze %dma_start3A_395 : memref<1x16xf32, #tpu.memory_space<vmem_shared>> -> memref<16xf32, #tpu.memory_space<vmem_shared>>
      tpu.enqueue_dma source(%arg30 : memref<16xf32, #tpu.memory_space<vmem>>) target(%dma_start3A_396 : memref<16xf32, #tpu.memory_space<vmem_shared>>) target_semaphore(%run_scoped3A : memref<!tpu.dma_semaphore, #tpu.memory_space<semaphore_mem>>)
      %dma_wait3A_397 = arith.constant 0 : i32
      %dma_wait3A_398 = tpu.memref_slice %arg36[%arg1, %dma_wait3A_397] : memref<16x16xf32, #tpu.memory_space<vmem_shared>> -> memref<1x16xf32, #tpu.memory_space<vmem_shared>>
      %dma_wait3A_399 = tpu.memref_squeeze %dma_wait3A_398 : memref<1x16xf32, #tpu.memory_space<vmem_shared>> -> memref<16xf32, #tpu.memory_space<vmem_shared>>
      %dma_wait3A_400 = arith.constant 0 : i32
      %dma_wait3A_401 = tpu.memref_slice %arg36[%arg1, %dma_wait3A_400] : memref<16x16xf32, #tpu.memory_space<vmem_shared>> -> memref<1x16xf32, #tpu.memory_space<vmem_shared>>
      %dma_wait3A_402 = tpu.memref_squeeze %dma_wait3A_401 : memref<1x16xf32, #tpu.memory_space<vmem_shared>> -> memref<16xf32, #tpu.memory_space<vmem_shared>>
      tpu.wait_dma2 semaphore(%run_scoped3A : memref<!tpu.dma_semaphore, #tpu.memory_space<semaphore_mem>>) src(%arg30 : memref<16xf32, #tpu.memory_space<vmem>>) dst(%dma_wait3A_402 : memref<16xf32, #tpu.memory_space<vmem_shared>>)
      tpu.yield
    }) : () -> ()
    %barrier3A_382 = arith.constant 0 : index
    tpu.barrier barrier_id(%barrier3A_382)
    %eq3A = arith.constant 0 : i32
    %eq3A_383 = arith.cmpi eq, %arg1, %eq3A : i32
    %convert_element_type3A = arith.extui %eq3A_383 : i1 to i32
    %cond3A = arith.constant 0 : i32
    %cond3A_384 = arith.cmpi ne, %convert_element_type3A, %cond3A : i32
    scf.if %cond3A_384 {
      "tpu.region"() ({
        %run_scoped3A = tpu.sem_alloc : memref<!tpu.dma_semaphore, #tpu.memory_space<semaphore_mem>>
        tpu.enqueue_dma source(%arg36 : memref<16x16xf32, #tpu.memory_space<vmem_shared>>) target(%arg28 : memref<16x16xf32, #tpu.memory_space<vmem>>) target_semaphore(%run_scoped3A : memref<!tpu.dma_semaphore, #tpu.memory_space<semaphore_mem>>)
        tpu.wait_dma2 semaphore(%run_scoped3A : memref<!tpu.dma_semaphore, #tpu.memory_space<semaphore_mem>>) src(%arg36 : memref<16x16xf32, #tpu.memory_space<vmem_shared>>) dst(%arg28 : memref<16x16xf32, #tpu.memory_space<vmem>>)
        tpu.yield
      }) : () -> ()
      %get3A_391 = arith.constant 0 : i32
      %get3A_392 = arith.index_cast %get3A_391 : i32 to index
      %get3A_393 = arith.constant 0 : index
      %get3A_394 = tpu.vector_load %arg28[%get3A_392, %get3A_393] {strides = array<i32>} : memref<16x16xf32, #tpu.memory_space<vmem>>, vector<16xf32>,
      %get3A_395 = arith.constant 1 : i32
      %get3A_396 = arith.index_cast %get3A_395 : i32 to index
      %get3A_397 = arith.constant 0 : index
      %get3A_398 = tpu.vector_load %arg28[%get3A_396, %get3A_397] {strides = array<i32>} : memref<16x16xf32, #tpu.memory_space<vmem>>, vector<16xf32>,
      %add3A_399 = arith.addf %get3A_394, %get3A_398 : vector<16xf32>
      %get3A_400 = arith.constant 2 : i32
      %get3A_401 = arith.index_cast %get3A_400 : i32 to index
      %get3A_402 = arith.constant 0 : index
      %get3A_403 = tpu.vector_load %arg28[%get3A_401, %get3A_402] {strides = array<i32>} : memref<16x16xf32, #tpu.memory_space<vmem>>, vector<16xf32>,
      %add3A_404 = arith.addf %add3A_399, %get3A_403 : vector<16xf32>
      %get3A_405 = arith.constant 3 : i32
      %get3A_406 = arith.index_cast %get3A_405 : i32 to index
      %get3A_407 = arith.constant 0 : index
      %get3A_408 = tpu.vector_load %arg28[%get3A_406, %get3A_407] {strides = array<i32>} : memref<16x16xf32, #tpu.memory_space<vmem>>, vector<16xf32>,
      %add3A_409 = arith.addf %add3A_404, %get3A_408 : vector<16xf32>
      %get3A_410 = arith.constant 4 : i32
      %get3A_411 = arith.index_cast %get3A_410 : i32 to index
      %get3A_412 = arith.constant 0 : index
      %get3A_413 = tpu.vector_load %arg28[%get3A_411, %get3A_412] {strides = array<i32>} : memref<16x16xf32, #tpu.memory_space<vmem>>, vector<16xf32>,
      %add3A_414 = arith.addf %add3A_409, %get3A_413 : vector<16xf32>
      %get3A_415 = arith.constant 5 : i32
      %get3A_416 = arith.index_cast %get3A_415 : i32 to index
      %get3A_417 = arith.constant 0 : index
      %get3A_418 = tpu.vector_load %arg28[%get3A_416, %get3A_417] {strides = array<i32>} : memref<16x16xf32, #tpu.memory_space<vmem>>, vector<16xf32>,
      %add3A_419 = arith.addf %add3A_414, %get3A_418 : vector<16xf32>
      %get3A_420 = arith.constant 6 : i32
      %get3A_421 = arith.index_cast %get3A_420 : i32 to index
      %get3A_422 = arith.constant 0 : index
      %get3A_423 = tpu.vector_load %arg28[%get3A_421, %get3A_422] {strides = array<i32>} : memref<16x16xf32, #tpu.memory_space<vmem>>, vector<16xf32>,
      %add3A_424 = arith.addf %add3A_419, %get3A_423 : vector<16xf32>
      %get3A_425 = arith.constant 7 : i32
      %get3A_426 = arith.index_cast %get3A_425 : i32 to index
      %get3A_427 = arith.constant 0 : index
      %get3A_428 = tpu.vector_load %arg28[%get3A_426, %get3A_427] {strides = array<i32>} : memref<16x16xf32, #tpu.memory_space<vmem>>, vector<16xf32>,
      %add3A_429 = arith.addf %add3A_424, %get3A_428 : vector<16xf32>
      %get3A_430 = arith.constant 8 : i32
      %get3A_431 = arith.index_cast %get3A_430 : i32 to index
      %get3A_432 = arith.constant 0 : index
      %get3A_433 = tpu.vector_load %arg28[%get3A_431, %get3A_432] {strides = array<i32>} : memref<16x16xf32, #tpu.memory_space<vmem>>, vector<16xf32>,
      %add3A_434 = arith.addf %add3A_429, %get3A_433 : vector<16xf32>
      %get3A_435 = arith.constant 9 : i32
      %get3A_436 = arith.index_cast %get3A_435 : i32 to index
      %get3A_437 = arith.constant 0 : index
      %get3A_438 = tpu.vector_load %arg28[%get3A_436, %get3A_437] {strides = array<i32>} : memref<16x16xf32, #tpu.memory_space<vmem>>, vector<16xf32>,
      %add3A_439 = arith.addf %add3A_434, %get3A_438 : vector<16xf32>
      %get3A_440 = arith.constant 10 : i32
      %get3A_441 = arith.index_cast %get3A_440 : i32 to index
      %get3A_442 = arith.constant 0 : index
      %get3A_443 = tpu.vector_load %arg28[%get3A_441, %get3A_442] {strides = array<i32>} : memref<16x16xf32, #tpu.memory_space<vmem>>, vector<16xf32>,
      %add3A_444 = arith.addf %add3A_439, %get3A_443 : vector<16xf32>
      %get3A_445 = arith.constant 11 : i32
      %get3A_446 = arith.index_cast %get3A_445 : i32 to index
      %get3A_447 = arith.constant 0 : index
      %get3A_448 = tpu.vector_load %arg28[%get3A_446, %get3A_447] {strides = array<i32>} : memref<16x16xf32, #tpu.memory_space<vmem>>, vector<16xf32>,
      %add3A_449 = arith.addf %add3A_444, %get3A_448 : vector<16xf32>
      %get3A_450 = arith.constant 12 : i32
      %get3A_451 = arith.index_cast %get3A_450 : i32 to index
      %get3A_452 = arith.constant 0 : index
      %get3A_453 = tpu.vector_load %arg28[%get3A_451, %get3A_452] {strides = array<i32>} : memref<16x16xf32, #tpu.memory_space<vmem>>, vector<16xf32>,
      %add3A_454 = arith.addf %add3A_449, %get3A_453 : vector<16xf32>
      %get3A_455 = arith.constant 13 : i32
      %get3A_456 = arith.index_cast %get3A_455 : i32 to index
      %get3A_457 = arith.constant 0 : index
      %get3A_458 = tpu.vector_load %arg28[%get3A_456, %get3A_457] {strides = array<i32>} : memref<16x16xf32, #tpu.memory_space<vmem>>, vector<16xf32>,
      %add3A_459 = arith.addf %add3A_454, %get3A_458 : vector<16xf32>
      %get3A_460 = arith.constant 14 : i32
      %get3A_461 = arith.index_cast %get3A_460 : i32 to index
      %get3A_462 = arith.constant 0 : index
      %get3A_463 = tpu.vector_load %arg28[%get3A_461, %get3A_462] {strides = array<i32>} : memref<16x16xf32, #tpu.memory_space<vmem>>, vector<16xf32>,
      %add3A_464 = arith.addf %add3A_459, %get3A_463 : vector<16xf32>
      %get3A_465 = arith.constant 15 : i32
      %get3A_466 = arith.index_cast %get3A_465 : i32 to index
      %get3A_467 = arith.constant 0 : index
      %get3A_468 = tpu.vector_load %arg28[%get3A_466, %get3A_467] {strides = array<i32>} : memref<16x16xf32, #tpu.memory_space<vmem>>, vector<16xf32>,
      %add3A_469 = arith.addf %add3A_464, %get3A_468 : vector<16xf32>
      %swap3A_470 = arith.constant 0 : index
      %swap3A_471 = tpu.vector_load %arg29[%swap3A_470] {strides = array<i32>} : memref<16xf32, #tpu.memory_space<vmem>>, vector<16xf32>,
      tpu.vector_store %arg29[%swap3A_470], %add3A_469 {strides = array<i32>} : memref<16xf32, #tpu.memory_space<vmem>>, vector<16xf32>,
    } else {
    }
    %barrier3A_385 = arith.constant 0 : index
    tpu.barrier barrier_id(%barrier3A_385)
    %eq3A_386 = arith.constant 0 : i32
    %eq3A_387 = arith.cmpi eq, %arg1, %eq3A_386 : i32
    %convert_element_type3A_388 = arith.extui %eq3A_387 : i1 to i32
    %cond3A_389 = arith.constant 0 : i32
    %cond3A_390 = arith.cmpi ne, %convert_element_type3A_388, %cond3A_389 : i32
    scf.if %cond3A_390 {
      "tpu.region"() ({
        %run_scoped3A = tpu.sem_alloc : memref<!tpu.dma_semaphore, #tpu.memory_space<semaphore_mem>>
        %dma_start3A_391 = arith.constant 0 : i32
        %dma_start3A_392 = tpu.memref_slice %arg10[%arg0, %dma_start3A_391] : memref<2x16xf32, #tpu.memory_space<hbm>> -> memref<1x16xf32, #tpu.memory_space<hbm>>
        %dma_start3A_393 = tpu.memref_squeeze %dma_start3A_392 : memref<1x16xf32, #tpu.memory_space<hbm>> -> memref<16xf32, #tpu.memory_space<hbm>>
        %dma_start3A_394 = arith.constant 0 : i32
        %dma_start3A_395 = tpu.memref_slice %arg10[%arg0, %dma_start3A_394] : memref<2x16xf32, #tpu.memory_space<hbm>> -> memref<1x16xf32, #tpu.memory_space<hbm>>
        %dma_start3A_396 = tpu.memref_squeeze %dma_start3A_395 : memref<1x16xf32, #tpu.memory_space<hbm>> -> memref<16xf32, #tpu.memory_space<hbm>>
        tpu.enqueue_dma source(%arg29 : memref<16xf32, #tpu.memory_space<vmem>>) target(%dma_start3A_396 : memref<16xf32, #tpu.memory_space<hbm>>) target_semaphore(%run_scoped3A : memref<!tpu.dma_semaphore, #tpu.memory_space<semaphore_mem>>)
        %dma_wait3A_397 = arith.constant 0 : i32
        %dma_wait3A_398 = tpu.memref_slice %arg10[%arg0, %dma_wait3A_397] : memref<2x16xf32, #tpu.memory_space<hbm>> -> memref<1x16xf32, #tpu.memory_space<hbm>>
        %dma_wait3A_399 = tpu.memref_squeeze %dma_wait3A_398 : memref<1x16xf32, #tpu.memory_space<hbm>> -> memref<16xf32, #tpu.memory_space<hbm>>
        %dma_wait3A_400 = arith.constant 0 : i32
        %dma_wait3A_401 = tpu.memref_slice %arg10[%arg0, %dma_wait3A_400] : memref<2x16xf32, #tpu.memory_space<hbm>> -> memref<1x16xf32, #tpu.memory_space<hbm>>
        %dma_wait3A_402 = tpu.memref_squeeze %dma_wait3A_401 : memref<1x16xf32, #tpu.memory_space<hbm>> -> memref<16xf32, #tpu.memory_space<hbm>>
        tpu.wait_dma2 semaphore(%run_scoped3A : memref<!tpu.dma_semaphore, #tpu.memory_space<semaphore_mem>>) src(%arg29 : memref<16xf32, #tpu.memory_space<vmem>>) dst(%dma_wait3A_402 : memref<16xf32, #tpu.memory_space<hbm>>)
        tpu.yield
      }) : () -> ()
    } else {
    }
    return
  }
}

</mosaic_0001>

<sc_bundles>
// kernel: kernel.3.cloned.1.call-start
scs
__scs_entry_jumppad:
0x0: {  	(pc) =	sbr.rel $0x88, $3  }
0x1: {  	(tag) =	ssettag $0x0;
	lr =	simm.s32 $0x1  }
0x2: {  	[smem:$0x3F9A] =	sst lr;
	_ =	strace $0xD0000000  }
0x3: {  	_ = 	snop  }
0x4: {  	_ = 	snop  }
0x5: {  	_ = 	snop  }
0x6: {  	_ = 	snop  }
0x7: {  	_ = 	snop  }
__scs_overlays_trampoline_lowered:
0x8: {  	[smem:$0x3FA9] =	sst s0  }
0x9: {  	[smem:$0x3FAA] =	sst s1  }
0xa: {  	[smem:$0x3FAB] =	sst s2  }
0xb: {  	[smem:$0x3FAC] =	sst s3  }
0xc: {  	[smem:$0x3FAD] =	sst s4  }
0xd: {  	[smem:$0x3FAE] =	sst s5  }
0xe: {  	[smem:$0x3FAF] =	sst s6  }
0xf: {  	[smem:$0x3FB0] =	sst s7  }
0x10: {  	[smem:$0x3FB1] =	sst s8  }
0x11: {  	[smem:$0x3FB2] =	sst s9;
	s0 =	simm.s32 @!p0 $0x0  }
0x12: {  	s1 =	sld [smem:$0x3F98];
	s0 =	simm.s32 @p0 $0x1  }
0x13: {  	[smem:$0x3FB3] =	sst s0;
	s0 =	simm.s32 @!p1 $0x0  }
0x14: {  	s2 =	sld [smem:$0x3F97];
	s0 =	simm.s32 @p1 $0x1  }
0x15: {  	[smem:$0x3FB4] =	sst s0;
	s0 =	simm.s32 @!p2 $0x0  }
0x16: {  	s3 =	sld [smem:$0x3FDB];
	s0 =	simm.s32 @p2 $0x1  }
0x17: {  	s4 =	simm.s32 $0x1BF5;
	[smem:$0x3FB6] =	sst s0  }
0x18: {  	s0 =	sld [smem:$0x3F99];
	_ =	swait.ge [sflag:s4], $0x0  }
0x19: {  	s7 =	sld [smem:$0x3F9A]  }
0x1a: {  	s8 =	sadd.s32 $0xFFFFE003, lr  }
0x1b: {  	s9 =	sadd.s32 $0xFFFFFEF7, lr;
	s5 =	simm.s32 $0xFFFFFFFF;
	p2 =	slt.u32 s8, $0xFFFFF086  }
0x1c: {  	p1 =	slt.u32 s9, $0xF7A;
	s5 =	simm.s32 @!p2 $0x0  }
0x1d: {  	s5 =	simm.s32 @p1 $0x1;
	p0 =	seq.s32 s7, s2  }
0x1e: {  	s7 =	smul.u32 @!p0 $0xF7A, s2;
	p2 =	seq.s32 @!p0 s5, $0x0  }
0x1f: {  	s9 =	smul.u32 $0xF7A, s1;
	s8 =	simm.s32 @!p0 $0x1BF5;
	p2 =	por !p2, p0  }
0x20: {  	[sflag:s8] =	ssyncset.s32 @!p0 $0xFFFFF086;
	s6 =	sadd.s32 @!p0 s3, s7;
	s7 =	simm.s32 @!p0 $0x108  }
0x21: {  	s3 =	sadd.s32 s3, s9;
	s6 =	sadd.s32 @!p0 $0x88, s6;
	s7 =	simm.s32 @p2 $0x1082  }
0x22: {  	[simem:s7], [sflag:s8] =	dma.local @!p0 [hbm:s6], $0xF7A  }
0x23: {  	s9 =	sor.u32 $0xD0000000, s2;
	s6 =	simm.s32 $0x108;
	_ =	swait.ge @!p0 [sflag:s8], $0x0  }
0x24: {  	s3 =	sadd.s32 $0x88, s3;
	s6 =	simm.s32 @!p1 $0x1082;
	[sflag:s4] =	ssyncset.s32 $0xFFFFF086  }
0x25: {  	[simem:s6], [sflag:s4] =	dma.local [hbm:s3], $0xF7A  }
0x26: {  	[smem:$0x3F9A] =	sst s1;
	(tag) =	ssettag s2;
	_ =	strace s9  }
0x27: {  	s1 =	sld [smem:$0x3FAA]  }
0x28: {  	s2 =	sld [smem:$0x3FAB]  }
0x29: {  	s4 =	sld [smem:$0x3FAD]  }
0x2a: {  	p0 =	seq.s32 s5, $0x0;
	s5 =	sld [smem:$0x3FAE]  }
0x2b: {  	s6 =	sld [smem:$0x3FAF]  }
0x2c: {  	s7 =	sld [smem:$0x3FB0]  }
0x2d: {  	s3 =	simm.s32 $0x108;
	s8 =	sld [smem:$0x3FB1]  }
0x2e: {  	s3 =	simm.s32 @!p0 $0x1082;
	s9 =	sld [smem:$0x3FB2]  }
0x2f: {  	lr =	sadd.s32 s0, s3;
	s0 =	sld [smem:$0x3FA9]  }
0x30: {  	s3 =	sld [smem:$0x3FAC]  }
0x31: {  	[smem:$0x3FB5] =	sst s10  }
0x32: {  	s10 =	sld [smem:$0x3FB3];
	_ =	sdelay $0x3  }
0x33: {  	p0 =	seq.s32 s10, $0x1;
	s10 =	sld [smem:$0x3FB5];
	_ =	sdelay $0x3  }
0x34: {  	[smem:$0x3FB5] =	sst s10  }
0x35: {  	s10 =	sld [smem:$0x3FB4];
	_ =	sdelay $0x3  }
0x36: {  	p1 =	seq.s32 s10, $0x1;
	s10 =	sld [smem:$0x3FB5];
	_ =	sdelay $0x3  }
0x37: {  	[smem:$0x3FB5] =	sst s10  }
0x38: {  	s10 =	sld [smem:$0x3FB6]  }
0x39: {  	_ = 	snop;
	(pc) =	sbr.ind lr, $3  }
0x3a: {  	_ = 	snop  }
0x3b: {  	_ = 	snop  }
0x3c: {  	p2 =	seq.s32 s10, $0x1;
	s10 =	sld [smem:$0x3FB5]  }
0x3d: {  	_ =	shalt  }
0x3e: {  	_ =	shalt  }
0x3f: {  	_ =	shalt  }
0x40: {  	_ =	shalt  }
0x41: {  	_ =	shalt  }
0x42: {  	_ =	shalt  }
0x43: {  	_ =	shalt  }
0x44: {  	_ =	shalt  }
0x45: {  	_ =	shalt  }
0x46: {  	_ =	shalt  }
0x47: {  	_ =	shalt  }
0x48: {  	_ =	shalt  }
0x49: {  	_ =	shalt  }
0x4a: {  	_ =	shalt  }
0x4b: {  	_ =	shalt  }
0x4c: {  	_ =	shalt  }
0x4d: {  	_ =	shalt  }
0x4e: {  	_ =	shalt  }
0x4f: {  	_ =	shalt  }
0x50: {  	_ =	shalt  }
0x51: {  	_ =	shalt  }
0x52: {  	_ =	shalt  }
0x53: {  	_ =	shalt  }
0x54: {  	_ =	shalt  }
0x55: {  	_ =	shalt  }
0x56: {  	_ =	shalt  }
0x57: {  	_ =	shalt  }
0x58: {  	_ =	shalt  }
0x59: {  	_ =	shalt  }
0x5a: {  	_ =	shalt  }
0x5b: {  	_ =	shalt  }
0x5c: {  	_ =	shalt  }
0x5d: {  	_ =	shalt  }
0x5e: {  	_ =	shalt  }
0x5f: {  	_ =	shalt  }
0x60: {  	_ =	shalt  }
0x61: {  	_ =	shalt  }
0x62: {  	_ =	shalt  }
0x63: {  	_ =	shalt  }
0x64: {  	_ =	shalt  }
0x65: {  	_ =	shalt  }
0x66: {  	_ =	shalt  }
0x67: {  	_ =	shalt  }
0x68: {  	_ =	shalt  }
0x69: {  	_ =	shalt  }
0x6a: {  	_ =	shalt  }
0x6b: {  	_ =	shalt  }
0x6c: {  	_ =	shalt  }
0x6d: {  	_ =	shalt  }
0x6e: {  	_ =	shalt  }
0x6f: {  	_ =	shalt  }
0x70: {  	_ =	shalt  }
0x71: {  	_ =	shalt  }
0x72: {  	_ =	shalt  }
0x73: {  	_ =	shalt  }
0x74: {  	_ =	shalt  }
0x75: {  	_ =	shalt  }
0x76: {  	_ =	shalt  }
0x77: {  	_ =	shalt  }
0x78: {  	_ =	shalt  }
0x79: {  	_ =	shalt  }
0x7a: {  	_ =	shalt  }
0x7b: {  	_ =	shalt  }
0x7c: {  	_ =	shalt  }
0x7d: {  	_ =	shalt  }
0x7e: {  	_ =	shalt  }
0x7f: {  	_ =	shalt  }
0x80: {  	_ =	shalt  }
0x81: {  	_ =	shalt  }
0x82: {  	_ =	shalt  }
0x83: {  	_ =	shalt  }
0x84: {  	_ =	shalt  }
0x85: {  	_ =	shalt  }
0x86: {  	_ =	shalt  }
0x87: {  	_ =	shalt  }
.Lfunc_end0:
.L_simem_size_0:
called_computation_lowered:
.L_overlay_start_0:
0x88: {  	s2 =	sld [smem:$0x3FD9]  }
0x89: {  	s3 =	sld [smem:$0x3FFE];
	_ =	sdelay $0x1  }
0x8a: {  	s1 =	srdreg.scid  }
0x8b: {  	s0 =	sand.u32 $0x1, s1  }
0x8c: {  	s17 =	sshll.u32 s0, $0xA;
	s2 =	sadd.s32 s3, s2  }
0x8d: {  	s2 =	sadd.s32 s2, s17  }
0x8e: {  	[smem:$0x3FC1] =	sst s2  }
0x8f: {  	_ = 	snop  }
0x90: {  	s2 =	sld [smem:$0x3FC9]  }
0x91: {  	s18 =	sld [smem:$0x3FC8]  }
0x92: {  	s4 =	sld [smem:$0x3FC6]  }
0x93: {  	s5 =	sld [smem:$0x3FC5];
	(tm) =	ssettm $0x1  }
0x94: {  	s6 =	sld [smem:$0x3FFB];
	_ =	sdelay $0x3  }
0x95: {  	_ =	strace s6  }
0x96: {  	s6 =	sld [smem:$0x3FFC];
	_ =	sdelay $0x3  }
0x97: {  	_ =	strace s6  }
0x98: {  	s6 =	sld [smem:$0x3FFD];
	_ =	sdelay $0x3  }
0x99: {  	_ =	strace s6  }
0x9a: {  	_ =	strace $0x8FFFFFFF  }
0x9b: {  	s19 =	sld [smem:$0x3FDB];
	_ =	sdelay $0x1  }
0x9c: {  	s7 =	simm.s32 $_scs_section_size  }
0x9d: {  	s8 =	simm.s32 $_size__tile_overlayer_lowered;
	s9 =	simm.s32 $_tile_overlayer_lowered  }
0x9e: {  	s22 =	simm.s32 $0x1BFF;
	s21 =	sshll.u32 s9, $0x1;
	s6 =	sadd.s32 s7, s19  }
0x9f: {  	s10 =	simm.s32 $0x0;
	s20 =	sshll.u32 s8, $0x1;
	s8 =	sadd.s32 s21, s6  }
0xa0: {  	[timem:s10], [sflag:s22] =	dma.local [hbm:s8], s20  }
0xa1: {  	_ =	swait.ge [sflag:s22], s20  }
0xa2: {  	s7 =	ssub.s32 $0x0, s20;
	[sflag:s22] =	ssyncset.done $0x0  }
0xa3: {  	[sflag:s22] =	ssyncadd.s32 s7;
	_ =	sdelay $0x1  }
0xa4: {  	s23 =	simm.s32 $0x1B8B  }
0xa5: {  	_ =	swait.ge [sflag:s23], $0x1  }
0xa6: {  	[sflag:s23] =	ssyncset.done $0x0  }
0xa7: {  	s25 =	simm.s32 $0x1B8E;
	s24 =	sld [smem:$0x3FFE];
	[sflag:s23] =	ssyncadd.s32 $0xFFFFFFFF  }
0xa8: {  	s26 =	simm.s32 $execute0_lowered;
	[smem:$0x3FD2] =	sst s25  }
0xa9: {  	s8 =	sshll.u32 s26, $0x1;
	_ =	strace $0x80000046;
	[dreg:$0x1] =	wrdreg $0xFFFFFFFF  }
0xaa: {  	s28 =	simm.s32 $_size_execute0_lowered;
	s6 =	sadd.s32 s6, s8;
	[dreg:$0x0] =	wrdreg $0x0  }
0xab: {  	s8 =	sshll.u32 s28, $0x1;
	[dreg:$0x2] =	wrdreg s6  }
0xac: {  	[dreg:$0x3] =	wrdreg s8  }
0xad: {  	[dreg:$0x4] =	wrdreg $0xC0  }
0xae: {  	_ =	task [dreg:s10], $0x5FFFF  }
0xaf: {  	[dreg:$0x1] =	wrdreg $0xFFFFFFFF  }
0xb0: {  	[dreg:$0x0] =	wrdreg $0x60  }
0xb1: {  	[dreg:$0x2] =	wrdreg s24  }
0xb2: {  	[dreg:$0x3] =	wrdreg s2  }
0xb3: {  	[dreg:$0x4] =	wrdreg s18  }
0xb4: {  	[dreg:$0x5] =	wrdreg s4  }
0xb5: {  	[dreg:$0x6] =	wrdreg s5  }
0xb6: {  	[dreg:$0x7] =	wrdreg $0x19D800  }
0xb7: {  	[dreg:$0x8] =	wrdreg $0x9  }
0xb8: {  	_ =	task.clear_ibuf [dreg:s10], $0x9FFFF;
	_ =	strace $0x90000046  }
0xb9: {  	s29 =	simm.s32 $0x9;
	_ =	strace $0x80000048  }
0xba: {  	_ =	swait.ge [sflag:s29], $0x1  }
0xbb: {  	[sflag:s29] =	ssyncadd.s32 $0xFFFFFFFF  }
0xbc: {  	_ =	strace $0x90000048  }
0xbd: {  	_ =	sfence  }
0xbe: {  	s30 =	sld [smem:$0x0];
	_ =	sdelay $0x2  }
0xbf: {  	s31 =	sshll.u32 s1, $0xD;
	s1 =	sshrl.u32 s1, $0x2  }
0xc0: {  	s3 =	sand.u32 $0x4000, s31;
	s1 =	sadd.s32 s1, s30  }
0xc1: {  	s0 =	sor.u32 s3, s0;
	s1 =	sshll.u32 s1, $0x11  }
0xc2: {  	s0 =	sor.u32 s1, s0  }
0xc3: {  	s0 =	sadd.s32 $0x8F2B, s0  }
0xc4: {  	[sflag:s0] =	ssyncadd.remote.s32 $0x1  }
0xc5: {  	_ =	sfence.sel $0xFFFF  }
0xc6: {  	[dreg:$0x0] =	wrdreg $0xFFFFFFFF;
	(pc) =	sbr.abs _section_cstart, $3  }
0xc7: {  	[dreg:$0x1] =	wrdreg $0xFFFFFFFF  }
0xc8: {  	_ =	task.clear_ibuf [dreg:s10], $0x2FFFF;
	_ =	strace $0x9FFFFFFF  }
0xc9: {  	(tm) =	ssettm $0x7FFFFFFF  }
tec
execute0_lowered:
.L_overlay_start_1:
0x0: {  	(tag) =	ssettag $0x1  }
0x1: {  	s2 =	rddreg [dreg:$0x0]  }
0x2: {  	s3 =	rddreg [dreg:$0x1]  }
0x3: {  	s4 =	rddreg [dreg:$0x2]  }
0x4: {  	s5 =	rddreg [dreg:$0x3]  }
0x5: {  	s0 =	rddreg [dreg:$0x4];
	s1 =	simm.s32 $0x0  }
0x6: {  	s6 =	srdreg.scid;
	s8 =	stileid.u32;
	s29 =	simm.s32 $0x18980  }
0x7: {  	s30 =	simm.s32 $0x5;
	s31 =	simm.s32 $0x18B00;
	s6 =	sand.u32 $0x1, s6  }
0x8: {  	[smem:$0x7FF] =	sst s1;
	s11 =	sshll.u32 s8, $0x7;
	s10 =	sshll.u32 s6, $0xB  }
0x9: {  	s7 =	sadd.s32 $0x1200, s2;
	s12 =	sadd.s32 $0x200, s2;
	s10 =	sor.u32 s11, s10  }
0xa: {  	p0 =	sne.s32 s8, $0x0;
	s8 =	simm.s32 $0x18A80;
	s20 =	sadd.s32 s7, s10  }
0xb: {  	s9 =	ssub.s32 $0x2, s6;
	s14 =	sadd.s32 s12, s10;
	[dreg:$0x7] =	wrdreg s20  }
0xc: {  	s13 =	sshrl.u32 s9, $0x1;
	s3 =	sadd.s32 s3, s10;
	[dreg:$0x8] =	wrdreg s14  }
0xd: {  	s9 =	ssub.s32 s9, s13;
	s23 =	sadd.s32 s4, s10;
	[dreg:$0xb] =	wrdreg s3  }
0xe: {  	s21 =	sor.u32 $0x10, s10;
	s25 =	sadd.s32 s5, s10;
	[dreg:$0xc] =	wrdreg s23  }
0xf: {  	s24 =	sor.u32 $0x20, s10;
	s22 =	sadd.s32 s7, s21;
	[dreg:$0xd] =	wrdreg s25  }
0x10: {  	s5 =	sor.u32 $0x30, s10;
	s13 =	sadd.s32 s12, s21;
	[dreg:$0x9] =	wrdreg s22  }
0x11: {  	s16 =	sor.u32 $0x50, s10;
	s26 =	sadd.s32 s7, s24;
	[dreg:$0xa] =	wrdreg s13  }
0x12: {  	s18 =	sor.u32 $0x60, s10;
	s3 =	sadd.s32 s12, s24;
	[dreg:$0xe] =	wrdreg s26  }
0x13: {  	s19 =	sor.u32 $0x70, s10;
	s4 =	sadd.s32 s12, s5;
	[dreg:$0xf] =	wrdreg s3  }
0x14: {  	s14 =	sor.u32 $0x40, s10;
	s17 =	sadd.s32 s7, s16;
	[dreg:$0x11] =	wrdreg s4  }
0x15: {  	s20 =	sadd.s32 s7, s18;
	s21 =	sadd.s32 s7, s19;
	[dreg:$0x14] =	wrdreg s17  }
0x16: {  	s23 =	sadd.s32 s12, s19;
	s24 =	sshll.u32 s6, $0x4;
	[dreg:$0x16] =	wrdreg s20  }
0x17: {  	s25 =	sadd.s32 $0x2200, s2;
	s28 =	smax.u32 s9, $0x1;
	[dreg:$0x18] =	wrdreg s21  }
0x18: {  	s6 =	simm.s32 $0x10180;
	s9 =	simm.s32 $0x18C00;
	s22 =	rddreg [dreg:$0x5]  }
0x19: {  	s10 =	simm.s32 $0x8180;
	s13 =	sadd.s32 s7, s5;
	[dreg:$0x19] =	wrdreg s23  }
0x1a: {  	s15 =	sadd.s32 s7, s14;
	s3 =	sadd.s32 s12, s14;
	[dreg:$0x10] =	wrdreg s13  }
0x1b: {  	s4 =	sadd.s32 s12, s16;
	s21 =	simm.s32 $0x180;
	[dreg:$0x12] =	wrdreg s15  }
0x1c: {  	s5 =	simm.s32 $0x4180;
	s7 =	simm.s32 $0x19D90;
	[dreg:$0x13] =	wrdreg s3  }
0x1d: {  	s14 =	simm.s32 $0x3;
	s16 =	simm.s32 $0x0;
	[dreg:$0x15] =	wrdreg s4  }
0x1e: {  	s3 =	sadd.s32 s12, s18;
	s26 =	sadd.s32 s11, s22;
	s18 =	simm.s32 $0x80  }
0x1f: {  	s4 =	simm.s32 $0x18B80;
	[dreg:$0x17] =	wrdreg s3;
	s3 =	sadd.s32 s24, s2  }
0x20: {  	s2 =	sadd.s32 $0x2800, s2;
	_ =	strace $0x80000047;
	[dreg:$0x1a] =	wrdreg s25  }
0x21: {  	s11 =	simm.s32 $0x14180;
	s12 =	simm.s32 $0x1;
	[dreg:$0x1b] =	wrdreg s2  }
0x22: {  	v0 =	vlaneseq.u32;
	s13 =	simm.s32 $0x2;
	s15 =	simm.s32 $0x4;
	[dreg:$0x1c] =	wrdreg s26  }
0x23: {  	v1 =	vmul.u32 $0x80, v0;
	s26 =	sadd.s32 $0x2A00, s3;
	s2 =	simm.s32 $0xC180;
	s3 =	simm.s32 $0x18A00  }
.LBB2_1:
0x24: {  	s17 =	rddreg [dreg:$0x7]  }
0x25: {  	[tilespmem:s29], [sflag:$0x5] =	stream.linear.gather [hbm4b:s17+s1], $0x80, $0x38;
	[tilespmem:$0x1C510] =	vst v63  }
0x26: {  	_ =	swait.ge [sflag:s30], $0x80  }
0x27: {  	[sflag:s30] =	ssyncset.done $0x0  }
0x28: {  	s24 =	rddreg [dreg:$0x8];
	[sflag:s30] =	ssyncadd.s32 $0xFFFFFF80  }
0x29: {  	[tilespmem:s31], [sflag:$0x5] =	stream.linear.gather [hbm4b:s24+s1], $0x80, $0x38;
	[tilespmem:$0x1C510] =	vst v63  }
0x2a: {  	_ =	swait.ge [sflag:s30], $0x80  }
0x2b: {  	[sflag:s30] =	ssyncset.done $0x0  }
0x2c: {  	[sflag:s30] =	ssyncadd.s32 $0xFFFFFF80  }
0x2d: {  	[tilespmem:s21], [sflag:$0x1] =	stream.indirect.gather [hbm4b:s0+s18], $0x80, s29, s18, $0xb8;
	[tilespmem:$0x1C510] =	vst v63  }
0x2e: {  	_ = 	snop  }
0x2f: {  	[tilespmem:s2], [sflag:$0x1] =	stream.indirect.gather [hbm4b:s0+s18], $0x80, s31, s18, $0xb8;
	[tilespmem:$0x1C510] =	vst v63  }
0x30: {  	s25 =	rddreg [dreg:$0x9]  }
0x31: {  	[tilespmem:s3], [sflag:$0x5] =	stream.linear.gather [hbm4b:s25+s1], $0x80, $0x38;
	[tilespmem:$0x1C510] =	vst v63  }
0x32: {  	_ =	swait.ge [sflag:s30], $0x80  }
0x33: {  	[sflag:s30] =	ssyncset.done $0x0  }
0x34: {  	s19 =	rddreg [dreg:$0xa];
	[sflag:s30] =	ssyncadd.s32 $0xFFFFFF80  }
0x35: {  	[tilespmem:s4], [sflag:$0x5] =	stream.linear.gather [hbm4b:s19+s1], $0x80, $0x38;
	[tilespmem:$0x1C510] =	vst v63  }
0x36: {  	_ =	swait.ge [sflag:s30], $0x80  }
0x37: {  	[sflag:s30] =	ssyncset.done $0x0  }
0x38: {  	[sflag:s30] =	ssyncadd.s32 $0xFFFFFF80  }
0x39: {  	[tilespmem:s5], [sflag:$0x2] =	stream.indirect.gather [hbm4b:s0+s18], $0x80, s3, s18, $0xb8;
	[tilespmem:$0x1C510] =	vst v63  }
0x3a: {  	_ = 	snop  }
0x3b: {  	[tilespmem:s6], [sflag:$0x2] =	stream.indirect.gather [hbm4b:s0+s18], $0x80, s4, s18, $0xb8;
	[tilespmem:$0x1C510] =	vst v63  }
0x3c: {  	s19 =	simm.s32 $0x18C80;
	s20 =	rddreg [dreg:$0xb]  }
0x3d: {  	[tilespmem:s19], [sflag:$0x4] =	stream.linear.gather [hbm4b:s20+s1], $0x400, $0x38;
	[tilespmem:$0x1C510] =	vst v63  }
0x3e: {  	s23 =	simm.s32 $0x18580;
	s22 =	rddreg [dreg:$0xc]  }
0x3f: {  	[tilespmem:s23], [sflag:$0x4] =	stream.linear.gather [hbm4b:s22+s1], $0x400, $0x38;
	[tilespmem:$0x1C510] =	vst v63  }
0x40: {  	s25 =	simm.s32 $0x19980;
	s24 =	rddreg [dreg:$0xd]  }
0x41: {  	[tilespmem:s25], [sflag:$0x4] =	stream.linear.gather [hbm4b:s24+s1], $0x400, $0x38;
	[tilespmem:$0x1C510] =	vst v63  }
0x42: {  	s20 =	rddreg [dreg:$0x1a]  }
0x43: {  	[tilespmem:s7], [sflag:$0x4] =	stream.linear.gather [hbm4b:s20+s1], $0x2780, $0x38;
	[tilespmem:$0x1C510] =	vst v63  }
0x44: {  	s22 =	rddreg [dreg:$0x1b];
	s23 =	simm.s32 $0x100  }
0x45: {  	[tilespmem:s23], [sflag:$0x4] =	stream.linear.gather [hbm4b:s22+s1], $0x80, $0x38;
	[tilespmem:$0x1C510] =	vst v63  }
0x46: {  	s24 =	rddreg [dreg:$0xe]  }
0x47: {  	[tilespmem:s8], [sflag:$0x5] =	stream.linear.gather [hbm4b:s24+s1], $0x80, $0x38;
	[tilespmem:$0x1C510] =	vst v63  }
0x48: {  	_ =	swait.ge [sflag:s30], $0x80  }
0x49: {  	[sflag:s30] =	ssyncset.done $0x0  }
0x4a: {  	s25 =	rddreg [dreg:$0xf];
	[sflag:s30] =	ssyncadd.s32 $0xFFFFFF80  }
0x4b: {  	[tilespmem:s9], [sflag:$0x5] =	stream.linear.gather [hbm4b:s25+s1], $0x80, $0x38;
	[tilespmem:$0x1C510] =	vst v63  }
0x4c: {  	_ =	swait.ge [sflag:s30], $0x80  }
0x4d: {  	[sflag:s30] =	ssyncset.done $0x0  }
0x4e: {  	[sflag:s30] =	ssyncadd.s32 $0xFFFFFF80  }
0x4f: {  	[tilespmem:s10], [sflag:$0x3] =	stream.indirect.gather [hbm4b:s0+s18], $0x80, s8, s18, $0xb8;
	[tilespmem:$0x1C510] =	vst v63  }
0x50: {  	_ = 	snop  }
0x51: {  	[tilespmem:s11], [sflag:$0x3] =	stream.indirect.gather [hbm4b:s0+s18], $0x80, s9, s18, $0xb8;
	[tilespmem:$0x1C510] =	vst v63  }
0x52: {  	_ =	swait.ge [sflag:s12], $0x4000  }
0x53: {  	[sflag:s12] =	ssyncset.done $0x0  }
0x54: {  	[sflag:s12] =	ssyncadd.s32 $0xFFFFC000  }
0x55: {  	_ =	swait.ge [sflag:s12], $0x4000  }
0x56: {  	[sflag:s12] =	ssyncset.done $0x0  }
0x57: {  	s17 =	simm.s32 $0x0;
	[sflag:s12] =	ssyncadd.s32 $0xFFFFC000  }
.LBB2_2:
0x58: {  	s19 =	sshll.u32 s17, $0x4  }
0x59: {  	s20 =	simm.s32 $0x7;
	v2 =	vmov s19  }
0x5a: {  	v3 =	vadd.s32 s20, v0;
	v2 =	vshll.u32 v2, $0x7  }
0x5b: {  	s25 =	simm.s32 $0x5;
	v3 =	vand.u32 $0x7F, v3;
	v2 =	vor.u32 v1, v2  }
0x5c: {  	v4 =	vadd.s32 s25, v0;
	v5 =	vor.u32 v2, v3  }
0x5d: {  	s22 =	simm.s32 $0x3;
	v3 =	vand.u32 $0x7F, v4  }
0x5e: {  	v4 =	vadd.s32 s22, v0;
	v7 =	vor.u32 v2, v3  }
0x5f: {  	s23 =	simm.s32 $0x1;
	v3 =	vand.u32 $0x7F, v4  }
0x60: {  	v4 =	vadd.s32 s23, v0;
	v8 =	vor.u32 v2, v3  }
0x61: {  	s24 =	simm.s32 $0x0;
	v4 =	vand.u32 $0x7F, v4;
	v3 =	vld.idx.msk [tilespmem:v5+s21+$0x0], $0xffff  }
0x62: {  	v9 =	vor.u32 v2, v4;
	v4 =	vadd.s32 s24, v0;
	v6 =	vld.idx.msk [tilespmem:v5+s2+$0x0], $0xffff  }
0x63: {  	s25 =	simm.s32 $0x2;
	v5 =	vand.u32 $0x7F, v4;
	v4 =	vld.idx.msk [tilespmem:v7+s21+$0x0], $0xffff  }
0x64: {  	v10 =	vadd.s32 s25, v0;
	v11 =	vor.u32 v2, v5;
	v5 =	vld.idx.msk [tilespmem:v7+s2+$0x0], $0xffff  }
0x65: {  	s22 =	simm.s32 $0x4;
	v7 =	vand.u32 $0x7F, v10;
	v16 =	vld.idx.msk [tilespmem:v8+s21+$0x0], $0xffff  }
0x66: {  	v10 =	vadd.s32 s22, v0;
	v7 =	vor.u32 v2, v7;
	v17 =	vld.idx.msk [tilespmem:v8+s2+$0x0], $0xffff  }
0x67: {  	s23 =	simm.s32 $0x6;
	v10 =	vand.u32 $0x7F, v10;
	v8 =	vld.idx.msk [tilespmem:v9+s21+$0x0], $0xffff  }
0x68: {  	s20 =	simm.s32 $0xF;
	v12 =	vadd.s32 s23, v0;
	v13 =	vld.idx.msk [tilespmem:v9+s2+$0x0], $0xffff;
	v10 =	vor.u32 v2, v10  }
0x69: {  	v9 =	vand.u32 $0x7F, v12;
	v12 =	vadd.s32 s20, v0;
	v18 =	vld.idx.msk [tilespmem:v11+s21+$0x0], $0xffff  }
0x6a: {  	v20 =	vor.u32 v2, v9;
	v9 =	vand.u32 $0x7F, v12;
	v19 =	vld.idx.msk [tilespmem:v11+s2+$0x0], $0xffff  }
0x6b: {  	s22 =	simm.s32 $0xD;
	v24 =	vor.u32 v2, v9;
	v22 =	vld.idx.msk [tilespmem:v7+s21+$0x0], $0xffff  }
0x6c: {  	s24 =	simm.s32 $0xB;
	v25 =	vld.idx.msk [tilespmem:v7+s2+$0x0], $0xffff;
	v7 =	vadd.s32 s22, v0  }
0x6d: {  	v23 =	vimm.f32 $0.0e+00;
	s23 =	simm.s32 $0x9;
	v12 =	vadd.s32 s24, v0;
	v9 =	vld.idx.msk [tilespmem:v10+s21+$0x0], $0xffff;
	v7 =	vand.u32 $0x7F, v7  }
0x6e: {  	s24 =	simm.s32 $0x8;
	v14 =	vand.u32 $0x7F, v12;
	v11 =	vadd.s32 s23, v0;
	v12 =	vld.idx.msk [tilespmem:v10+s2+$0x0], $0xffff;
	v15 =	vor.u32 v2, v7  }
0x6f: {  	v14 =	vor.u32 v2, v14;
	v11 =	vand.u32 $0x7F, v11;
	v10 =	vld.idx.msk [tilespmem:v20+s21+$0x0], $0xffff;
	v7 =	vadd.s32 s24, v0  }
0x70: {  	s25 =	simm.s32 $0xA;
	v21 =	vand.u32 $0x7F, v7;
	v7 =	vld.idx.msk [tilespmem:v24+s2+$0x0], $0xffff;
	v18 =	vmul.f32 v19, v18;
	v19 =	vmul.f32 v13, v8  }
0x71: {  	v16 =	vmul.f32 v17, v16;
	v11 =	vor.u32 v2, v11;
	v13 =	vld.idx.msk [tilespmem:v20+s2+$0x0], $0xffff;
	v20 =	vadd.s32 s25, v0  }
0x72: {  	s22 =	simm.s32 $0x17;
	v8 =	vld.idx.msk [tilespmem:v24+s21+$0x0], $0xffff;
	v18 =	vadd.f32 v18, v23;
	v17 =	vadd.f32 v19, v23;
	v19 =	vmul.f32 v25, v22  }
.LBB2_3:
0x73: {  	p1 =	sne.s32 s22, $0x7F;
	v21 =	vor.u32 v2, v21;
	v20 =	vand.u32 $0x7F, v20;
	v22 =	vmul.f32 v5, v4;
	v4 =	vld.idx.msk [tilespmem:v15+s21+$0x0], $0xffff  }
0x74: {  	s23 =	sadd.s32 $0xFFFFFFFD, s20;
	v9 =	vmul.f32 v12, v9;
	v5 =	vld.idx.msk [tilespmem:v15+s2+$0x0], $0xffff;
	v15 =	vadd.f32 v19, v18;
	v16 =	vadd.f32 v16, v17  }
0x75: {  	v6 =	vmul.f32 v6, v3;
	v12 =	vor.u32 v2, v20;
	v18 =	vadd.s32 s23, v0;
	v17 =	vld.idx.msk [tilespmem:v14+s21+$0x0], $0xffff  }
0x76: {  	s23 =	sadd.s32 $0xFFFFFFFF, s20;
	s20 =	smov.u32 s22;
	v10 =	vmul.f32 v13, v10;
	v19 =	vld.idx.msk [tilespmem:v14+s2+$0x0], $0xffff;
	v9 =	vadd.f32 v9, v15;
	v14 =	vadd.f32 v22, v16  }
0x77: {  	v15 =	vand.u32 $0x7F, v18;
	v16 =	vadd.s32 s23, v0;
	v3 =	vmov v8;
	v13 =	vld.idx.msk [tilespmem:v11+s21+$0x0], $0xffff  }
0x78: {  	v8 =	vld.idx.msk [tilespmem:v11+s2+$0x0], $0xffff;
	v11 =	vor.u32 v2, v15;
	v18 =	vadd.f32 v10, v9;
	v22 =	vadd.f32 v6, v14  }
0x79: {  	v9 =	vand.u32 $0x7F, v16;
	v6 =	vmov v7;
	v20 =	vld.idx.msk [tilespmem:v21+s21+$0x0], $0xffff  }
0x7a: {  	v7 =	vadd.s32 s22, v0;
	v16 =	vld.idx.msk [tilespmem:v21+s2+$0x0], $0xffff;
	v21 =	vor.u32 v2, v9  }
0x7b: {  	s23 =	sadd.s32 $0xFFFFFFFE, s22;
	v7 =	vand.u32 $0x7F, v7;
	v23 =	vld.idx.msk [tilespmem:v12+s21+$0x0], $0xffff  }
0x7c: {  	s24 =	sadd.s32 $0xFFFFFFFA, s22;
	s25 =	sadd.s32 $0xFFFFFFFC, s22;
	v9 =	vadd.s32 s23, v0;
	v7 =	vor.u32 v2, v7;
	v24 =	vld.idx.msk [tilespmem:v12+s2+$0x0], $0xffff  }
0x7d: {  	v10 =	vadd.s32 s24, v0;
	v14 =	vand.u32 $0x7F, v9;
	v12 =	vadd.s32 s25, v0;
	v9 =	vld.idx.msk [tilespmem:v11+s21+$0x0], $0xffff  }
.Ltmp0:
0x7e: {  	v10 =	vand.u32 $0x7F, v10;
	v15 =	vor.u32 v2, v14;
	v25 =	vand.u32 $0x7F, v12;
	v12 =	vld.idx.msk [tilespmem:v11+s2+$0x0], $0xffff;
	(pc) =	sbr.rel @p1 .LBB2_3-.Ltmp0, $4  }
0x7f: {  	s23 =	sadd.s32 $0xFFFFFFF9, s22;
	v11 =	vor.u32 v2, v10;
	v14 =	vor.u32 v2, v25;
	v10 =	vld.idx.msk [tilespmem:v21+s21+$0x0], $0xffff  }
0x80: {  	v27 =	vmul.f32 v8, v13;
	v25 =	vadd.s32 s23, v0;
	s23 =	sadd.s32 $0xFFFFFFFB, s22;
	v26 =	vmul.f32 v16, v20;
	v13 =	vld.idx.msk [tilespmem:v21+s2+$0x0], $0xffff  }
0x81: {  	v20 =	vadd.s32 s23, v0;
	v16 =	vmul.f32 v19, v17;
	v21 =	vand.u32 $0x7F, v25;
	v8 =	vld.idx.msk [tilespmem:v7+s21+$0x0], $0xffff  }
0x82: {  	s22 =	sadd.s32 $0x8, s22;
	v17 =	vadd.f32 v27, v22;
	v18 =	vadd.f32 v26, v18;
	v19 =	vmul.f32 v24, v23;
	v7 =	vld.idx.msk [tilespmem:v7+s2+$0x0], $0xffff  }
0x83: {  	_ =	sdelay $0x3  }
0x84: {  	v22 =	vld.idx.msk [tilespmem:v15+s21+$0x0], $0xffff  }
0x85: {  	v21 =	vor.u32 v2, v21;
	v49 =	vld.idx.msk [tilespmem:v15+s2+$0x0], $0xffff  }
0x86: {  	v20 =	vand.u32 $0x7F, v20;
	s22 =	sadd.s32 $0xFFFFFFFD, s20;
	v23 =	vld.idx.msk [tilespmem:v14+s21+$0x0], $0xffff  }
0x87: {  	v50 =	vld.idx.msk [tilespmem:v14+s2+$0x0], $0xffff;
	v20 =	vor.u32 v2, v20;
	v24 =	vadd.s32 s22, v0  }
0x88: {  	s25 =	sadd.s32 $0xFFFFFFFF, s20;
	v25 =	vld.idx.msk [tilespmem:v11+s21+$0x0], $0xffff;
	v24 =	vand.u32 $0x7F, v24  }
0x89: {  	v51 =	vld.idx.msk [tilespmem:v11+s2+$0x0], $0xffff;
	v26 =	vadd.s32 s25, v0;
	v24 =	vor.u32 v2, v24  }
0x8a: {  	v26 =	vand.u32 $0x7F, v26;
	v27 =	vld.idx.msk [tilespmem:v21+s21+$0x0], $0xffff  }
0x8b: {  	v9 =	vmul.f32 v12, v9;
	v18 =	vadd.f32 v19, v18;
	v2 =	vor.u32 v2, v26;
	v52 =	vld.idx.msk [tilespmem:v21+s2+$0x0], $0xffff  }
0x8c: {  	v4 =	vmul.f32 v5, v4;
	v53 =	vadd.f32 v16, v17;
	v54 =	vld.idx.msk [tilespmem:v20+s21+$0x0], $0xffff  }
0x8d: {  	v10 =	vmul.f32 v13, v10;
	v9 =	vadd.f32 v9, v18;
	v55 =	vld.idx.msk [tilespmem:v20+s2+$0x0], $0xffff  }
0x8e: {  	v3 =	vmul.f32 v6, v3;
	v4 =	vadd.f32 v4, v53;
	v56 =	vld.idx.msk [tilespmem:v24+s21+$0x0], $0xffff  }
0x8f: {  	v57 =	vadd.f32 v10, v9;
	v58 =	vld.idx.msk [tilespmem:v24+s2+$0x0], $0xffff  }
0x90: {  	v3 =	vadd.f32 v3, v4;
	v11 =	vmul.f32 v51, v25;
	v59 =	vld.idx.msk [tilespmem:v2+s21+$0x0], $0xffff;
	v60 =	vmul.f32 v52, v27  }
0x91: {  	v61 =	vmul.f32 v50, v23;
	v2 =	vld.idx.msk [tilespmem:v2+s2+$0x0], $0xffff  }
0x92: {  	v3 =	vadd.f32 v11, v3;
	v62 =	vmul.f32 v55, v54;
	v6 =	vadd.f32 v60, v57  }
0x93: {  	v63 =	vmul.f32 v49, v22  }
0x94: {  	v3 =	vadd.f32 v61, v3;
	v5 =	vmul.f32 v58, v56;
	v6 =	vadd.f32 v62, v6  }
0x95: {  	v7 =	vmul.f32 v7, v8  }
0x96: {  	s17 =	sadd.s32 $0x1, s17;
	v3 =	vadd.f32 v63, v3;
	v2 =	vmul.f32 v2, v59;
	v5 =	vadd.f32 v5, v6  }
0x97: {  	p1 =	sne.s32 s17, $0x8  }
.Ltmp1:
0x98: {  	v3 =	vadd.f32 v7, v3;
	v2 =	vadd.f32 v2, v5;
	(pc) =	sbr.rel @p1 .LBB2_2-.Ltmp1, $3  }
0x99: {  	_ = 	snop  }
0x9a: {  	v2 =	vadd.f32 v3, v2;
	_ =	sdelay $0x1  }
0x9b: {  	[tilespmem:s19+$0x18180] =	vst v2  }
0x9c: {  	s17 =	simm.s32 $0x0;
	s19 =	rddreg [dreg:$0x10]  }
0x9d: {  	[tilespmem:s29], [sflag:$0x5] =	stream.linear.gather [hbm4b:s19+s17], $0x80, $0x38;
	[tilespmem:$0x1C510] =	vst v63  }
0x9e: {  	_ =	swait.ge [sflag:s30], $0x80  }
0x9f: {  	[sflag:s30] =	ssyncset.done $0x0  }
0xa0: {  	s25 =	rddreg [dreg:$0x11];
	[sflag:s30] =	ssyncadd.s32 $0xFFFFFF80  }
0xa1: {  	[tilespmem:s31], [sflag:$0x5] =	stream.linear.gather [hbm4b:s25+s17], $0x80, $0x38;
	[tilespmem:$0x1C510] =	vst v63  }
0xa2: {  	_ =	swait.ge [sflag:s30], $0x80  }
0xa3: {  	[sflag:s30] =	ssyncset.done $0x0  }
0xa4: {  	[sflag:s30] =	ssyncadd.s32 $0xFFFFFF80  }
0xa5: {  	[tilespmem:s21], [sflag:$0x1] =	stream.indirect.gather [hbm4b:s0+s18], $0x80, s29, s18, $0xb8;
	[tilespmem:$0x1C510] =	vst v63  }
0xa6: {  	_ = 	snop  }
0xa7: {  	[tilespmem:s2], [sflag:$0x1] =	stream.indirect.gather [hbm4b:s0+s18], $0x80, s31, s18, $0xb8;
	[tilespmem:$0x1C510] =	vst v63  }
0xa8: {  	_ =	swait.ge [sflag:s13], $0x4000  }
0xa9: {  	[sflag:s13] =	ssyncset.done $0x0  }
0xaa: {  	[sflag:s13] =	ssyncadd.s32 $0xFFFFC000  }
0xab: {  	_ =	swait.ge [sflag:s13], $0x4000  }
0xac: {  	[sflag:s13] =	ssyncset.done $0x0  }
0xad: {  	[sflag:s13] =	ssyncadd.s32 $0xFFFFC000  }
.LBB2_6:
0xae: {  	s19 =	sshll.u32 s17, $0x4  }
0xaf: {  	s20 =	simm.s32 $0x7;
	v2 =	vmov s19  }
0xb0: {  	v3 =	vadd.s32 s20, v0;
	v2 =	vshll.u32 v2, $0x7  }
0xb1: {  	s25 =	simm.s32 $0x5;
	v3 =	vand.u32 $0x7F, v3;
	v2 =	vor.u32 v1, v2  }
0xb2: {  	v4 =	vadd.s32 s25, v0;
	v5 =	vor.u32 v2, v3  }
0xb3: {  	s22 =	simm.s32 $0x3;
	v3 =	vand.u32 $0x7F, v4  }
0xb4: {  	v4 =	vadd.s32 s22, v0;
	v7 =	vor.u32 v2, v3  }
0xb5: {  	s23 =	simm.s32 $0x1;
	v3 =	vand.u32 $0x7F, v4  }
0xb6: {  	v4 =	vadd.s32 s23, v0;
	v8 =	vor.u32 v2, v3  }
0xb7: {  	s24 =	simm.s32 $0x0;
	v4 =	vand.u32 $0x7F, v4;
	v3 =	vld.idx.msk [tilespmem:v5+s5+$0x0], $0xffff  }
0xb8: {  	v9 =	vor.u32 v2, v4;
	v4 =	vadd.s32 s24, v0;
	v6 =	vld.idx.msk [tilespmem:v5+s6+$0x0], $0xffff  }
0xb9: {  	s25 =	simm.s32 $0x2;
	v5 =	vand.u32 $0x7F, v4;
	v4 =	vld.idx.msk [tilespmem:v7+s5+$0x0], $0xffff  }
0xba: {  	v10 =	vadd.s32 s25, v0;
	v11 =	vor.u32 v2, v5;
	v5 =	vld.idx.msk [tilespmem:v7+s6+$0x0], $0xffff  }
0xbb: {  	s22 =	simm.s32 $0x4;
	v7 =	vand.u32 $0x7F, v10;
	v16 =	vld.idx.msk [tilespmem:v8+s5+$0x0], $0xffff  }
0xbc: {  	v10 =	vadd.s32 s22, v0;
	v7 =	vor.u32 v2, v7;
	v17 =	vld.idx.msk [tilespmem:v8+s6+$0x0], $0xffff  }
0xbd: {  	s23 =	simm.s32 $0x6;
	v10 =	vand.u32 $0x7F, v10;
	v8 =	vld.idx.msk [tilespmem:v9+s5+$0x0], $0xffff  }
0xbe: {  	s20 =	simm.s32 $0xF;
	v12 =	vadd.s32 s23, v0;
	v13 =	vld.idx.msk [tilespmem:v9+s6+$0x0], $0xffff;
	v10 =	vor.u32 v2, v10  }
0xbf: {  	v9 =	vand.u32 $0x7F, v12;
	v12 =	vadd.s32 s20, v0;
	v18 =	vld.idx.msk [tilespmem:v11+s5+$0x0], $0xffff  }
0xc0: {  	v20 =	vor.u32 v2, v9;
	v9 =	vand.u32 $0x7F, v12;
	v19 =	vld.idx.msk [tilespmem:v11+s6+$0x0], $0xffff  }
0xc1: {  	s22 =	simm.s32 $0xD;
	v24 =	vor.u32 v2, v9;
	v22 =	vld.idx.msk [tilespmem:v7+s5+$0x0], $0xffff  }
0xc2: {  	s24 =	simm.s32 $0xB;
	v25 =	vld.idx.msk [tilespmem:v7+s6+$0x0], $0xffff;
	v7 =	vadd.s32 s22, v0  }
0xc3: {  	v23 =	vimm.f32 $0.0e+00;
	s23 =	simm.s32 $0x9;
	v12 =	vadd.s32 s24, v0;
	v9 =	vld.idx.msk [tilespmem:v10+s5+$0x0], $0xffff;
	v7 =	vand.u32 $0x7F, v7  }
0xc4: {  	s24 =	simm.s32 $0x8;
	v14 =	vand.u32 $0x7F, v12;
	v11 =	vadd.s32 s23, v0;
	v12 =	vld.idx.msk [tilespmem:v10+s6+$0x0], $0xffff;
	v15 =	vor.u32 v2, v7  }
0xc5: {  	v14 =	vor.u32 v2, v14;
	v11 =	vand.u32 $0x7F, v11;
	v10 =	vld.idx.msk [tilespmem:v20+s5+$0x0], $0xffff;
	v7 =	vadd.s32 s24, v0  }
0xc6: {  	s25 =	simm.s32 $0xA;
	v21 =	vand.u32 $0x7F, v7;
	v7 =	vld.idx.msk [tilespmem:v24+s6+$0x0], $0xffff;
	v18 =	vmul.f32 v19, v18;
	v19 =	vmul.f32 v13, v8  }
0xc7: {  	v16 =	vmul.f32 v17, v16;
	v11 =	vor.u32 v2, v11;
	v13 =	vld.idx.msk [tilespmem:v20+s6+$0x0], $0xffff;
	v20 =	vadd.s32 s25, v0  }
0xc8: {  	s22 =	simm.s32 $0x17;
	v8 =	vld.idx.msk [tilespmem:v24+s5+$0x0], $0xffff;
	v18 =	vadd.f32 v18, v23;
	v17 =	vadd.f32 v19, v23;
	v19 =	vmul.f32 v25, v22  }
.LBB2_7:
0xc9: {  	p1 =	sne.s32 s22, $0x7F;
	v21 =	vor.u32 v2, v21;
	v20 =	vand.u32 $0x7F, v20;
	v22 =	vmul.f32 v5, v4;
	v4 =	vld.idx.msk [tilespmem:v15+s5+$0x0], $0xffff  }
0xca: {  	s23 =	sadd.s32 $0xFFFFFFFD, s20;
	v9 =	vmul.f32 v12, v9;
	v5 =	vld.idx.msk [tilespmem:v15+s6+$0x0], $0xffff;
	v15 =	vadd.f32 v19, v18;
	v16 =	vadd.f32 v16, v17  }
0xcb: {  	v6 =	vmul.f32 v6, v3;
	v12 =	vor.u32 v2, v20;
	v18 =	vadd.s32 s23, v0;
	v17 =	vld.idx.msk [tilespmem:v14+s5+$0x0], $0xffff  }
0xcc: {  	s23 =	sadd.s32 $0xFFFFFFFF, s20;
	s20 =	smov.u32 s22;
	v10 =	vmul.f32 v13, v10;
	v19 =	vld.idx.msk [tilespmem:v14+s6+$0x0], $0xffff;
	v9 =	vadd.f32 v9, v15;
	v14 =	vadd.f32 v22, v16  }
0xcd: {  	v15 =	vand.u32 $0x7F, v18;
	v16 =	vadd.s32 s23, v0;
	v3 =	vmov v8;
	v13 =	vld.idx.msk [tilespmem:v11+s5+$0x0], $0xffff  }
0xce: {  	v8 =	vld.idx.msk [tilespmem:v11+s6+$0x0], $0xffff;
	v11 =	vor.u32 v2, v15;
	v18 =	vadd.f32 v10, v9;
	v22 =	vadd.f32 v6, v14  }
0xcf: {  	v9 =	vand.u32 $0x7F, v16;
	v6 =	vmov v7;
	v20 =	vld.idx.msk [tilespmem:v21+s5+$0x0], $0xffff  }
0xd0: {  	v7 =	vadd.s32 s22, v0;
	v16 =	vld.idx.msk [tilespmem:v21+s6+$0x0], $0xffff;
	v21 =	vor.u32 v2, v9  }
0xd1: {  	s23 =	sadd.s32 $0xFFFFFFFE, s22;
	v7 =	vand.u32 $0x7F, v7;
	v23 =	vld.idx.msk [tilespmem:v12+s5+$0x0], $0xffff  }
0xd2: {  	s24 =	sadd.s32 $0xFFFFFFFA, s22;
	s25 =	sadd.s32 $0xFFFFFFFC, s22;
	v9 =	vadd.s32 s23, v0;
	v7 =	vor.u32 v2, v7;
	v24 =	vld.idx.msk [tilespmem:v12+s6+$0x0], $0xffff  }
0xd3: {  	v10 =	vadd.s32 s24, v0;
	v14 =	vand.u32 $0x7F, v9;
	v12 =	vadd.s32 s25, v0;
	v9 =	vld.idx.msk [tilespmem:v11+s5+$0x0], $0xffff  }
.Ltmp2:
0xd4: {  	v10 =	vand.u32 $0x7F, v10;
	v15 =	vor.u32 v2, v14;
	v25 =	vand.u32 $0x7F, v12;
	v12 =	vld.idx.msk [tilespmem:v11+s6+$0x0], $0xffff;
	(pc) =	sbr.rel @p1 .LBB2_7-.Ltmp2, $4  }
0xd5: {  	s23 =	sadd.s32 $0xFFFFFFF9, s22;
	v11 =	vor.u32 v2, v10;
	v14 =	vor.u32 v2, v25;
	v10 =	vld.idx.msk [tilespmem:v21+s5+$0x0], $0xffff  }
0xd6: {  	v27 =	vmul.f32 v8, v13;
	v25 =	vadd.s32 s23, v0;
	s23 =	sadd.s32 $0xFFFFFFFB, s22;
	v26 =	vmul.f32 v16, v20;
	v13 =	vld.idx.msk [tilespmem:v21+s6+$0x0], $0xffff  }
0xd7: {  	v20 =	vadd.s32 s23, v0;
	v16 =	vmul.f32 v19, v17;
	v21 =	vand.u32 $0x7F, v25;
	v8 =	vld.idx.msk [tilespmem:v7+s5+$0x0], $0xffff  }
0xd8: {  	s22 =	sadd.s32 $0x8, s22;
	v17 =	vadd.f32 v27, v22;
	v18 =	vadd.f32 v26, v18;
	v19 =	vmul.f32 v24, v23;
	v7 =	vld.idx.msk [tilespmem:v7+s6+$0x0], $0xffff  }
0xd9: {  	_ =	sdelay $0x3  }
0xda: {  	v22 =	vld.idx.msk [tilespmem:v15+s5+$0x0], $0xffff  }
0xdb: {  	v21 =	vor.u32 v2, v21;
	v49 =	vld.idx.msk [tilespmem:v15+s6+$0x0], $0xffff  }
0xdc: {  	v20 =	vand.u32 $0x7F, v20;
	s22 =	sadd.s32 $0xFFFFFFFD, s20;
	v23 =	vld.idx.msk [tilespmem:v14+s5+$0x0], $0xffff  }
0xdd: {  	v50 =	vld.idx.msk [tilespmem:v14+s6+$0x0], $0xffff;
	v20 =	vor.u32 v2, v20;
	v24 =	vadd.s32 s22, v0  }
0xde: {  	s25 =	sadd.s32 $0xFFFFFFFF, s20;
	v25 =	vld.idx.msk [tilespmem:v11+s5+$0x0], $0xffff;
	v24 =	vand.u32 $0x7F, v24  }
0xdf: {  	v51 =	vld.idx.msk [tilespmem:v11+s6+$0x0], $0xffff;
	v26 =	vadd.s32 s25, v0;
	v24 =	vor.u32 v2, v24  }
0xe0: {  	v26 =	vand.u32 $0x7F, v26;
	v27 =	vld.idx.msk [tilespmem:v21+s5+$0x0], $0xffff  }
0xe1: {  	v9 =	vmul.f32 v12, v9;
	v18 =	vadd.f32 v19, v18;
	v2 =	vor.u32 v2, v26;
	v52 =	vld.idx.msk [tilespmem:v21+s6+$0x0], $0xffff  }
0xe2: {  	v4 =	vmul.f32 v5, v4;
	v53 =	vadd.f32 v16, v17;
	v54 =	vld.idx.msk [tilespmem:v20+s5+$0x0], $0xffff  }
0xe3: {  	v10 =	vmul.f32 v13, v10;
	v9 =	vadd.f32 v9, v18;
	v55 =	vld.idx.msk [tilespmem:v20+s6+$0x0], $0xffff  }
0xe4: {  	v3 =	vmul.f32 v6, v3;
	v4 =	vadd.f32 v4, v53;
	v56 =	vld.idx.msk [tilespmem:v24+s5+$0x0], $0xffff  }
0xe5: {  	v57 =	vadd.f32 v10, v9;
	v58 =	vld.idx.msk [tilespmem:v24+s6+$0x0], $0xffff  }
0xe6: {  	v3 =	vadd.f32 v3, v4;
	v11 =	vmul.f32 v51, v25;
	v59 =	vld.idx.msk [tilespmem:v2+s5+$0x0], $0xffff;
	v60 =	vmul.f32 v52, v27  }
0xe7: {  	v61 =	vmul.f32 v50, v23;
	v2 =	vld.idx.msk [tilespmem:v2+s6+$0x0], $0xffff  }
0xe8: {  	v3 =	vadd.f32 v11, v3;
	v62 =	vmul.f32 v55, v54;
	v6 =	vadd.f32 v60, v57  }
0xe9: {  	v63 =	vmul.f32 v49, v22  }
0xea: {  	v3 =	vadd.f32 v61, v3;
	v5 =	vmul.f32 v58, v56;
	v6 =	vadd.f32 v62, v6  }
0xeb: {  	v7 =	vmul.f32 v7, v8  }
0xec: {  	s17 =	sadd.s32 $0x1, s17;
	v3 =	vadd.f32 v63, v3;
	v2 =	vmul.f32 v2, v59;
	v5 =	vadd.f32 v5, v6  }
0xed: {  	p1 =	sne.s32 s17, $0x8  }
.Ltmp3:
0xee: {  	v3 =	vadd.f32 v7, v3;
	v2 =	vadd.f32 v2, v5;
	(pc) =	sbr.rel @p1 .LBB2_6-.Ltmp3, $3  }
0xef: {  	_ = 	snop  }
0xf0: {  	v2 =	vadd.f32 v3, v2;
	_ =	sdelay $0x1  }
0xf1: {  	[tilespmem:s19+$0x18200] =	vst v2  }
0xf2: {  	s17 =	simm.s32 $0x0;
	s19 =	rddreg [dreg:$0x12]  }
0xf3: {  	[tilespmem:s3], [sflag:$0x5] =	stream.linear.gather [hbm4b:s19+s17], $0x80, $0x38;
	[tilespmem:$0x1C510] =	vst v63  }
0xf4: {  	_ =	swait.ge [sflag:s30], $0x80  }
0xf5: {  	[sflag:s30] =	ssyncset.done $0x0  }
0xf6: {  	s25 =	rddreg [dreg:$0x13];
	[sflag:s30] =	ssyncadd.s32 $0xFFFFFF80  }
0xf7: {  	[tilespmem:s4], [sflag:$0x5] =	stream.linear.gather [hbm4b:s25+s17], $0x80, $0x38;
	[tilespmem:$0x1C510] =	vst v63  }
0xf8: {  	_ =	swait.ge [sflag:s30], $0x80  }
0xf9: {  	[sflag:s30] =	ssyncset.done $0x0  }
0xfa: {  	[sflag:s30] =	ssyncadd.s32 $0xFFFFFF80  }
0xfb: {  	[tilespmem:s5], [sflag:$0x2] =	stream.indirect.gather [hbm4b:s0+s18], $0x80, s3, s18, $0xb8;
	[tilespmem:$0x1C510] =	vst v63  }
0xfc: {  	_ = 	snop  }
0xfd: {  	[tilespmem:s6], [sflag:$0x2] =	stream.indirect.gather [hbm4b:s0+s18], $0x80, s4, s18, $0xb8;
	[tilespmem:$0x1C510] =	vst v63  }
0xfe: {  	_ =	swait.ge [sflag:s14], $0x4000  }
0xff: {  	[sflag:s14] =	ssyncset.done $0x0  }
0x100: {  	[sflag:s14] =	ssyncadd.s32 $0xFFFFC000  }
0x101: {  	_ =	swait.ge [sflag:s14], $0x4000  }
0x102: {  	[sflag:s14] =	ssyncset.done $0x0  }
0x103: {  	[sflag:s14] =	ssyncadd.s32 $0xFFFFC000  }
.LBB2_10:
0x104: {  	s19 =	sshll.u32 s17, $0x4  }
0x105: {  	s20 =	simm.s32 $0x7;
	v2 =	vmov s19  }
0x106: {  	v3 =	vadd.s32 s20, v0;
	v2 =	vshll.u32 v2, $0x7  }
0x107: {  	s25 =	simm.s32 $0x5;
	v3 =	vand.u32 $0x7F, v3;
	v2 =	vor.u32 v1, v2  }
0x108: {  	v4 =	vadd.s32 s25, v0;
	v5 =	vor.u32 v2, v3  }
0x109: {  	s22 =	simm.s32 $0x3;
	v3 =	vand.u32 $0x7F, v4  }
0x10a: {  	v4 =	vadd.s32 s22, v0;
	v7 =	vor.u32 v2, v3  }
0x10b: {  	s23 =	simm.s32 $0x1;
	v3 =	vand.u32 $0x7F, v4  }
0x10c: {  	v4 =	vadd.s32 s23, v0;
	v8 =	vor.u32 v2, v3  }
0x10d: {  	s24 =	simm.s32 $0x0;
	v4 =	vand.u32 $0x7F, v4;
	v3 =	vld.idx.msk [tilespmem:v5+s10+$0x0], $0xffff  }
0x10e: {  	v9 =	vor.u32 v2, v4;
	v4 =	vadd.s32 s24, v0;
	v6 =	vld.idx.msk [tilespmem:v5+s11+$0x0], $0xffff  }
0x10f: {  	s25 =	simm.s32 $0x2;
	v5 =	vand.u32 $0x7F, v4;
	v4 =	vld.idx.msk [tilespmem:v7+s10+$0x0], $0xffff  }
0x110: {  	v10 =	vadd.s32 s25, v0;
	v11 =	vor.u32 v2, v5;
	v5 =	vld.idx.msk [tilespmem:v7+s11+$0x0], $0xffff  }
0x111: {  	s22 =	simm.s32 $0x4;
	v7 =	vand.u32 $0x7F, v10;
	v16 =	vld.idx.msk [tilespmem:v8+s10+$0x0], $0xffff  }
0x112: {  	v10 =	vadd.s32 s22, v0;
	v7 =	vor.u32 v2, v7;
	v17 =	vld.idx.msk [tilespmem:v8+s11+$0x0], $0xffff  }
0x113: {  	s23 =	simm.s32 $0x6;
	v10 =	vand.u32 $0x7F, v10;
	v8 =	vld.idx.msk [tilespmem:v9+s10+$0x0], $0xffff  }
0x114: {  	s20 =	simm.s32 $0xF;
	v12 =	vadd.s32 s23, v0;
	v13 =	vld.idx.msk [tilespmem:v9+s11+$0x0], $0xffff;
	v10 =	vor.u32 v2, v10  }
0x115: {  	v9 =	vand.u32 $0x7F, v12;
	v12 =	vadd.s32 s20, v0;
	v18 =	vld.idx.msk [tilespmem:v11+s10+$0x0], $0xffff  }
0x116: {  	v20 =	vor.u32 v2, v9;
	v9 =	vand.u32 $0x7F, v12;
	v19 =	vld.idx.msk [tilespmem:v11+s11+$0x0], $0xffff  }
0x117: {  	s22 =	simm.s32 $0xD;
	v24 =	vor.u32 v2, v9;
	v22 =	vld.idx.msk [tilespmem:v7+s10+$0x0], $0xffff  }
0x118: {  	s24 =	simm.s32 $0xB;
	v25 =	vld.idx.msk [tilespmem:v7+s11+$0x0], $0xffff;
	v7 =	vadd.s32 s22, v0  }
0x119: {  	v23 =	vimm.f32 $0.0e+00;
	s23 =	simm.s32 $0x9;
	v12 =	vadd.s32 s24, v0;
	v9 =	vld.idx.msk [tilespmem:v10+s10+$0x0], $0xffff;
	v7 =	vand.u32 $0x7F, v7  }
0x11a: {  	s24 =	simm.s32 $0x8;
	v14 =	vand.u32 $0x7F, v12;
	v11 =	vadd.s32 s23, v0;
	v12 =	vld.idx.msk [tilespmem:v10+s11+$0x0], $0xffff;
	v15 =	vor.u32 v2, v7  }
0x11b: {  	v14 =	vor.u32 v2, v14;
	v11 =	vand.u32 $0x7F, v11;
	v10 =	vld.idx.msk [tilespmem:v20+s10+$0x0], $0xffff;
	v7 =	vadd.s32 s24, v0  }
0x11c: {  	s25 =	simm.s32 $0xA;
	v21 =	vand.u32 $0x7F, v7;
	v7 =	vld.idx.msk [tilespmem:v24+s11+$0x0], $0xffff;
	v18 =	vmul.f32 v19, v18;
	v19 =	vmul.f32 v13, v8  }
0x11d: {  	v16 =	vmul.f32 v17, v16;
	v11 =	vor.u32 v2, v11;
	v13 =	vld.idx.msk [tilespmem:v20+s11+$0x0], $0xffff;
	v20 =	vadd.s32 s25, v0  }
0x11e: {  	s22 =	simm.s32 $0x17;
	v8 =	vld.idx.msk [tilespmem:v24+s10+$0x0], $0xffff;
	v18 =	vadd.f32 v18, v23;
	v17 =	vadd.f32 v19, v23;
	v19 =	vmul.f32 v25, v22  }
.LBB2_11:
0x11f: {  	p1 =	sne.s32 s22, $0x7F;
	v21 =	vor.u32 v2, v21;
	v20 =	vand.u32 $0x7F, v20;
	v22 =	vmul.f32 v5, v4;
	v4 =	vld.idx.msk [tilespmem:v15+s10+$0x0], $0xffff  }
0x120: {  	s23 =	sadd.s32 $0xFFFFFFFD, s20;
	v9 =	vmul.f32 v12, v9;
	v5 =	vld.idx.msk [tilespmem:v15+s11+$0x0], $0xffff;
	v15 =	vadd.f32 v19, v18;
	v16 =	vadd.f32 v16, v17  }
0x121: {  	v6 =	vmul.f32 v6, v3;
	v12 =	vor.u32 v2, v20;
	v18 =	vadd.s32 s23, v0;
	v17 =	vld.idx.msk [tilespmem:v14+s10+$0x0], $0xffff  }
0x122: {  	s23 =	sadd.s32 $0xFFFFFFFF, s20;
	s20 =	smov.u32 s22;
	v10 =	vmul.f32 v13, v10;
	v19 =	vld.idx.msk [tilespmem:v14+s11+$0x0], $0xffff;
	v9 =	vadd.f32 v9, v15;
	v14 =	vadd.f32 v22, v16  }
0x123: {  	v15 =	vand.u32 $0x7F, v18;
	v16 =	vadd.s32 s23, v0;
	v3 =	vmov v8;
	v13 =	vld.idx.msk [tilespmem:v11+s10+$0x0], $0xffff  }
0x124: {  	v8 =	vld.idx.msk [tilespmem:v11+s11+$0x0], $0xffff;
	v11 =	vor.u32 v2, v15;
	v18 =	vadd.f32 v10, v9;
	v22 =	vadd.f32 v6, v14  }
0x125: {  	v9 =	vand.u32 $0x7F, v16;
	v6 =	vmov v7;
	v20 =	vld.idx.msk [tilespmem:v21+s10+$0x0], $0xffff  }
0x126: {  	v7 =	vadd.s32 s22, v0;
	v16 =	vld.idx.msk [tilespmem:v21+s11+$0x0], $0xffff;
	v21 =	vor.u32 v2, v9  }
0x127: {  	s23 =	sadd.s32 $0xFFFFFFFE, s22;
	v7 =	vand.u32 $0x7F, v7;
	v23 =	vld.idx.msk [tilespmem:v12+s10+$0x0], $0xffff  }
0x128: {  	s24 =	sadd.s32 $0xFFFFFFFA, s22;
	s25 =	sadd.s32 $0xFFFFFFFC, s22;
	v9 =	vadd.s32 s23, v0;
	v7 =	vor.u32 v2, v7;
	v24 =	vld.idx.msk [tilespmem:v12+s11+$0x0], $0xffff  }
0x129: {  	v10 =	vadd.s32 s24, v0;
	v14 =	vand.u32 $0x7F, v9;
	v12 =	vadd.s32 s25, v0;
	v9 =	vld.idx.msk [tilespmem:v11+s10+$0x0], $0xffff  }
.Ltmp4:
0x12a: {  	v10 =	vand.u32 $0x7F, v10;
	v15 =	vor.u32 v2, v14;
	v25 =	vand.u32 $0x7F, v12;
	v12 =	vld.idx.msk [tilespmem:v11+s11+$0x0], $0xffff;
	(pc) =	sbr.rel @p1 .LBB2_11-.Ltmp4, $4  }
0x12b: {  	s23 =	sadd.s32 $0xFFFFFFF9, s22;
	v11 =	vor.u32 v2, v10;
	v14 =	vor.u32 v2, v25;
	v10 =	vld.idx.msk [tilespmem:v21+s10+$0x0], $0xffff  }
0x12c: {  	v27 =	vmul.f32 v8, v13;
	v25 =	vadd.s32 s23, v0;
	s23 =	sadd.s32 $0xFFFFFFFB, s22;
	v26 =	vmul.f32 v16, v20;
	v13 =	vld.idx.msk [tilespmem:v21+s11+$0x0], $0xffff  }
0x12d: {  	v20 =	vadd.s32 s23, v0;
	v16 =	vmul.f32 v19, v17;
	v21 =	vand.u32 $0x7F, v25;
	v8 =	vld.idx.msk [tilespmem:v7+s10+$0x0], $0xffff  }
0x12e: {  	s22 =	sadd.s32 $0x8, s22;
	v17 =	vadd.f32 v27, v22;
	v18 =	vadd.f32 v26, v18;
	v19 =	vmul.f32 v24, v23;
	v7 =	vld.idx.msk [tilespmem:v7+s11+$0x0], $0xffff  }
0x12f: {  	_ =	sdelay $0x3  }
0x130: {  	v22 =	vld.idx.msk [tilespmem:v15+s10+$0x0], $0xffff  }
0x131: {  	v21 =	vor.u32 v2, v21;
	v49 =	vld.idx.msk [tilespmem:v15+s11+$0x0], $0xffff  }
0x132: {  	v20 =	vand.u32 $0x7F, v20;
	s22 =	sadd.s32 $0xFFFFFFFD, s20;
	v23 =	vld.idx.msk [tilespmem:v14+s10+$0x0], $0xffff  }
0x133: {  	v50 =	vld.idx.msk [tilespmem:v14+s11+$0x0], $0xffff;
	v20 =	vor.u32 v2, v20;
	v24 =	vadd.s32 s22, v0  }
0x134: {  	s25 =	sadd.s32 $0xFFFFFFFF, s20;
	v25 =	vld.idx.msk [tilespmem:v11+s10+$0x0], $0xffff;
	v24 =	vand.u32 $0x7F, v24  }
0x135: {  	v51 =	vld.idx.msk [tilespmem:v11+s11+$0x0], $0xffff;
	v26 =	vadd.s32 s25, v0;
	v24 =	vor.u32 v2, v24  }
0x136: {  	v26 =	vand.u32 $0x7F, v26;
	v27 =	vld.idx.msk [tilespmem:v21+s10+$0x0], $0xffff  }
0x137: {  	v9 =	vmul.f32 v12, v9;
	v18 =	vadd.f32 v19, v18;
	v2 =	vor.u32 v2, v26;
	v52 =	vld.idx.msk [tilespmem:v21+s11+$0x0], $0xffff  }
0x138: {  	v4 =	vmul.f32 v5, v4;
	v53 =	vadd.f32 v16, v17;
	v54 =	vld.idx.msk [tilespmem:v20+s10+$0x0], $0xffff  }
0x139: {  	v10 =	vmul.f32 v13, v10;
	v9 =	vadd.f32 v9, v18;
	v55 =	vld.idx.msk [tilespmem:v20+s11+$0x0], $0xffff  }
0x13a: {  	v3 =	vmul.f32 v6, v3;
	v4 =	vadd.f32 v4, v53;
	v56 =	vld.idx.msk [tilespmem:v24+s10+$0x0], $0xffff  }
0x13b: {  	v57 =	vadd.f32 v10, v9;
	v58 =	vld.idx.msk [tilespmem:v24+s11+$0x0], $0xffff  }
0x13c: {  	v3 =	vadd.f32 v3, v4;
	v11 =	vmul.f32 v51, v25;
	v59 =	vld.idx.msk [tilespmem:v2+s10+$0x0], $0xffff;
	v60 =	vmul.f32 v52, v27  }
0x13d: {  	v61 =	vmul.f32 v50, v23;
	v2 =	vld.idx.msk [tilespmem:v2+s11+$0x0], $0xffff  }
0x13e: {  	v3 =	vadd.f32 v11, v3;
	v62 =	vmul.f32 v55, v54;
	v6 =	vadd.f32 v60, v57  }
0x13f: {  	v63 =	vmul.f32 v49, v22  }
0x140: {  	v3 =	vadd.f32 v61, v3;
	v5 =	vmul.f32 v58, v56;
	v6 =	vadd.f32 v62, v6  }
0x141: {  	v7 =	vmul.f32 v7, v8  }
0x142: {  	s17 =	sadd.s32 $0x1, s17;
	v3 =	vadd.f32 v63, v3;
	v2 =	vmul.f32 v2, v59;
	v5 =	vadd.f32 v5, v6  }
0x143: {  	p1 =	sne.s32 s17, $0x8  }
.Ltmp5:
0x144: {  	v3 =	vadd.f32 v7, v3;
	v2 =	vadd.f32 v2, v5;
	(pc) =	sbr.rel @p1 .LBB2_10-.Ltmp5, $3  }
0x145: {  	_ = 	snop  }
0x146: {  	v2 =	vadd.f32 v3, v2;
	_ =	sdelay $0x1  }
0x147: {  	[tilespmem:s19+$0x18280] =	vst v2  }
0x148: {  	s17 =	simm.s32 $0x0;
	s19 =	rddreg [dreg:$0x14]  }
0x149: {  	[tilespmem:s8], [sflag:$0x5] =	stream.linear.gather [hbm4b:s19+s17], $0x80, $0x38;
	[tilespmem:$0x1C510] =	vst v63  }
0x14a: {  	_ =	swait.ge [sflag:s30], $0x80  }
0x14b: {  	[sflag:s30] =	ssyncset.done $0x0  }
0x14c: {  	s25 =	rddreg [dreg:$0x15];
	[sflag:s30] =	ssyncadd.s32 $0xFFFFFF80  }
0x14d: {  	[tilespmem:s9], [sflag:$0x5] =	stream.linear.gather [hbm4b:s25+s17], $0x80, $0x38;
	[tilespmem:$0x1C510] =	vst v63  }
0x14e: {  	_ =	swait.ge [sflag:s30], $0x80  }
0x14f: {  	[sflag:s30] =	ssyncset.done $0x0  }
0x150: {  	[sflag:s30] =	ssyncadd.s32 $0xFFFFFF80  }
0x151: {  	[tilespmem:s10], [sflag:$0x3] =	stream.indirect.gather [hbm4b:s0+s18], $0x80, s8, s18, $0xb8;
	[tilespmem:$0x1C510] =	vst v63  }
0x152: {  	_ = 	snop  }
0x153: {  	[tilespmem:s11], [sflag:$0x3] =	stream.indirect.gather [hbm4b:s0+s18], $0x80, s9, s18, $0xb8;
	[tilespmem:$0x1C510] =	vst v63  }
0x154: {  	_ =	swait.ge [sflag:s12], $0x4000  }
0x155: {  	[sflag:s12] =	ssyncset.done $0x0  }
0x156: {  	[sflag:s12] =	ssyncadd.s32 $0xFFFFC000  }
0x157: {  	_ =	swait.ge [sflag:s12], $0x4000  }
0x158: {  	[sflag:s12] =	ssyncset.done $0x0  }
0x159: {  	[sflag:s12] =	ssyncadd.s32 $0xFFFFC000  }
.LBB2_14:
0x15a: {  	s19 =	sshll.u32 s17, $0x4  }
0x15b: {  	s20 =	simm.s32 $0x7;
	v2 =	vmov s19  }
0x15c: {  	v3 =	vadd.s32 s20, v0;
	v2 =	vshll.u32 v2, $0x7  }
0x15d: {  	s25 =	simm.s32 $0x5;
	v3 =	vand.u32 $0x7F, v3;
	v2 =	vor.u32 v1, v2  }
0x15e: {  	v4 =	vadd.s32 s25, v0;
	v5 =	vor.u32 v2, v3  }
0x15f: {  	s22 =	simm.s32 $0x3;
	v3 =	vand.u32 $0x7F, v4  }
0x160: {  	v4 =	vadd.s32 s22, v0;
	v7 =	vor.u32 v2, v3  }
0x161: {  	s23 =	simm.s32 $0x1;
	v3 =	vand.u32 $0x7F, v4  }
0x162: {  	v4 =	vadd.s32 s23, v0;
	v8 =	vor.u32 v2, v3  }
0x163: {  	s24 =	simm.s32 $0x0;
	v4 =	vand.u32 $0x7F, v4;
	v3 =	vld.idx.msk [tilespmem:v5+s21+$0x0], $0xffff  }
0x164: {  	v9 =	vor.u32 v2, v4;
	v4 =	vadd.s32 s24, v0;
	v6 =	vld.idx.msk [tilespmem:v5+s2+$0x0], $0xffff  }
0x165: {  	s25 =	simm.s32 $0x2;
	v5 =	vand.u32 $0x7F, v4;
	v4 =	vld.idx.msk [tilespmem:v7+s21+$0x0], $0xffff  }
0x166: {  	v10 =	vadd.s32 s25, v0;
	v11 =	vor.u32 v2, v5;
	v5 =	vld.idx.msk [tilespmem:v7+s2+$0x0], $0xffff  }
0x167: {  	s22 =	simm.s32 $0x4;
	v7 =	vand.u32 $0x7F, v10;
	v16 =	vld.idx.msk [tilespmem:v8+s21+$0x0], $0xffff  }
0x168: {  	v10 =	vadd.s32 s22, v0;
	v7 =	vor.u32 v2, v7;
	v17 =	vld.idx.msk [tilespmem:v8+s2+$0x0], $0xffff  }
0x169: {  	s23 =	simm.s32 $0x6;
	v10 =	vand.u32 $0x7F, v10;
	v8 =	vld.idx.msk [tilespmem:v9+s21+$0x0], $0xffff  }
0x16a: {  	s20 =	simm.s32 $0xF;
	v12 =	vadd.s32 s23, v0;
	v13 =	vld.idx.msk [tilespmem:v9+s2+$0x0], $0xffff;
	v10 =	vor.u32 v2, v10  }
0x16b: {  	v9 =	vand.u32 $0x7F, v12;
	v12 =	vadd.s32 s20, v0;
	v18 =	vld.idx.msk [tilespmem:v11+s21+$0x0], $0xffff  }
0x16c: {  	v20 =	vor.u32 v2, v9;
	v9 =	vand.u32 $0x7F, v12;
	v19 =	vld.idx.msk [tilespmem:v11+s2+$0x0], $0xffff  }
0x16d: {  	s22 =	simm.s32 $0xD;
	v24 =	vor.u32 v2, v9;
	v22 =	vld.idx.msk [tilespmem:v7+s21+$0x0], $0xffff  }
0x16e: {  	s24 =	simm.s32 $0xB;
	v25 =	vld.idx.msk [tilespmem:v7+s2+$0x0], $0xffff;
	v7 =	vadd.s32 s22, v0  }
0x16f: {  	v23 =	vimm.f32 $0.0e+00;
	s23 =	simm.s32 $0x9;
	v12 =	vadd.s32 s24, v0;
	v9 =	vld.idx.msk [tilespmem:v10+s21+$0x0], $0xffff;
	v7 =	vand.u32 $0x7F, v7  }
0x170: {  	s24 =	simm.s32 $0x8;
	v14 =	vand.u32 $0x7F, v12;
	v11 =	vadd.s32 s23, v0;
	v12 =	vld.idx.msk [tilespmem:v10+s2+$0x0], $0xffff;
	v15 =	vor.u32 v2, v7  }
0x171: {  	v14 =	vor.u32 v2, v14;
	v11 =	vand.u32 $0x7F, v11;
	v10 =	vld.idx.msk [tilespmem:v20+s21+$0x0], $0xffff;
	v7 =	vadd.s32 s24, v0  }
0x172: {  	s25 =	simm.s32 $0xA;
	v21 =	vand.u32 $0x7F, v7;
	v7 =	vld.idx.msk [tilespmem:v24+s2+$0x0], $0xffff;
	v18 =	vmul.f32 v19, v18;
	v19 =	vmul.f32 v13, v8  }
0x173: {  	v16 =	vmul.f32 v17, v16;
	v11 =	vor.u32 v2, v11;
	v13 =	vld.idx.msk [tilespmem:v20+s2+$0x0], $0xffff;
	v20 =	vadd.s32 s25, v0  }
0x174: {  	s22 =	simm.s32 $0x17;
	v8 =	vld.idx.msk [tilespmem:v24+s21+$0x0], $0xffff;
	v18 =	vadd.f32 v18, v23;
	v17 =	vadd.f32 v19, v23;
	v19 =	vmul.f32 v25, v22  }
.LBB2_15:
0x175: {  	p1 =	sne.s32 s22, $0x7F;
	v21 =	vor.u32 v2, v21;
	v20 =	vand.u32 $0x7F, v20;
	v22 =	vmul.f32 v5, v4;
	v4 =	vld.idx.msk [tilespmem:v15+s21+$0x0], $0xffff  }
0x176: {  	s23 =	sadd.s32 $0xFFFFFFFD, s20;
	v9 =	vmul.f32 v12, v9;
	v5 =	vld.idx.msk [tilespmem:v15+s2+$0x0], $0xffff;
	v15 =	vadd.f32 v19, v18;
	v16 =	vadd.f32 v16, v17  }
0x177: {  	v6 =	vmul.f32 v6, v3;
	v12 =	vor.u32 v2, v20;
	v18 =	vadd.s32 s23, v0;
	v17 =	vld.idx.msk [tilespmem:v14+s21+$0x0], $0xffff  }
0x178: {  	s23 =	sadd.s32 $0xFFFFFFFF, s20;
	s20 =	smov.u32 s22;
	v10 =	vmul.f32 v13, v10;
	v19 =	vld.idx.msk [tilespmem:v14+s2+$0x0], $0xffff;
	v9 =	vadd.f32 v9, v15;
	v14 =	vadd.f32 v22, v16  }
0x179: {  	v15 =	vand.u32 $0x7F, v18;
	v16 =	vadd.s32 s23, v0;
	v3 =	vmov v8;
	v13 =	vld.idx.msk [tilespmem:v11+s21+$0x0], $0xffff  }
0x17a: {  	v8 =	vld.idx.msk [tilespmem:v11+s2+$0x0], $0xffff;
	v11 =	vor.u32 v2, v15;
	v18 =	vadd.f32 v10, v9;
	v22 =	vadd.f32 v6, v14  }
0x17b: {  	v9 =	vand.u32 $0x7F, v16;
	v6 =	vmov v7;
	v20 =	vld.idx.msk [tilespmem:v21+s21+$0x0], $0xffff  }
0x17c: {  	v7 =	vadd.s32 s22, v0;
	v16 =	vld.idx.msk [tilespmem:v21+s2+$0x0], $0xffff;
	v21 =	vor.u32 v2, v9  }
0x17d: {  	s23 =	sadd.s32 $0xFFFFFFFE, s22;
	v7 =	vand.u32 $0x7F, v7;
	v23 =	vld.idx.msk [tilespmem:v12+s21+$0x0], $0xffff  }
0x17e: {  	s24 =	sadd.s32 $0xFFFFFFFA, s22;
	s25 =	sadd.s32 $0xFFFFFFFC, s22;
	v9 =	vadd.s32 s23, v0;
	v7 =	vor.u32 v2, v7;
	v24 =	vld.idx.msk [tilespmem:v12+s2+$0x0], $0xffff  }
0x17f: {  	v10 =	vadd.s32 s24, v0;
	v14 =	vand.u32 $0x7F, v9;
	v12 =	vadd.s32 s25, v0;
	v9 =	vld.idx.msk [tilespmem:v11+s21+$0x0], $0xffff  }
.Ltmp6:
0x180: {  	v10 =	vand.u32 $0x7F, v10;
	v15 =	vor.u32 v2, v14;
	v25 =	vand.u32 $0x7F, v12;
	v12 =	vld.idx.msk [tilespmem:v11+s2+$0x0], $0xffff;
	(pc) =	sbr.rel @p1 .LBB2_15-.Ltmp6, $4  }
0x181: {  	s23 =	sadd.s32 $0xFFFFFFF9, s22;
	v11 =	vor.u32 v2, v10;
	v14 =	vor.u32 v2, v25;
	v10 =	vld.idx.msk [tilespmem:v21+s21+$0x0], $0xffff  }
0x182: {  	v27 =	vmul.f32 v8, v13;
	v25 =	vadd.s32 s23, v0;
	s23 =	sadd.s32 $0xFFFFFFFB, s22;
	v26 =	vmul.f32 v16, v20;
	v13 =	vld.idx.msk [tilespmem:v21+s2+$0x0], $0xffff  }
0x183: {  	v20 =	vadd.s32 s23, v0;
	v16 =	vmul.f32 v19, v17;
	v21 =	vand.u32 $0x7F, v25;
	v8 =	vld.idx.msk [tilespmem:v7+s21+$0x0], $0xffff  }
0x184: {  	s22 =	sadd.s32 $0x8, s22;
	v17 =	vadd.f32 v27, v22;
	v18 =	vadd.f32 v26, v18;
	v19 =	vmul.f32 v24, v23;
	v7 =	vld.idx.msk [tilespmem:v7+s2+$0x0], $0xffff  }
0x185: {  	_ =	sdelay $0x3  }
0x186: {  	v22 =	vld.idx.msk [tilespmem:v15+s21+$0x0], $0xffff  }
0x187: {  	v21 =	vor.u32 v2, v21;
	v49 =	vld.idx.msk [tilespmem:v15+s2+$0x0], $0xffff  }
0x188: {  	v20 =	vand.u32 $0x7F, v20;
	s22 =	sadd.s32 $0xFFFFFFFD, s20;
	v23 =	vld.idx.msk [tilespmem:v14+s21+$0x0], $0xffff  }
0x189: {  	v50 =	vld.idx.msk [tilespmem:v14+s2+$0x0], $0xffff;
	v20 =	vor.u32 v2, v20;
	v24 =	vadd.s32 s22, v0  }
0x18a: {  	s25 =	sadd.s32 $0xFFFFFFFF, s20;
	v25 =	vld.idx.msk [tilespmem:v11+s21+$0x0], $0xffff;
	v24 =	vand.u32 $0x7F, v24  }
0x18b: {  	v51 =	vld.idx.msk [tilespmem:v11+s2+$0x0], $0xffff;
	v26 =	vadd.s32 s25, v0;
	v24 =	vor.u32 v2, v24  }
0x18c: {  	v26 =	vand.u32 $0x7F, v26;
	v27 =	vld.idx.msk [tilespmem:v21+s21+$0x0], $0xffff  }
0x18d: {  	v9 =	vmul.f32 v12, v9;
	v18 =	vadd.f32 v19, v18;
	v2 =	vor.u32 v2, v26;
	v52 =	vld.idx.msk [tilespmem:v21+s2+$0x0], $0xffff  }
0x18e: {  	v4 =	vmul.f32 v5, v4;
	v53 =	vadd.f32 v16, v17;
	v54 =	vld.idx.msk [tilespmem:v20+s21+$0x0], $0xffff  }
0x18f: {  	v10 =	vmul.f32 v13, v10;
	v9 =	vadd.f32 v9, v18;
	v55 =	vld.idx.msk [tilespmem:v20+s2+$0x0], $0xffff  }
0x190: {  	v3 =	vmul.f32 v6, v3;
	v4 =	vadd.f32 v4, v53;
	v56 =	vld.idx.msk [tilespmem:v24+s21+$0x0], $0xffff  }
0x191: {  	v57 =	vadd.f32 v10, v9;
	v58 =	vld.idx.msk [tilespmem:v24+s2+$0x0], $0xffff  }
0x192: {  	v3 =	vadd.f32 v3, v4;
	v11 =	vmul.f32 v51, v25;
	v59 =	vld.idx.msk [tilespmem:v2+s21+$0x0], $0xffff;
	v60 =	vmul.f32 v52, v27  }
0x193: {  	v61 =	vmul.f32 v50, v23;
	v2 =	vld.idx.msk [tilespmem:v2+s2+$0x0], $0xffff  }
0x194: {  	v3 =	vadd.f32 v11, v3;
	v62 =	vmul.f32 v55, v54;
	v6 =	vadd.f32 v60, v57  }
0x195: {  	v63 =	vmul.f32 v49, v22  }
0x196: {  	v3 =	vadd.f32 v61, v3;
	v5 =	vmul.f32 v58, v56;
	v6 =	vadd.f32 v62, v6  }
0x197: {  	v7 =	vmul.f32 v7, v8  }
0x198: {  	s17 =	sadd.s32 $0x1, s17;
	v3 =	vadd.f32 v63, v3;
	v2 =	vmul.f32 v2, v59;
	v5 =	vadd.f32 v5, v6  }
0x199: {  	p1 =	sne.s32 s17, $0x8  }
.Ltmp7:
0x19a: {  	v3 =	vadd.f32 v7, v3;
	v2 =	vadd.f32 v2, v5;
	(pc) =	sbr.rel @p1 .LBB2_14-.Ltmp7, $3  }
0x19b: {  	_ = 	snop  }
0x19c: {  	v2 =	vadd.f32 v3, v2;
	_ =	sdelay $0x1  }
0x19d: {  	[tilespmem:s19+$0x18300] =	vst v2  }
0x19e: {  	s17 =	simm.s32 $0x0;
	s19 =	rddreg [dreg:$0x16]  }
0x19f: {  	[tilespmem:s29], [sflag:$0x5] =	stream.linear.gather [hbm4b:s19+s17], $0x80, $0x38;
	[tilespmem:$0x1C510] =	vst v63  }
0x1a0: {  	_ =	swait.ge [sflag:s30], $0x80  }
0x1a1: {  	[sflag:s30] =	ssyncset.done $0x0  }
0x1a2: {  	s25 =	rddreg [dreg:$0x17];
	[sflag:s30] =	ssyncadd.s32 $0xFFFFFF80  }
0x1a3: {  	[tilespmem:s31], [sflag:$0x5] =	stream.linear.gather [hbm4b:s25+s17], $0x80, $0x38;
	[tilespmem:$0x1C510] =	vst v63  }
0x1a4: {  	_ =	swait.ge [sflag:s30], $0x80  }
0x1a5: {  	[sflag:s30] =	ssyncset.done $0x0  }
0x1a6: {  	[sflag:s30] =	ssyncadd.s32 $0xFFFFFF80  }
0x1a7: {  	[tilespmem:s21], [sflag:$0x1] =	stream.indirect.gather [hbm4b:s0+s18], $0x80, s29, s18, $0xb8;
	[tilespmem:$0x1C510] =	vst v63  }
0x1a8: {  	_ = 	snop  }
0x1a9: {  	[tilespmem:s2], [sflag:$0x1] =	stream.indirect.gather [hbm4b:s0+s18], $0x80, s31, s18, $0xb8;
	[tilespmem:$0x1C510] =	vst v63  }
0x1aa: {  	_ =	swait.ge [sflag:s13], $0x4000  }
0x1ab: {  	[sflag:s13] =	ssyncset.done $0x0  }
0x1ac: {  	[sflag:s13] =	ssyncadd.s32 $0xFFFFC000  }
0x1ad: {  	_ =	swait.ge [sflag:s13], $0x4000  }
0x1ae: {  	[sflag:s13] =	ssyncset.done $0x0  }
0x1af: {  	[sflag:s13] =	ssyncadd.s32 $0xFFFFC000  }
.LBB2_18:
0x1b0: {  	s19 =	sshll.u32 s17, $0x4  }
0x1b1: {  	s20 =	simm.s32 $0x7;
	v2 =	vmov s19  }
0x1b2: {  	v3 =	vadd.s32 s20, v0;
	v2 =	vshll.u32 v2, $0x7  }
0x1b3: {  	s25 =	simm.s32 $0x5;
	v3 =	vand.u32 $0x7F, v3;
	v2 =	vor.u32 v1, v2  }
0x1b4: {  	v4 =	vadd.s32 s25, v0;
	v5 =	vor.u32 v2, v3  }
0x1b5: {  	s22 =	simm.s32 $0x3;
	v3 =	vand.u32 $0x7F, v4  }
0x1b6: {  	v4 =	vadd.s32 s22, v0;
	v7 =	vor.u32 v2, v3  }
0x1b7: {  	s23 =	simm.s32 $0x1;
	v3 =	vand.u32 $0x7F, v4  }
0x1b8: {  	v4 =	vadd.s32 s23, v0;
	v8 =	vor.u32 v2, v3  }
0x1b9: {  	s24 =	simm.s32 $0x0;
	v4 =	vand.u32 $0x7F, v4;
	v3 =	vld.idx.msk [tilespmem:v5+s5+$0x0], $0xffff  }
0x1ba: {  	v9 =	vor.u32 v2, v4;
	v4 =	vadd.s32 s24, v0;
	v6 =	vld.idx.msk [tilespmem:v5+s6+$0x0], $0xffff  }
0x1bb: {  	s25 =	simm.s32 $0x2;
	v5 =	vand.u32 $0x7F, v4;
	v4 =	vld.idx.msk [tilespmem:v7+s5+$0x0], $0xffff  }
0x1bc: {  	v10 =	vadd.s32 s25, v0;
	v11 =	vor.u32 v2, v5;
	v5 =	vld.idx.msk [tilespmem:v7+s6+$0x0], $0xffff  }
0x1bd: {  	s22 =	simm.s32 $0x4;
	v7 =	vand.u32 $0x7F, v10;
	v16 =	vld.idx.msk [tilespmem:v8+s5+$0x0], $0xffff  }
0x1be: {  	v10 =	vadd.s32 s22, v0;
	v7 =	vor.u32 v2, v7;
	v17 =	vld.idx.msk [tilespmem:v8+s6+$0x0], $0xffff  }
0x1bf: {  	s23 =	simm.s32 $0x6;
	v10 =	vand.u32 $0x7F, v10;
	v8 =	vld.idx.msk [tilespmem:v9+s5+$0x0], $0xffff  }
0x1c0: {  	s20 =	simm.s32 $0xF;
	v12 =	vadd.s32 s23, v0;
	v13 =	vld.idx.msk [tilespmem:v9+s6+$0x0], $0xffff;
	v10 =	vor.u32 v2, v10  }
0x1c1: {  	v9 =	vand.u32 $0x7F, v12;
	v12 =	vadd.s32 s20, v0;
	v18 =	vld.idx.msk [tilespmem:v11+s5+$0x0], $0xffff  }
0x1c2: {  	v20 =	vor.u32 v2, v9;
	v9 =	vand.u32 $0x7F, v12;
	v19 =	vld.idx.msk [tilespmem:v11+s6+$0x0], $0xffff  }
0x1c3: {  	s22 =	simm.s32 $0xD;
	v24 =	vor.u32 v2, v9;
	v22 =	vld.idx.msk [tilespmem:v7+s5+$0x0], $0xffff  }
0x1c4: {  	s24 =	simm.s32 $0xB;
	v25 =	vld.idx.msk [tilespmem:v7+s6+$0x0], $0xffff;
	v7 =	vadd.s32 s22, v0  }
0x1c5: {  	v23 =	vimm.f32 $0.0e+00;
	s23 =	simm.s32 $0x9;
	v12 =	vadd.s32 s24, v0;
	v9 =	vld.idx.msk [tilespmem:v10+s5+$0x0], $0xffff;
	v7 =	vand.u32 $0x7F, v7  }
0x1c6: {  	s24 =	simm.s32 $0x8;
	v14 =	vand.u32 $0x7F, v12;
	v11 =	vadd.s32 s23, v0;
	v12 =	vld.idx.msk [tilespmem:v10+s6+$0x0], $0xffff;
	v15 =	vor.u32 v2, v7  }
0x1c7: {  	v14 =	vor.u32 v2, v14;
	v11 =	vand.u32 $0x7F, v11;
	v10 =	vld.idx.msk [tilespmem:v20+s5+$0x0], $0xffff;
	v7 =	vadd.s32 s24, v0  }
0x1c8: {  	s25 =	simm.s32 $0xA;
	v21 =	vand.u32 $0x7F, v7;
	v7 =	vld.idx.msk [tilespmem:v24+s6+$0x0], $0xffff;
	v18 =	vmul.f32 v19, v18;
	v19 =	vmul.f32 v13, v8  }
0x1c9: {  	v16 =	vmul.f32 v17, v16;
	v11 =	vor.u32 v2, v11;
	v13 =	vld.idx.msk [tilespmem:v20+s6+$0x0], $0xffff;
	v20 =	vadd.s32 s25, v0  }
0x1ca: {  	s22 =	simm.s32 $0x17;
	v8 =	vld.idx.msk [tilespmem:v24+s5+$0x0], $0xffff;
	v18 =	vadd.f32 v18, v23;
	v17 =	vadd.f32 v19, v23;
	v19 =	vmul.f32 v25, v22  }
.LBB2_19:
0x1cb: {  	p1 =	sne.s32 s22, $0x7F;
	v21 =	vor.u32 v2, v21;
	v20 =	vand.u32 $0x7F, v20;
	v22 =	vmul.f32 v5, v4;
	v4 =	vld.idx.msk [tilespmem:v15+s5+$0x0], $0xffff  }
0x1cc: {  	s23 =	sadd.s32 $0xFFFFFFFD, s20;
	v9 =	vmul.f32 v12, v9;
	v5 =	vld.idx.msk [tilespmem:v15+s6+$0x0], $0xffff;
	v15 =	vadd.f32 v19, v18;
	v16 =	vadd.f32 v16, v17  }
0x1cd: {  	v6 =	vmul.f32 v6, v3;
	v12 =	vor.u32 v2, v20;
	v18 =	vadd.s32 s23, v0;
	v17 =	vld.idx.msk [tilespmem:v14+s5+$0x0], $0xffff  }
0x1ce: {  	s23 =	sadd.s32 $0xFFFFFFFF, s20;
	s20 =	smov.u32 s22;
	v10 =	vmul.f32 v13, v10;
	v19 =	vld.idx.msk [tilespmem:v14+s6+$0x0], $0xffff;
	v9 =	vadd.f32 v9, v15;
	v14 =	vadd.f32 v22, v16  }
0x1cf: {  	v15 =	vand.u32 $0x7F, v18;
	v16 =	vadd.s32 s23, v0;
	v3 =	vmov v8;
	v13 =	vld.idx.msk [tilespmem:v11+s5+$0x0], $0xffff  }
0x1d0: {  	v8 =	vld.idx.msk [tilespmem:v11+s6+$0x0], $0xffff;
	v11 =	vor.u32 v2, v15;
	v18 =	vadd.f32 v10, v9;
	v22 =	vadd.f32 v6, v14  }
0x1d1: {  	v9 =	vand.u32 $0x7F, v16;
	v6 =	vmov v7;
	v20 =	vld.idx.msk [tilespmem:v21+s5+$0x0], $0xffff  }
0x1d2: {  	v7 =	vadd.s32 s22, v0;
	v16 =	vld.idx.msk [tilespmem:v21+s6+$0x0], $0xffff;
	v21 =	vor.u32 v2, v9  }
0x1d3: {  	s23 =	sadd.s32 $0xFFFFFFFE, s22;
	v7 =	vand.u32 $0x7F, v7;
	v23 =	vld.idx.msk [tilespmem:v12+s5+$0x0], $0xffff  }
0x1d4: {  	s24 =	sadd.s32 $0xFFFFFFFA, s22;
	s25 =	sadd.s32 $0xFFFFFFFC, s22;
	v9 =	vadd.s32 s23, v0;
	v7 =	vor.u32 v2, v7;
	v24 =	vld.idx.msk [tilespmem:v12+s6+$0x0], $0xffff  }
0x1d5: {  	v10 =	vadd.s32 s24, v0;
	v14 =	vand.u32 $0x7F, v9;
	v12 =	vadd.s32 s25, v0;
	v9 =	vld.idx.msk [tilespmem:v11+s5+$0x0], $0xffff  }
.Ltmp8:
0x1d6: {  	v10 =	vand.u32 $0x7F, v10;
	v15 =	vor.u32 v2, v14;
	v25 =	vand.u32 $0x7F, v12;
	v12 =	vld.idx.msk [tilespmem:v11+s6+$0x0], $0xffff;
	(pc) =	sbr.rel @p1 .LBB2_19-.Ltmp8, $4  }
0x1d7: {  	s23 =	sadd.s32 $0xFFFFFFF9, s22;
	v11 =	vor.u32 v2, v10;
	v14 =	vor.u32 v2, v25;
	v10 =	vld.idx.msk [tilespmem:v21+s5+$0x0], $0xffff  }
0x1d8: {  	v27 =	vmul.f32 v8, v13;
	v25 =	vadd.s32 s23, v0;
	s23 =	sadd.s32 $0xFFFFFFFB, s22;
	v26 =	vmul.f32 v16, v20;
	v13 =	vld.idx.msk [tilespmem:v21+s6+$0x0], $0xffff  }
0x1d9: {  	v20 =	vadd.s32 s23, v0;
	v16 =	vmul.f32 v19, v17;
	v21 =	vand.u32 $0x7F, v25;
	v8 =	vld.idx.msk [tilespmem:v7+s5+$0x0], $0xffff  }
0x1da: {  	s22 =	sadd.s32 $0x8, s22;
	v17 =	vadd.f32 v27, v22;
	v18 =	vadd.f32 v26, v18;
	v19 =	vmul.f32 v24, v23;
	v7 =	vld.idx.msk [tilespmem:v7+s6+$0x0], $0xffff  }
0x1db: {  	_ =	sdelay $0x3  }
0x1dc: {  	v22 =	vld.idx.msk [tilespmem:v15+s5+$0x0], $0xffff  }
0x1dd: {  	v21 =	vor.u32 v2, v21;
	v49 =	vld.idx.msk [tilespmem:v15+s6+$0x0], $0xffff  }
0x1de: {  	v20 =	vand.u32 $0x7F, v20;
	s22 =	sadd.s32 $0xFFFFFFFD, s20;
	v23 =	vld.idx.msk [tilespmem:v14+s5+$0x0], $0xffff  }
0x1df: {  	v50 =	vld.idx.msk [tilespmem:v14+s6+$0x0], $0xffff;
	v20 =	vor.u32 v2, v20;
	v24 =	vadd.s32 s22, v0  }
0x1e0: {  	s25 =	sadd.s32 $0xFFFFFFFF, s20;
	v25 =	vld.idx.msk [tilespmem:v11+s5+$0x0], $0xffff;
	v24 =	vand.u32 $0x7F, v24  }
0x1e1: {  	v51 =	vld.idx.msk [tilespmem:v11+s6+$0x0], $0xffff;
	v26 =	vadd.s32 s25, v0;
	v24 =	vor.u32 v2, v24  }
0x1e2: {  	v26 =	vand.u32 $0x7F, v26;
	v27 =	vld.idx.msk [tilespmem:v21+s5+$0x0], $0xffff  }
0x1e3: {  	v9 =	vmul.f32 v12, v9;
	v18 =	vadd.f32 v19, v18;
	v2 =	vor.u32 v2, v26;
	v52 =	vld.idx.msk [tilespmem:v21+s6+$0x0], $0xffff  }
0x1e4: {  	v4 =	vmul.f32 v5, v4;
	v53 =	vadd.f32 v16, v17;
	v54 =	vld.idx.msk [tilespmem:v20+s5+$0x0], $0xffff  }
0x1e5: {  	v10 =	vmul.f32 v13, v10;
	v9 =	vadd.f32 v9, v18;
	v55 =	vld.idx.msk [tilespmem:v20+s6+$0x0], $0xffff  }
0x1e6: {  	v3 =	vmul.f32 v6, v3;
	v4 =	vadd.f32 v4, v53;
	v56 =	vld.idx.msk [tilespmem:v24+s5+$0x0], $0xffff  }
0x1e7: {  	v57 =	vadd.f32 v10, v9;
	v58 =	vld.idx.msk [tilespmem:v24+s6+$0x0], $0xffff  }
0x1e8: {  	v3 =	vadd.f32 v3, v4;
	v11 =	vmul.f32 v51, v25;
	v59 =	vld.idx.msk [tilespmem:v2+s5+$0x0], $0xffff;
	v60 =	vmul.f32 v52, v27  }
0x1e9: {  	v61 =	vmul.f32 v50, v23;
	v2 =	vld.idx.msk [tilespmem:v2+s6+$0x0], $0xffff  }
0x1ea: {  	v3 =	vadd.f32 v11, v3;
	v62 =	vmul.f32 v55, v54;
	v6 =	vadd.f32 v60, v57  }
0x1eb: {  	v63 =	vmul.f32 v49, v22  }
0x1ec: {  	v3 =	vadd.f32 v61, v3;
	v5 =	vmul.f32 v58, v56;
	v6 =	vadd.f32 v62, v6  }
0x1ed: {  	v7 =	vmul.f32 v7, v8  }
0x1ee: {  	s17 =	sadd.s32 $0x1, s17;
	v3 =	vadd.f32 v63, v3;
	v2 =	vmul.f32 v2, v59;
	v5 =	vadd.f32 v5, v6  }
0x1ef: {  	p1 =	sne.s32 s17, $0x8  }
.Ltmp9:
0x1f0: {  	v3 =	vadd.f32 v7, v3;
	v2 =	vadd.f32 v2, v5;
	(pc) =	sbr.rel @p1 .LBB2_18-.Ltmp9, $3  }
0x1f1: {  	_ = 	snop  }
0x1f2: {  	v2 =	vadd.f32 v3, v2;
	_ =	sdelay $0x1  }
0x1f3: {  	[tilespmem:s19+$0x18380] =	vst v2  }
0x1f4: {  	s17 =	simm.s32 $0x0;
	s19 =	rddreg [dreg:$0x18]  }
0x1f5: {  	[tilespmem:s3], [sflag:$0x5] =	stream.linear.gather [hbm4b:s19+s17], $0x80, $0x38;
	[tilespmem:$0x1C510] =	vst v63  }
0x1f6: {  	_ =	swait.ge [sflag:s30], $0x80  }
0x1f7: {  	[sflag:s30] =	ssyncset.done $0x0  }
0x1f8: {  	s25 =	rddreg [dreg:$0x19];
	[sflag:s30] =	ssyncadd.s32 $0xFFFFFF80  }
0x1f9: {  	[tilespmem:s4], [sflag:$0x5] =	stream.linear.gather [hbm4b:s25+s17], $0x80, $0x38;
	[tilespmem:$0x1C510] =	vst v63  }
0x1fa: {  	_ =	swait.ge [sflag:s30], $0x80  }
0x1fb: {  	[sflag:s30] =	ssyncset.done $0x0  }
0x1fc: {  	[sflag:s30] =	ssyncadd.s32 $0xFFFFFF80  }
0x1fd: {  	[tilespmem:s5], [sflag:$0x2] =	stream.indirect.gather [hbm4b:s0+s18], $0x80, s3, s18, $0xb8;
	[tilespmem:$0x1C510] =	vst v63  }
0x1fe: {  	_ = 	snop  }
0x1ff: {  	[tilespmem:s6], [sflag:$0x2] =	stream.indirect.gather [hbm4b:s0+s18], $0x80, s4, s18, $0xb8;
	[tilespmem:$0x1C510] =	vst v63  }
0x200: {  	_ =	swait.ge [sflag:s14], $0x4000  }
0x201: {  	[sflag:s14] =	ssyncset.done $0x0  }
0x202: {  	[sflag:s14] =	ssyncadd.s32 $0xFFFFC000  }
0x203: {  	_ =	swait.ge [sflag:s14], $0x4000  }
0x204: {  	[sflag:s14] =	ssyncset.done $0x0  }
0x205: {  	[sflag:s14] =	ssyncadd.s32 $0xFFFFC000  }
.LBB2_22:
0x206: {  	s19 =	sshll.u32 s17, $0x4  }
0x207: {  	s20 =	simm.s32 $0x7;
	v2 =	vmov s19  }
0x208: {  	v3 =	vadd.s32 s20, v0;
	v2 =	vshll.u32 v2, $0x7  }
0x209: {  	s25 =	simm.s32 $0x5;
	v3 =	vand.u32 $0x7F, v3;
	v2 =	vor.u32 v1, v2  }
0x20a: {  	v4 =	vadd.s32 s25, v0;
	v5 =	vor.u32 v2, v3  }
0x20b: {  	s22 =	simm.s32 $0x3;
	v3 =	vand.u32 $0x7F, v4  }
0x20c: {  	v4 =	vadd.s32 s22, v0;
	v7 =	vor.u32 v2, v3  }
0x20d: {  	s23 =	simm.s32 $0x1;
	v3 =	vand.u32 $0x7F, v4  }
0x20e: {  	v4 =	vadd.s32 s23, v0;
	v8 =	vor.u32 v2, v3  }
0x20f: {  	s24 =	simm.s32 $0x0;
	v4 =	vand.u32 $0x7F, v4;
	v3 =	vld.idx.msk [tilespmem:v5+s10+$0x0], $0xffff  }
0x210: {  	v9 =	vor.u32 v2, v4;
	v4 =	vadd.s32 s24, v0;
	v6 =	vld.idx.msk [tilespmem:v5+s11+$0x0], $0xffff  }
0x211: {  	s25 =	simm.s32 $0x2;
	v5 =	vand.u32 $0x7F, v4;
	v4 =	vld.idx.msk [tilespmem:v7+s10+$0x0], $0xffff  }
0x212: {  	v10 =	vadd.s32 s25, v0;
	v11 =	vor.u32 v2, v5;
	v5 =	vld.idx.msk [tilespmem:v7+s11+$0x0], $0xffff  }
0x213: {  	s22 =	simm.s32 $0x4;
	v7 =	vand.u32 $0x7F, v10;
	v16 =	vld.idx.msk [tilespmem:v8+s10+$0x0], $0xffff  }
0x214: {  	v10 =	vadd.s32 s22, v0;
	v7 =	vor.u32 v2, v7;
	v17 =	vld.idx.msk [tilespmem:v8+s11+$0x0], $0xffff  }
0x215: {  	s23 =	simm.s32 $0x6;
	v10 =	vand.u32 $0x7F, v10;
	v8 =	vld.idx.msk [tilespmem:v9+s10+$0x0], $0xffff  }
0x216: {  	s20 =	simm.s32 $0xF;
	v12 =	vadd.s32 s23, v0;
	v13 =	vld.idx.msk [tilespmem:v9+s11+$0x0], $0xffff;
	v10 =	vor.u32 v2, v10  }
0x217: {  	v9 =	vand.u32 $0x7F, v12;
	v12 =	vadd.s32 s20, v0;
	v18 =	vld.idx.msk [tilespmem:v11+s10+$0x0], $0xffff  }
0x218: {  	v20 =	vor.u32 v2, v9;
	v9 =	vand.u32 $0x7F, v12;
	v19 =	vld.idx.msk [tilespmem:v11+s11+$0x0], $0xffff  }
0x219: {  	s22 =	simm.s32 $0xD;
	v24 =	vor.u32 v2, v9;
	v22 =	vld.idx.msk [tilespmem:v7+s10+$0x0], $0xffff  }
0x21a: {  	s24 =	simm.s32 $0xB;
	v25 =	vld.idx.msk [tilespmem:v7+s11+$0x0], $0xffff;
	v7 =	vadd.s32 s22, v0  }
0x21b: {  	v23 =	vimm.f32 $0.0e+00;
	s23 =	simm.s32 $0x9;
	v12 =	vadd.s32 s24, v0;
	v9 =	vld.idx.msk [tilespmem:v10+s10+$0x0], $0xffff;
	v7 =	vand.u32 $0x7F, v7  }
0x21c: {  	s24 =	simm.s32 $0x8;
	v14 =	vand.u32 $0x7F, v12;
	v11 =	vadd.s32 s23, v0;
	v12 =	vld.idx.msk [tilespmem:v10+s11+$0x0], $0xffff;
	v15 =	vor.u32 v2, v7  }
0x21d: {  	v14 =	vor.u32 v2, v14;
	v11 =	vand.u32 $0x7F, v11;
	v10 =	vld.idx.msk [tilespmem:v20+s10+$0x0], $0xffff;
	v7 =	vadd.s32 s24, v0  }
0x21e: {  	s25 =	simm.s32 $0xA;
	v21 =	vand.u32 $0x7F, v7;
	v7 =	vld.idx.msk [tilespmem:v24+s11+$0x0], $0xffff;
	v18 =	vmul.f32 v19, v18;
	v19 =	vmul.f32 v13, v8  }
0x21f: {  	v16 =	vmul.f32 v17, v16;
	v11 =	vor.u32 v2, v11;
	v13 =	vld.idx.msk [tilespmem:v20+s11+$0x0], $0xffff;
	v20 =	vadd.s32 s25, v0  }
0x220: {  	s22 =	simm.s32 $0x17;
	v8 =	vld.idx.msk [tilespmem:v24+s10+$0x0], $0xffff;
	v18 =	vadd.f32 v18, v23;
	v17 =	vadd.f32 v19, v23;
	v19 =	vmul.f32 v25, v22  }
.LBB2_23:
0x221: {  	p1 =	sne.s32 s22, $0x7F;
	v21 =	vor.u32 v2, v21;
	v20 =	vand.u32 $0x7F, v20;
	v22 =	vmul.f32 v5, v4;
	v4 =	vld.idx.msk [tilespmem:v15+s10+$0x0], $0xffff  }
0x222: {  	s23 =	sadd.s32 $0xFFFFFFFD, s20;
	v9 =	vmul.f32 v12, v9;
	v5 =	vld.idx.msk [tilespmem:v15+s11+$0x0], $0xffff;
	v15 =	vadd.f32 v19, v18;
	v16 =	vadd.f32 v16, v17  }
0x223: {  	v6 =	vmul.f32 v6, v3;
	v12 =	vor.u32 v2, v20;
	v18 =	vadd.s32 s23, v0;
	v17 =	vld.idx.msk [tilespmem:v14+s10+$0x0], $0xffff  }
0x224: {  	s23 =	sadd.s32 $0xFFFFFFFF, s20;
	s20 =	smov.u32 s22;
	v10 =	vmul.f32 v13, v10;
	v19 =	vld.idx.msk [tilespmem:v14+s11+$0x0], $0xffff;
	v9 =	vadd.f32 v9, v15;
	v14 =	vadd.f32 v22, v16  }
0x225: {  	v15 =	vand.u32 $0x7F, v18;
	v16 =	vadd.s32 s23, v0;
	v3 =	vmov v8;
	v13 =	vld.idx.msk [tilespmem:v11+s10+$0x0], $0xffff  }
0x226: {  	v8 =	vld.idx.msk [tilespmem:v11+s11+$0x0], $0xffff;
	v11 =	vor.u32 v2, v15;
	v18 =	vadd.f32 v10, v9;
	v22 =	vadd.f32 v6, v14  }
0x227: {  	v9 =	vand.u32 $0x7F, v16;
	v6 =	vmov v7;
	v20 =	vld.idx.msk [tilespmem:v21+s10+$0x0], $0xffff  }
0x228: {  	v7 =	vadd.s32 s22, v0;
	v16 =	vld.idx.msk [tilespmem:v21+s11+$0x0], $0xffff;
	v21 =	vor.u32 v2, v9  }
0x229: {  	s23 =	sadd.s32 $0xFFFFFFFE, s22;
	v7 =	vand.u32 $0x7F, v7;
	v23 =	vld.idx.msk [tilespmem:v12+s10+$0x0], $0xffff  }
0x22a: {  	s24 =	sadd.s32 $0xFFFFFFFA, s22;
	s25 =	sadd.s32 $0xFFFFFFFC, s22;
	v9 =	vadd.s32 s23, v0;
	v7 =	vor.u32 v2, v7;
	v24 =	vld.idx.msk [tilespmem:v12+s11+$0x0], $0xffff  }
0x22b: {  	v10 =	vadd.s32 s24, v0;
	v14 =	vand.u32 $0x7F, v9;
	v12 =	vadd.s32 s25, v0;
	v9 =	vld.idx.msk [tilespmem:v11+s10+$0x0], $0xffff  }
.Ltmp10:
0x22c: {  	v10 =	vand.u32 $0x7F, v10;
	v15 =	vor.u32 v2, v14;
	v25 =	vand.u32 $0x7F, v12;
	v12 =	vld.idx.msk [tilespmem:v11+s11+$0x0], $0xffff;
	(pc) =	sbr.rel @p1 .LBB2_23-.Ltmp10, $4  }
0x22d: {  	s23 =	sadd.s32 $0xFFFFFFF9, s22;
	v11 =	vor.u32 v2, v10;
	v14 =	vor.u32 v2, v25;
	v10 =	vld.idx.msk [tilespmem:v21+s10+$0x0], $0xffff  }
0x22e: {  	v27 =	vmul.f32 v8, v13;
	v25 =	vadd.s32 s23, v0;
	s23 =	sadd.s32 $0xFFFFFFFB, s22;
	v26 =	vmul.f32 v16, v20;
	v13 =	vld.idx.msk [tilespmem:v21+s11+$0x0], $0xffff  }
0x22f: {  	v20 =	vadd.s32 s23, v0;
	v16 =	vmul.f32 v19, v17;
	v21 =	vand.u32 $0x7F, v25;
	v8 =	vld.idx.msk [tilespmem:v7+s10+$0x0], $0xffff  }
0x230: {  	s22 =	sadd.s32 $0x8, s22;
	v17 =	vadd.f32 v27, v22;
	v18 =	vadd.f32 v26, v18;
	v19 =	vmul.f32 v24, v23;
	v7 =	vld.idx.msk [tilespmem:v7+s11+$0x0], $0xffff  }
0x231: {  	_ =	sdelay $0x3  }
0x232: {  	v22 =	vld.idx.msk [tilespmem:v15+s10+$0x0], $0xffff  }
0x233: {  	v21 =	vor.u32 v2, v21;
	v49 =	vld.idx.msk [tilespmem:v15+s11+$0x0], $0xffff  }
0x234: {  	v20 =	vand.u32 $0x7F, v20;
	s22 =	sadd.s32 $0xFFFFFFFD, s20;
	v23 =	vld.idx.msk [tilespmem:v14+s10+$0x0], $0xffff  }
0x235: {  	v50 =	vld.idx.msk [tilespmem:v14+s11+$0x0], $0xffff;
	v20 =	vor.u32 v2, v20;
	v24 =	vadd.s32 s22, v0  }
0x236: {  	s25 =	sadd.s32 $0xFFFFFFFF, s20;
	v25 =	vld.idx.msk [tilespmem:v11+s10+$0x0], $0xffff;
	v24 =	vand.u32 $0x7F, v24  }
0x237: {  	v51 =	vld.idx.msk [tilespmem:v11+s11+$0x0], $0xffff;
	v26 =	vadd.s32 s25, v0;
	v24 =	vor.u32 v2, v24  }
0x238: {  	v26 =	vand.u32 $0x7F, v26;
	v27 =	vld.idx.msk [tilespmem:v21+s10+$0x0], $0xffff  }
0x239: {  	v9 =	vmul.f32 v12, v9;
	v18 =	vadd.f32 v19, v18;
	v2 =	vor.u32 v2, v26;
	v52 =	vld.idx.msk [tilespmem:v21+s11+$0x0], $0xffff  }
0x23a: {  	v4 =	vmul.f32 v5, v4;
	v53 =	vadd.f32 v16, v17;
	v54 =	vld.idx.msk [tilespmem:v20+s10+$0x0], $0xffff  }
0x23b: {  	v10 =	vmul.f32 v13, v10;
	v9 =	vadd.f32 v9, v18;
	v55 =	vld.idx.msk [tilespmem:v20+s11+$0x0], $0xffff  }
0x23c: {  	v3 =	vmul.f32 v6, v3;
	v4 =	vadd.f32 v4, v53;
	v56 =	vld.idx.msk [tilespmem:v24+s10+$0x0], $0xffff  }
0x23d: {  	v57 =	vadd.f32 v10, v9;
	v58 =	vld.idx.msk [tilespmem:v24+s11+$0x0], $0xffff  }
0x23e: {  	v3 =	vadd.f32 v3, v4;
	v11 =	vmul.f32 v51, v25;
	v59 =	vld.idx.msk [tilespmem:v2+s10+$0x0], $0xffff;
	v60 =	vmul.f32 v52, v27  }
0x23f: {  	v61 =	vmul.f32 v50, v23;
	v2 =	vld.idx.msk [tilespmem:v2+s11+$0x0], $0xffff  }
0x240: {  	v3 =	vadd.f32 v11, v3;
	v62 =	vmul.f32 v55, v54;
	v6 =	vadd.f32 v60, v57  }
0x241: {  	v63 =	vmul.f32 v49, v22  }
0x242: {  	v3 =	vadd.f32 v61, v3;
	v5 =	vmul.f32 v58, v56;
	v6 =	vadd.f32 v62, v6  }
0x243: {  	v7 =	vmul.f32 v7, v8  }
0x244: {  	s17 =	sadd.s32 $0x1, s17;
	v3 =	vadd.f32 v63, v3;
	v2 =	vmul.f32 v2, v59;
	v5 =	vadd.f32 v5, v6  }
0x245: {  	p1 =	sne.s32 s17, $0x8  }
.Ltmp11:
0x246: {  	v3 =	vadd.f32 v7, v3;
	v2 =	vadd.f32 v2, v5;
	(pc) =	sbr.rel @p1 .LBB2_22-.Ltmp11, $3  }
0x247: {  	_ = 	snop  }
0x248: {  	v2 =	vadd.f32 v3, v2;
	_ =	sdelay $0x1  }
0x249: {  	[tilespmem:s19+$0x18400] =	vst v2  }
0x24a: {  	_ =	swait.ge [sflag:s12], $0x4000  }
0x24b: {  	[sflag:s12] =	ssyncset.done $0x0  }
0x24c: {  	[sflag:s12] =	ssyncadd.s32 $0xFFFFC000  }
0x24d: {  	_ =	swait.ge [sflag:s12], $0x4000  }
0x24e: {  	[sflag:s12] =	ssyncset.done $0x0  }
0x24f: {  	s17 =	simm.s32 $0x0;
	[sflag:s12] =	ssyncadd.s32 $0xFFFFC000  }
.LBB2_26:
0x250: {  	s19 =	sshll.u32 s17, $0x4  }
0x251: {  	s20 =	simm.s32 $0x7;
	v2 =	vmov s19  }
0x252: {  	v3 =	vadd.s32 s20, v0;
	v2 =	vshll.u32 v2, $0x7  }
0x253: {  	s25 =	simm.s32 $0x5;
	v3 =	vand.u32 $0x7F, v3;
	v2 =	vor.u32 v1, v2  }
0x254: {  	v4 =	vadd.s32 s25, v0;
	v5 =	vor.u32 v2, v3  }
0x255: {  	s22 =	simm.s32 $0x3;
	v3 =	vand.u32 $0x7F, v4  }
0x256: {  	v4 =	vadd.s32 s22, v0;
	v7 =	vor.u32 v2, v3  }
0x257: {  	s23 =	simm.s32 $0x1;
	v3 =	vand.u32 $0x7F, v4  }
0x258: {  	v4 =	vadd.s32 s23, v0;
	v8 =	vor.u32 v2, v3  }
0x259: {  	s24 =	simm.s32 $0x0;
	v4 =	vand.u32 $0x7F, v4;
	v3 =	vld.idx.msk [tilespmem:v5+s21+$0x0], $0xffff  }
0x25a: {  	v9 =	vor.u32 v2, v4;
	v4 =	vadd.s32 s24, v0;
	v6 =	vld.idx.msk [tilespmem:v5+s2+$0x0], $0xffff  }
0x25b: {  	s25 =	simm.s32 $0x2;
	v5 =	vand.u32 $0x7F, v4;
	v4 =	vld.idx.msk [tilespmem:v7+s21+$0x0], $0xffff  }
0x25c: {  	v10 =	vadd.s32 s25, v0;
	v11 =	vor.u32 v2, v5;
	v5 =	vld.idx.msk [tilespmem:v7+s2+$0x0], $0xffff  }
0x25d: {  	s22 =	simm.s32 $0x4;
	v7 =	vand.u32 $0x7F, v10;
	v16 =	vld.idx.msk [tilespmem:v8+s21+$0x0], $0xffff  }
0x25e: {  	v10 =	vadd.s32 s22, v0;
	v7 =	vor.u32 v2, v7;
	v17 =	vld.idx.msk [tilespmem:v8+s2+$0x0], $0xffff  }
0x25f: {  	s23 =	simm.s32 $0x6;
	v10 =	vand.u32 $0x7F, v10;
	v8 =	vld.idx.msk [tilespmem:v9+s21+$0x0], $0xffff  }
0x260: {  	s20 =	simm.s32 $0xF;
	v12 =	vadd.s32 s23, v0;
	v13 =	vld.idx.msk [tilespmem:v9+s2+$0x0], $0xffff;
	v10 =	vor.u32 v2, v10  }
0x261: {  	v9 =	vand.u32 $0x7F, v12;
	v12 =	vadd.s32 s20, v0;
	v18 =	vld.idx.msk [tilespmem:v11+s21+$0x0], $0xffff  }
0x262: {  	v20 =	vor.u32 v2, v9;
	v9 =	vand.u32 $0x7F, v12;
	v19 =	vld.idx.msk [tilespmem:v11+s2+$0x0], $0xffff  }
0x263: {  	s22 =	simm.s32 $0xD;
	v24 =	vor.u32 v2, v9;
	v22 =	vld.idx.msk [tilespmem:v7+s21+$0x0], $0xffff  }
0x264: {  	s24 =	simm.s32 $0xB;
	v25 =	vld.idx.msk [tilespmem:v7+s2+$0x0], $0xffff;
	v7 =	vadd.s32 s22, v0  }
0x265: {  	v23 =	vimm.f32 $0.0e+00;
	s23 =	simm.s32 $0x9;
	v12 =	vadd.s32 s24, v0;
	v9 =	vld.idx.msk [tilespmem:v10+s21+$0x0], $0xffff;
	v7 =	vand.u32 $0x7F, v7  }
0x266: {  	s24 =	simm.s32 $0x8;
	v14 =	vand.u32 $0x7F, v12;
	v11 =	vadd.s32 s23, v0;
	v12 =	vld.idx.msk [tilespmem:v10+s2+$0x0], $0xffff;
	v15 =	vor.u32 v2, v7  }
0x267: {  	v14 =	vor.u32 v2, v14;
	v11 =	vand.u32 $0x7F, v11;
	v10 =	vld.idx.msk [tilespmem:v20+s21+$0x0], $0xffff;
	v7 =	vadd.s32 s24, v0  }
0x268: {  	s25 =	simm.s32 $0xA;
	v21 =	vand.u32 $0x7F, v7;
	v7 =	vld.idx.msk [tilespmem:v24+s2+$0x0], $0xffff;
	v18 =	vmul.f32 v19, v18;
	v19 =	vmul.f32 v13, v8  }
0x269: {  	v16 =	vmul.f32 v17, v16;
	v11 =	vor.u32 v2, v11;
	v13 =	vld.idx.msk [tilespmem:v20+s2+$0x0], $0xffff;
	v20 =	vadd.s32 s25, v0  }
0x26a: {  	s22 =	simm.s32 $0x17;
	v8 =	vld.idx.msk [tilespmem:v24+s21+$0x0], $0xffff;
	v18 =	vadd.f32 v18, v23;
	v17 =	vadd.f32 v19, v23;
	v19 =	vmul.f32 v25, v22  }
.LBB2_27:
0x26b: {  	p1 =	sne.s32 s22, $0x7F;
	v21 =	vor.u32 v2, v21;
	v20 =	vand.u32 $0x7F, v20;
	v22 =	vmul.f32 v5, v4;
	v4 =	vld.idx.msk [tilespmem:v15+s21+$0x0], $0xffff  }
0x26c: {  	s23 =	sadd.s32 $0xFFFFFFFD, s20;
	v9 =	vmul.f32 v12, v9;
	v5 =	vld.idx.msk [tilespmem:v15+s2+$0x0], $0xffff;
	v15 =	vadd.f32 v19, v18;
	v16 =	vadd.f32 v16, v17  }
0x26d: {  	v6 =	vmul.f32 v6, v3;
	v12 =	vor.u32 v2, v20;
	v18 =	vadd.s32 s23, v0;
	v17 =	vld.idx.msk [tilespmem:v14+s21+$0x0], $0xffff  }
0x26e: {  	s23 =	sadd.s32 $0xFFFFFFFF, s20;
	s20 =	smov.u32 s22;
	v10 =	vmul.f32 v13, v10;
	v19 =	vld.idx.msk [tilespmem:v14+s2+$0x0], $0xffff;
	v9 =	vadd.f32 v9, v15;
	v14 =	vadd.f32 v22, v16  }
0x26f: {  	v15 =	vand.u32 $0x7F, v18;
	v16 =	vadd.s32 s23, v0;
	v3 =	vmov v8;
	v13 =	vld.idx.msk [tilespmem:v11+s21+$0x0], $0xffff  }
0x270: {  	v8 =	vld.idx.msk [tilespmem:v11+s2+$0x0], $0xffff;
	v11 =	vor.u32 v2, v15;
	v18 =	vadd.f32 v10, v9;
	v22 =	vadd.f32 v6, v14  }
0x271: {  	v9 =	vand.u32 $0x7F, v16;
	v6 =	vmov v7;
	v20 =	vld.idx.msk [tilespmem:v21+s21+$0x0], $0xffff  }
0x272: {  	v7 =	vadd.s32 s22, v0;
	v16 =	vld.idx.msk [tilespmem:v21+s2+$0x0], $0xffff;
	v21 =	vor.u32 v2, v9  }
0x273: {  	s23 =	sadd.s32 $0xFFFFFFFE, s22;
	v7 =	vand.u32 $0x7F, v7;
	v23 =	vld.idx.msk [tilespmem:v12+s21+$0x0], $0xffff  }
0x274: {  	s24 =	sadd.s32 $0xFFFFFFFA, s22;
	s25 =	sadd.s32 $0xFFFFFFFC, s22;
	v9 =	vadd.s32 s23, v0;
	v7 =	vor.u32 v2, v7;
	v24 =	vld.idx.msk [tilespmem:v12+s2+$0x0], $0xffff  }
0x275: {  	v10 =	vadd.s32 s24, v0;
	v14 =	vand.u32 $0x7F, v9;
	v12 =	vadd.s32 s25, v0;
	v9 =	vld.idx.msk [tilespmem:v11+s21+$0x0], $0xffff  }
.Ltmp12:
0x276: {  	v10 =	vand.u32 $0x7F, v10;
	v15 =	vor.u32 v2, v14;
	v25 =	vand.u32 $0x7F, v12;
	v12 =	vld.idx.msk [tilespmem:v11+s2+$0x0], $0xffff;
	(pc) =	sbr.rel @p1 .LBB2_27-.Ltmp12, $4  }
0x277: {  	s23 =	sadd.s32 $0xFFFFFFF9, s22;
	v11 =	vor.u32 v2, v10;
	v14 =	vor.u32 v2, v25;
	v10 =	vld.idx.msk [tilespmem:v21+s21+$0x0], $0xffff  }
0x278: {  	v27 =	vmul.f32 v8, v13;
	v25 =	vadd.s32 s23, v0;
	s23 =	sadd.s32 $0xFFFFFFFB, s22;
	v26 =	vmul.f32 v16, v20;
	v13 =	vld.idx.msk [tilespmem:v21+s2+$0x0], $0xffff  }
0x279: {  	v20 =	vadd.s32 s23, v0;
	v16 =	vmul.f32 v19, v17;
	v21 =	vand.u32 $0x7F, v25;
	v8 =	vld.idx.msk [tilespmem:v7+s21+$0x0], $0xffff  }
0x27a: {  	s22 =	sadd.s32 $0x8, s22;
	v17 =	vadd.f32 v27, v22;
	v18 =	vadd.f32 v26, v18;
	v19 =	vmul.f32 v24, v23;
	v7 =	vld.idx.msk [tilespmem:v7+s2+$0x0], $0xffff  }
0x27b: {  	_ =	sdelay $0x3  }
0x27c: {  	v22 =	vld.idx.msk [tilespmem:v15+s21+$0x0], $0xffff  }
0x27d: {  	v21 =	vor.u32 v2, v21;
	v49 =	vld.idx.msk [tilespmem:v15+s2+$0x0], $0xffff  }
0x27e: {  	v20 =	vand.u32 $0x7F, v20;
	s22 =	sadd.s32 $0xFFFFFFFD, s20;
	v23 =	vld.idx.msk [tilespmem:v14+s21+$0x0], $0xffff  }
0x27f: {  	v50 =	vld.idx.msk [tilespmem:v14+s2+$0x0], $0xffff;
	v20 =	vor.u32 v2, v20;
	v24 =	vadd.s32 s22, v0  }
0x280: {  	s25 =	sadd.s32 $0xFFFFFFFF, s20;
	v25 =	vld.idx.msk [tilespmem:v11+s21+$0x0], $0xffff;
	v24 =	vand.u32 $0x7F, v24  }
0x281: {  	v51 =	vld.idx.msk [tilespmem:v11+s2+$0x0], $0xffff;
	v26 =	vadd.s32 s25, v0;
	v24 =	vor.u32 v2, v24  }
0x282: {  	v26 =	vand.u32 $0x7F, v26;
	v27 =	vld.idx.msk [tilespmem:v21+s21+$0x0], $0xffff  }
0x283: {  	v9 =	vmul.f32 v12, v9;
	v18 =	vadd.f32 v19, v18;
	v2 =	vor.u32 v2, v26;
	v52 =	vld.idx.msk [tilespmem:v21+s2+$0x0], $0xffff  }
0x284: {  	v4 =	vmul.f32 v5, v4;
	v53 =	vadd.f32 v16, v17;
	v54 =	vld.idx.msk [tilespmem:v20+s21+$0x0], $0xffff  }
0x285: {  	v10 =	vmul.f32 v13, v10;
	v9 =	vadd.f32 v9, v18;
	v55 =	vld.idx.msk [tilespmem:v20+s2+$0x0], $0xffff  }
0x286: {  	v3 =	vmul.f32 v6, v3;
	v4 =	vadd.f32 v4, v53;
	v56 =	vld.idx.msk [tilespmem:v24+s21+$0x0], $0xffff  }
0x287: {  	v57 =	vadd.f32 v10, v9;
	v58 =	vld.idx.msk [tilespmem:v24+s2+$0x0], $0xffff  }
0x288: {  	v3 =	vadd.f32 v3, v4;
	v11 =	vmul.f32 v51, v25;
	v59 =	vld.idx.msk [tilespmem:v2+s21+$0x0], $0xffff;
	v60 =	vmul.f32 v52, v27  }
0x289: {  	v61 =	vmul.f32 v50, v23;
	v2 =	vld.idx.msk [tilespmem:v2+s2+$0x0], $0xffff  }
0x28a: {  	v3 =	vadd.f32 v11, v3;
	v62 =	vmul.f32 v55, v54;
	v6 =	vadd.f32 v60, v57  }
0x28b: {  	v63 =	vmul.f32 v49, v22  }
0x28c: {  	v3 =	vadd.f32 v61, v3;
	v5 =	vmul.f32 v58, v56;
	v6 =	vadd.f32 v62, v6  }
0x28d: {  	v7 =	vmul.f32 v7, v8  }
0x28e: {  	s17 =	sadd.s32 $0x1, s17;
	v3 =	vadd.f32 v63, v3;
	v2 =	vmul.f32 v2, v59;
	v5 =	vadd.f32 v5, v6  }
0x28f: {  	p1 =	sne.s32 s17, $0x8  }
.Ltmp13:
0x290: {  	v3 =	vadd.f32 v7, v3;
	v2 =	vadd.f32 v2, v5;
	(pc) =	sbr.rel @p1 .LBB2_26-.Ltmp13, $3  }
0x291: {  	_ = 	snop  }
0x292: {  	v2 =	vadd.f32 v3, v2;
	_ =	sdelay $0x1  }
0x293: {  	[tilespmem:s19+$0x18480] =	vst v2  }
0x294: {  	_ =	swait.ge [sflag:s13], $0x4000  }
0x295: {  	[sflag:s13] =	ssyncset.done $0x0  }
0x296: {  	[sflag:s13] =	ssyncadd.s32 $0xFFFFC000  }
0x297: {  	_ =	swait.ge [sflag:s13], $0x4000  }
0x298: {  	[sflag:s13] =	ssyncset.done $0x0  }
0x299: {  	s17 =	simm.s32 $0x0;
	[sflag:s13] =	ssyncadd.s32 $0xFFFFC000  }
.LBB2_30:
0x29a: {  	s19 =	sshll.u32 s17, $0x4  }
0x29b: {  	s20 =	simm.s32 $0x7;
	v2 =	vmov s19  }
0x29c: {  	v3 =	vadd.s32 s20, v0;
	v2 =	vshll.u32 v2, $0x7  }
0x29d: {  	s25 =	simm.s32 $0x5;
	v3 =	vand.u32 $0x7F, v3;
	v2 =	vor.u32 v1, v2  }
0x29e: {  	v4 =	vadd.s32 s25, v0;
	v5 =	vor.u32 v2, v3  }
0x29f: {  	s22 =	simm.s32 $0x3;
	v3 =	vand.u32 $0x7F, v4  }
0x2a0: {  	v4 =	vadd.s32 s22, v0;
	v7 =	vor.u32 v2, v3  }
0x2a1: {  	s23 =	simm.s32 $0x1;
	v3 =	vand.u32 $0x7F, v4  }
0x2a2: {  	v4 =	vadd.s32 s23, v0;
	v8 =	vor.u32 v2, v3  }
0x2a3: {  	s24 =	simm.s32 $0x0;
	v4 =	vand.u32 $0x7F, v4;
	v3 =	vld.idx.msk [tilespmem:v5+s5+$0x0], $0xffff  }
0x2a4: {  	v9 =	vor.u32 v2, v4;
	v4 =	vadd.s32 s24, v0;
	v6 =	vld.idx.msk [tilespmem:v5+s6+$0x0], $0xffff  }
0x2a5: {  	s25 =	simm.s32 $0x2;
	v5 =	vand.u32 $0x7F, v4;
	v4 =	vld.idx.msk [tilespmem:v7+s5+$0x0], $0xffff  }
0x2a6: {  	v10 =	vadd.s32 s25, v0;
	v11 =	vor.u32 v2, v5;
	v5 =	vld.idx.msk [tilespmem:v7+s6+$0x0], $0xffff  }
0x2a7: {  	s22 =	simm.s32 $0x4;
	v7 =	vand.u32 $0x7F, v10;
	v16 =	vld.idx.msk [tilespmem:v8+s5+$0x0], $0xffff  }
0x2a8: {  	v10 =	vadd.s32 s22, v0;
	v7 =	vor.u32 v2, v7;
	v17 =	vld.idx.msk [tilespmem:v8+s6+$0x0], $0xffff  }
0x2a9: {  	s23 =	simm.s32 $0x6;
	v10 =	vand.u32 $0x7F, v10;
	v8 =	vld.idx.msk [tilespmem:v9+s5+$0x0], $0xffff  }
0x2aa: {  	s20 =	simm.s32 $0xF;
	v12 =	vadd.s32 s23, v0;
	v13 =	vld.idx.msk [tilespmem:v9+s6+$0x0], $0xffff;
	v10 =	vor.u32 v2, v10  }
0x2ab: {  	v9 =	vand.u32 $0x7F, v12;
	v12 =	vadd.s32 s20, v0;
	v18 =	vld.idx.msk [tilespmem:v11+s5+$0x0], $0xffff  }
0x2ac: {  	v20 =	vor.u32 v2, v9;
	v9 =	vand.u32 $0x7F, v12;
	v19 =	vld.idx.msk [tilespmem:v11+s6+$0x0], $0xffff  }
0x2ad: {  	s22 =	simm.s32 $0xD;
	v24 =	vor.u32 v2, v9;
	v22 =	vld.idx.msk [tilespmem:v7+s5+$0x0], $0xffff  }
0x2ae: {  	s24 =	simm.s32 $0xB;
	v25 =	vld.idx.msk [tilespmem:v7+s6+$0x0], $0xffff;
	v7 =	vadd.s32 s22, v0  }
0x2af: {  	v23 =	vimm.f32 $0.0e+00;
	s23 =	simm.s32 $0x9;
	v12 =	vadd.s32 s24, v0;
	v9 =	vld.idx.msk [tilespmem:v10+s5+$0x0], $0xffff;
	v7 =	vand.u32 $0x7F, v7  }
0x2b0: {  	s24 =	simm.s32 $0x8;
	v14 =	vand.u32 $0x7F, v12;
	v11 =	vadd.s32 s23, v0;
	v12 =	vld.idx.msk [tilespmem:v10+s6+$0x0], $0xffff;
	v15 =	vor.u32 v2, v7  }
0x2b1: {  	v14 =	vor.u32 v2, v14;
	v11 =	vand.u32 $0x7F, v11;
	v10 =	vld.idx.msk [tilespmem:v20+s5+$0x0], $0xffff;
	v7 =	vadd.s32 s24, v0  }
0x2b2: {  	s25 =	simm.s32 $0xA;
	v21 =	vand.u32 $0x7F, v7;
	v7 =	vld.idx.msk [tilespmem:v24+s6+$0x0], $0xffff;
	v18 =	vmul.f32 v19, v18;
	v19 =	vmul.f32 v13, v8  }
0x2b3: {  	v16 =	vmul.f32 v17, v16;
	v11 =	vor.u32 v2, v11;
	v13 =	vld.idx.msk [tilespmem:v20+s6+$0x0], $0xffff;
	v20 =	vadd.s32 s25, v0  }
0x2b4: {  	s22 =	simm.s32 $0x17;
	v8 =	vld.idx.msk [tilespmem:v24+s5+$0x0], $0xffff;
	v18 =	vadd.f32 v18, v23;
	v17 =	vadd.f32 v19, v23;
	v19 =	vmul.f32 v25, v22  }
.LBB2_31:
0x2b5: {  	p1 =	sne.s32 s22, $0x7F;
	v21 =	vor.u32 v2, v21;
	v20 =	vand.u32 $0x7F, v20;
	v22 =	vmul.f32 v5, v4;
	v4 =	vld.idx.msk [tilespmem:v15+s5+$0x0], $0xffff  }
0x2b6: {  	s23 =	sadd.s32 $0xFFFFFFFD, s20;
	v9 =	vmul.f32 v12, v9;
	v5 =	vld.idx.msk [tilespmem:v15+s6+$0x0], $0xffff;
	v15 =	vadd.f32 v19, v18;
	v16 =	vadd.f32 v16, v17  }
0x2b7: {  	v6 =	vmul.f32 v6, v3;
	v12 =	vor.u32 v2, v20;
	v18 =	vadd.s32 s23, v0;
	v17 =	vld.idx.msk [tilespmem:v14+s5+$0x0], $0xffff  }
0x2b8: {  	s23 =	sadd.s32 $0xFFFFFFFF, s20;
	s20 =	smov.u32 s22;
	v10 =	vmul.f32 v13, v10;
	v19 =	vld.idx.msk [tilespmem:v14+s6+$0x0], $0xffff;
	v9 =	vadd.f32 v9, v15;
	v14 =	vadd.f32 v22, v16  }
0x2b9: {  	v15 =	vand.u32 $0x7F, v18;
	v16 =	vadd.s32 s23, v0;
	v3 =	vmov v8;
	v13 =	vld.idx.msk [tilespmem:v11+s5+$0x0], $0xffff  }
0x2ba: {  	v8 =	vld.idx.msk [tilespmem:v11+s6+$0x0], $0xffff;
	v11 =	vor.u32 v2, v15;
	v18 =	vadd.f32 v10, v9;
	v22 =	vadd.f32 v6, v14  }
0x2bb: {  	v9 =	vand.u32 $0x7F, v16;
	v6 =	vmov v7;
	v20 =	vld.idx.msk [tilespmem:v21+s5+$0x0], $0xffff  }
0x2bc: {  	v7 =	vadd.s32 s22, v0;
	v16 =	vld.idx.msk [tilespmem:v21+s6+$0x0], $0xffff;
	v21 =	vor.u32 v2, v9  }
0x2bd: {  	s23 =	sadd.s32 $0xFFFFFFFE, s22;
	v7 =	vand.u32 $0x7F, v7;
	v23 =	vld.idx.msk [tilespmem:v12+s5+$0x0], $0xffff  }
0x2be: {  	s24 =	sadd.s32 $0xFFFFFFFA, s22;
	s25 =	sadd.s32 $0xFFFFFFFC, s22;
	v9 =	vadd.s32 s23, v0;
	v7 =	vor.u32 v2, v7;
	v24 =	vld.idx.msk [tilespmem:v12+s6+$0x0], $0xffff  }
0x2bf: {  	v10 =	vadd.s32 s24, v0;
	v14 =	vand.u32 $0x7F, v9;
	v12 =	vadd.s32 s25, v0;
	v9 =	vld.idx.msk [tilespmem:v11+s5+$0x0], $0xffff  }
.Ltmp14:
0x2c0: {  	v10 =	vand.u32 $0x7F, v10;
	v15 =	vor.u32 v2, v14;
	v25 =	vand.u32 $0x7F, v12;
	v12 =	vld.idx.msk [tilespmem:v11+s6+$0x0], $0xffff;
	(pc) =	sbr.rel @p1 .LBB2_31-.Ltmp14, $4  }
0x2c1: {  	s23 =	sadd.s32 $0xFFFFFFF9, s22;
	v11 =	vor.u32 v2, v10;
	v14 =	vor.u32 v2, v25;
	v10 =	vld.idx.msk [tilespmem:v21+s5+$0x0], $0xffff  }
0x2c2: {  	v27 =	vmul.f32 v8, v13;
	v25 =	vadd.s32 s23, v0;
	s23 =	sadd.s32 $0xFFFFFFFB, s22;
	v26 =	vmul.f32 v16, v20;
	v13 =	vld.idx.msk [tilespmem:v21+s6+$0x0], $0xffff  }
0x2c3: {  	v20 =	vadd.s32 s23, v0;
	v16 =	vmul.f32 v19, v17;
	v21 =	vand.u32 $0x7F, v25;
	v8 =	vld.idx.msk [tilespmem:v7+s5+$0x0], $0xffff  }
0x2c4: {  	s22 =	sadd.s32 $0x8, s22;
	v17 =	vadd.f32 v27, v22;
	v18 =	vadd.f32 v26, v18;
	v19 =	vmul.f32 v24, v23;
	v7 =	vld.idx.msk [tilespmem:v7+s6+$0x0], $0xffff  }
0x2c5: {  	_ =	sdelay $0x3  }
0x2c6: {  	v22 =	vld.idx.msk [tilespmem:v15+s5+$0x0], $0xffff  }
0x2c7: {  	v21 =	vor.u32 v2, v21;
	v49 =	vld.idx.msk [tilespmem:v15+s6+$0x0], $0xffff  }
0x2c8: {  	v20 =	vand.u32 $0x7F, v20;
	s22 =	sadd.s32 $0xFFFFFFFD, s20;
	v23 =	vld.idx.msk [tilespmem:v14+s5+$0x0], $0xffff  }
0x2c9: {  	v50 =	vld.idx.msk [tilespmem:v14+s6+$0x0], $0xffff;
	v20 =	vor.u32 v2, v20;
	v24 =	vadd.s32 s22, v0  }
0x2ca: {  	s25 =	sadd.s32 $0xFFFFFFFF, s20;
	v25 =	vld.idx.msk [tilespmem:v11+s5+$0x0], $0xffff;
	v24 =	vand.u32 $0x7F, v24  }
0x2cb: {  	v51 =	vld.idx.msk [tilespmem:v11+s6+$0x0], $0xffff;
	v26 =	vadd.s32 s25, v0;
	v24 =	vor.u32 v2, v24  }
0x2cc: {  	v26 =	vand.u32 $0x7F, v26;
	v27 =	vld.idx.msk [tilespmem:v21+s5+$0x0], $0xffff  }
0x2cd: {  	v9 =	vmul.f32 v12, v9;
	v18 =	vadd.f32 v19, v18;
	v2 =	vor.u32 v2, v26;
	v52 =	vld.idx.msk [tilespmem:v21+s6+$0x0], $0xffff  }
0x2ce: {  	v4 =	vmul.f32 v5, v4;
	v53 =	vadd.f32 v16, v17;
	v54 =	vld.idx.msk [tilespmem:v20+s5+$0x0], $0xffff  }
0x2cf: {  	v10 =	vmul.f32 v13, v10;
	v9 =	vadd.f32 v9, v18;
	v55 =	vld.idx.msk [tilespmem:v20+s6+$0x0], $0xffff  }
0x2d0: {  	v3 =	vmul.f32 v6, v3;
	v4 =	vadd.f32 v4, v53;
	v56 =	vld.idx.msk [tilespmem:v24+s5+$0x0], $0xffff  }
0x2d1: {  	v57 =	vadd.f32 v10, v9;
	v58 =	vld.idx.msk [tilespmem:v24+s6+$0x0], $0xffff  }
0x2d2: {  	v3 =	vadd.f32 v3, v4;
	v11 =	vmul.f32 v51, v25;
	v59 =	vld.idx.msk [tilespmem:v2+s5+$0x0], $0xffff;
	v60 =	vmul.f32 v52, v27  }
0x2d3: {  	v61 =	vmul.f32 v50, v23;
	v2 =	vld.idx.msk [tilespmem:v2+s6+$0x0], $0xffff  }
0x2d4: {  	v3 =	vadd.f32 v11, v3;
	v62 =	vmul.f32 v55, v54;
	v6 =	vadd.f32 v60, v57  }
0x2d5: {  	v63 =	vmul.f32 v49, v22  }
0x2d6: {  	v3 =	vadd.f32 v61, v3;
	v5 =	vmul.f32 v58, v56;
	v6 =	vadd.f32 v62, v6  }
0x2d7: {  	v7 =	vmul.f32 v7, v8  }
0x2d8: {  	s17 =	sadd.s32 $0x1, s17;
	v3 =	vadd.f32 v63, v3;
	v2 =	vmul.f32 v2, v59;
	v5 =	vadd.f32 v5, v6  }
0x2d9: {  	p1 =	sne.s32 s17, $0x8  }
.Ltmp15:
0x2da: {  	v3 =	vadd.f32 v7, v3;
	v2 =	vadd.f32 v2, v5;
	(pc) =	sbr.rel @p1 .LBB2_30-.Ltmp15, $3  }
0x2db: {  	_ = 	snop  }
0x2dc: {  	v2 =	vadd.f32 v3, v2;
	_ =	sdelay $0x1  }
0x2dd: {  	[tilespmem:s19+$0x18500] =	vst v2  }
0x2de: {  	_ =	swait.ge [sflag:s15], $0x400  }
0x2df: {  	[sflag:s15] =	ssyncset.done $0x0  }
0x2e0: {  	[sflag:s15] =	ssyncadd.s32 $0xFFFFFC00  }
0x2e1: {  	_ =	swait.ge [sflag:s15], $0x400  }
0x2e2: {  	[sflag:s15] =	ssyncset.done $0x0  }
0x2e3: {  	[sflag:s15] =	ssyncadd.s32 $0xFFFFFC00  }
0x2e4: {  	_ =	swait.ge [sflag:s15], $0x400  }
0x2e5: {  	[sflag:s15] =	ssyncset.done $0x0  }
0x2e6: {  	[sflag:s15] =	ssyncadd.s32 $0xFFFFFC00  }
0x2e7: {  	_ =	swait.ge [sflag:s15], $0x2780  }
0x2e8: {  	[sflag:s15] =	ssyncset.done $0x0  }
0x2e9: {  	[sflag:s15] =	ssyncadd.s32 $0xFFFFD880  }
0x2ea: {  	_ =	swait.ge [sflag:s15], $0x80  }
0x2eb: {  	[sflag:s15] =	ssyncset.done $0x0  }
0x2ec: {  	[sflag:s15] =	ssyncadd.s32 $0xFFFFFF80  }
0x2ed: {  	s19 =	simm.s32 $0x0;
	[bflag:$0x0] =	sbarrier.arrive $0xFFFF  }
0x2ee: {  	v3 =	vld [tilespmem:s19+$0x18580];
	_ =	sdelay $0x1  }
0x2ef: {  	v2 =	vld [tilespmem:s19+$0x18C80];
	_ =	sdelay $0x2  }
0x2f0: {  	(erf) = vrcp.f32 v3;
	_ =	sdelay $0x1  }
0x2f1: {  	s17 =	simm.s32 $0x10;
	v5 =	vld [tilespmem:s19+$0x19980]  }
0x2f2: {  	v3 =	vld [tilespmem:s17+$0x18580]  }
0x2f3: {  	v6 =	vld [tilespmem:s17+$0x18C80]  }
0x2f4: {  	v21 =	vimm.f32 $0.0e+00;
	v19 =	vimm.f32 $0.0e+00;
	v4 =	vld.idx.msk [tilespmem:v2+s7+$0x0], $0xffff  }
0x2f5: {  	v20 =	vimm.f32 $0.0e+00;
	v17 =	vimm.f32 $0.0e+00;
	v15 =	vimm.f32 $0.0e+00  }
0x2f6: {  	v14 =	vimm.f32 $0.0e+00;
	v10 =	vimm.f32 $0.0e+00;
	v11 =	vimm.f32 $0.0e+00;
	v7 =	vld [tilespmem:s19+$0x18180]  }
0x2f7: {  	v12 =	vimm.f32 $0.0e+00;
	v13 =	vimm.f32 $0.0e+00;
	v2 =	vld [tilespmem:s17+$0x19980];
	(erf) = vrcp.f32 v3  }
0x2f8: {  	v9 =	vimm.f32 $0.0e+00;
	vm0 =	veq.s32 v5, $0x6;
	vm2 =	veq.s32 v5, $0x8;
	v3 =	vld [tilespmem:$0x100];
	v8 =	vpop (erf)  }
0x2f9: {  	vm3 =	veq.s32 v5, $0xB;
	vm5 =	veq.s32 v5, $0xC;
	v8 =	vmul.f32 v8, v4  }
0x2fa: {  	vm7 =	veq.s32 v5, $0x7;
	vm6 =	veq.s32 v5, $0xA;
	vm8 =	veq.s32 v5, $0xE  }
0x2fb: {  	vm9 =	veq.s32 v5, $0x5;
	vm11 =	veq.s32 v5, $0x2;
	v7 =	vmul.f32 v8, v7  }
0x2fc: {  	vm10 =	veq.s32 v5, $0x0;
	vm12 =	veq.s32 v5, $0x4;
	vm13 =	veq.s32 v5, $0x1;
	v6 =	vld.idx.msk [tilespmem:v6+s7+$0x0], $0xffff  }
0x2fd: {  	vm0 =	vmmov vm0;
	vm1 =	veq.s32 v2, $0x6;
	v18 =	vadd.f32 v7, v3  }
0x2fe: {  	vm4 =	vmmov vm0;
	vm0 =	vmmov vm1;
	vm1 =	veq.s32 v5, $0x9  }
0x2ff: {  	v4 =	vimm.f32 $0.0e+00;
	v8 =	vimm.f32 $0.0e+00;
	v24 =	vnsel vm10, $0x0, v18  }
0x300: {  	vm10 =	veq.s32 v5, $0xD;
	v7 =	vpop (erf);
	v23 =	vnsel vm13, $0x0, v18;
	vm13 =	veq.s32 v5, $0xF  }
0x301: {  	v22 =	vnsel vm13, $0x0, v18;
	vm13 =	veq.s32 v5, $0x3;
	v16 =	vmul.f32 v7, v6  }
0x302: {  	s19 =	simm.s32 $0x80;
	v7 =	vimm.f32 $0.0e+00;
	v6 =	vimm.f32 $0.0e+00;
	v5 =	vimm.f32 $0.0e+00  }
.LBB2_34:
0x303: {  	s20 =	sshra.s32 s19, $0x2  }
0x304: {  	v26 =	vld [tilespmem:s20+$0x18580]  }
0x305: {  	v4 =	vadd.f32 v24, v4  }
0x306: {  	v24 =	vnsel vm13, $0x0, v18;
	v25 =	vnsel vm12, $0x0, v18;
	v19 =	vadd.f32 v22, v19;
	v22 =	vld [tilespmem:s20+$0x18C80]  }
0x307: {  	v21 =	vadd.f32 v23, v21;
	v23 =	vnsel vm11, $0x0, v18;
	v27 =	vnsel vm10, $0x0, v18  }
0x308: {  	v29 =	vnsel vm9, $0x0, v18;
	v30 =	vnsel vm1, $0x0, v18;
	v31 =	vnsel vm8, $0x0, v18  }
0x309: {  	v32 =	vnsel vm6, $0x0, v18;
	v63 =	vnsel vm3, $0x0, v18;
	(erf) = vrcp.f32 v26  }
0x30a: {  	v33 =	vnsel vm5, $0x0, v18;
	vm3 =	veq.s32 v2, $0xB;
	vm5 =	veq.s32 v2, $0xC  }
0x30b: {  	vm6 =	veq.s32 v2, $0xA;
	v20 =	vadd.f32 v23, v20;
	v23 =	vnsel vm4, $0x0, v18  }
0x30c: {  	vm8 =	veq.s32 v2, $0xE;
	vm9 =	veq.s32 v2, $0x5;
	v10 =	vadd.f32 v23, v10;
	v23 =	vld [tilespmem:s17+$0x18180]  }
0x30d: {  	vm11 =	veq.s32 v2, $0x2;
	vm12 =	veq.s32 v2, $0x4;
	vm10 =	veq.s32 v2, $0xD  }
0x30e: {  	vm13 =	veq.s32 v2, $0x3;
	v17 =	vadd.f32 v25, v17;
	v25 =	vnsel vm7, $0x0, v18;
	v22 =	vld.idx.msk [tilespmem:v22+s7+$0x0], $0xffff  }
0x30f: {  	v15 =	vadd.f32 v29, v15;
	v14 =	vadd.f32 v24, v14;
	v18 =	vnsel vm2, $0x0, v18  }
0x310: {  	v28 =	vld [tilespmem:s20+$0x19980];
	v12 =	vadd.f32 v63, v12;
	vm2 =	vmmov vm0;
	v24 =	vimm.s32 $0x0  }
0x311: {  	v13 =	vadd.f32 v33, v13;
	v24 =	vsel vm2, $0xFFFFFFFF, v24;
	v16 =	vmul.f32 v16, v23  }
0x312: {  	vm14 =	veq.s32 v2, $0xF;
	v7 =	vadd.f32 v31, v7;
	v8 =	vadd.f32 v32, v8;
	[tilespmem:$0x1FFF0] =	vst v24;
	v23 =	vpop (erf)  }
0x313: {  	p1 =	sne.s32 s19, $0xFC0;
	v6 =	vadd.f32 v18, v6;
	v18 =	vadd.f32 v16, v3;
	v16 =	vmul.f32 v23, v22;
	v22 =	vld [tilespmem:$0x1FFF0]  }
.Ltmp16:
0x314: {  	vm15 =	veq.s32 v2, $0x0;
	v9 =	vadd.f32 v27, v9;
	v5 =	vadd.f32 v30, v5;
	(pc) =	sbr.rel @p1 .LBB2_34-.Ltmp16, $4  }
0x315: {  	vm7 =	veq.s32 v2, $0x7;
	vm0 =	veq.s32 v2, $0x1;
	vm1 =	veq.s32 v28, $0x6  }
0x316: {  	v11 =	vadd.f32 v25, v11;
	vm2 =	veq.s32 v2, $0x8;
	vm4 =	vmmov vm1  }
0x317: {  	vm1 =	veq.s32 v2, $0x9;
	v24 =	vnsel vm15, $0x0, v18;
	v23 =	vnsel vm0, $0x0, v18  }
0x318: {  	s19 =	sadd.s32 $0x40, s19;
	s17 =	smov.u32 s20;
	v2 =	vmovc v28;
	vm0 =	vmmov vm4;
	vm4 =	vnez.u8 v22;
	v22 =	vnsel vm14, $0x0, v18  }
0x319: {  	v4 =	vadd.f32 v24, v4  }
0x31a: {  	v59 =	vnsel vm13, $0x0, v18;
	v25 =	vnsel vm12, $0x0, v18;
	v21 =	vadd.f32 v23, v21  }
0x31b: {  	v60 =	vnsel vm11, $0x0, v18;
	v19 =	vadd.f32 v22, v19;
	v61 =	vnsel vm4, $0x0, v18  }
0x31c: {  	v62 =	vld [tilespmem:s17+$0x18180];
	v26 =	vnsel vm10, $0x0, v18;
	v27 =	vnsel vm9, $0x0, v18;
	v28 =	vnsel vm8, $0x0, v18  }
0x31d: {  	v63 =	vnsel vm7, $0x0, v18;
	v29 =	vnsel vm6, $0x0, v18;
	v31 =	vnsel vm3, $0x0, v18  }
0x31e: {  	v32 =	vnsel vm5, $0x0, v18;
	v33 =	vnsel vm1, $0x0, v18;
	v34 =	vnsel vm2, $0x0, v18  }
0x31f: {  	vm0 =	vmmov vm0;
	vm13 =	veq.s32 v2, $0x0;
	vm14 =	veq.s32 v2, $0x1  }
0x320: {  	vm15 =	veq.s32 v2, $0x2;
	vm4 =	veq.s32 v2, $0x3;
	vm5 =	veq.s32 v2, $0x4  }
0x321: {  	vm6 =	veq.s32 v2, $0x5;
	vm7 =	veq.s32 v2, $0x8;
	v16 =	vmul.f32 v16, v62  }
0x322: {  	vm8 =	veq.s32 v2, $0x7;
	vm9 =	veq.s32 v2, $0xB;
	vm10 =	veq.s32 v2, $0x9  }
0x323: {  	vm11 =	veq.s32 v2, $0xA;
	v20 =	vadd.f32 v60, v20;
	v3 =	vadd.f32 v16, v3  }
0x324: {  	vm12 =	veq.s32 v2, $0xC;
	v17 =	vadd.f32 v25, v17;
	v15 =	vadd.f32 v27, v15  }
0x325: {  	v14 =	vadd.f32 v59, v14;
	v10 =	vadd.f32 v61, v10;
	v16 =	vnsel vm13, $0x0, v3  }
0x326: {  	v11 =	vadd.f32 v63, v11;
	v35 =	vnsel vm14, $0x0, v3;
	v4 =	vadd.f32 v16, v4  }
0x327: {  	v13 =	vadd.f32 v32, v13;
	v37 =	vnsel vm15, $0x0, v3;
	v36 =	vadd.f32 v35, v21  }
0x328: {  	v8 =	vadd.f32 v29, v8;
	v38 =	vnsel vm4, $0x0, v3;
	v18 =	vadd.f32 v37, v20;
	[tilespmem:$0x0] =	vst v4  }
0x329: {  	v9 =	vadd.f32 v26, v9;
	v40 =	vnsel vm6, $0x0, v3;
	v14 =	vadd.f32 v38, v14;
	[tilespmem:$0x10] =	vst v36  }
0x32a: {  	v6 =	vadd.f32 v34, v6;
	v41 =	vnsel vm0, $0x0, v3;
	v15 =	vadd.f32 v40, v15;
	[tilespmem:$0x20] =	vst v18  }
0x32b: {  	v5 =	vadd.f32 v33, v5;
	v42 =	vnsel vm8, $0x0, v3;
	v10 =	vadd.f32 v41, v10;
	[tilespmem:$0x30] =	vst v14  }
0x32c: {  	v39 =	vnsel vm5, $0x0, v3;
	v44 =	vnsel vm7, $0x0, v3;
	v43 =	vadd.f32 v42, v11;
	[tilespmem:$0x50] =	vst v15  }
0x32d: {  	v45 =	vnsel vm10, $0x0, v3;
	v46 =	vnsel vm11, $0x0, v3;
	v6 =	vadd.f32 v44, v6;
	[tilespmem:$0x60] =	vst v10  }
0x32e: {  	vm13 =	veq.s32 v2, $0xE;
	v47 =	vnsel vm9, $0x0, v3;
	v5 =	vadd.f32 v45, v5;
	[tilespmem:$0x70] =	vst v43  }
0x32f: {  	vm14 =	veq.s32 v2, $0xD;
	v48 =	vnsel vm12, $0x0, v3;
	v8 =	vadd.f32 v46, v8;
	[tilespmem:$0x80] =	vst v6  }
0x330: {  	vm15 =	veq.s32 v2, $0xF;
	v2 =	vnsel vm14, $0x0, v3;
	v49 =	vadd.f32 v48, v13;
	[tilespmem:$0x90] =	vst v5  }
0x331: {  	v50 =	vnsel vm13, $0x0, v3;
	v3 =	vnsel vm15, $0x0, v3;
	v2 =	vadd.f32 v2, v9;
	[tilespmem:$0xA0] =	vst v8  }
0x332: {  	v7 =	vadd.f32 v28, v7;
	v3 =	vadd.f32 v3, v19;
	[tilespmem:$0xC0] =	vst v49  }
0x333: {  	v51 =	vmul.u32 $0x10, v0;
	v12 =	vadd.f32 v31, v12;
	v4 =	vadd.f32 v39, v17;
	[tilespmem:$0xD0] =	vst v2  }
0x334: {  	v6 =	vadd.f32 v50, v7;
	[tilespmem:$0xF0] =	vst v3  }
0x335: {  	[tilespmem:$0x40] =	vst v4;
	v4 =	vadd.f32 v47, v12  }
0x336: {  	v2 =	vor.u32 $0x1, v51;
	[tilespmem:$0xE0] =	vst v6  }
0x337: {  	[tilespmem:$0xB0] =	vst v4  }
0x338: {  	v3 =	vor.u32 $0x2, v51;
	[bflag:$0x0] =	sbarrier.arrive $0xFFFF  }
0x339: {  	v52 =	vld.idx.msk [tilespmem:v51+s1+$0x0], $0xffff  }
0x33a: {  	v53 =	vor.u32 $0x3, v51  }
0x33b: {  	v2 =	vld.idx.msk [tilespmem:v2+s1+$0x0], $0xffff  }
0x33c: {  	v54 =	vor.u32 $0x4, v51  }
0x33d: {  	v3 =	vld.idx.msk [tilespmem:v3+s1+$0x0], $0xffff  }
0x33e: {  	v55 =	vor.u32 $0x5, v51;
	v5 =	vadd.f32 $0.0e+00, v52  }
0x33f: {  	v6 =	vld.idx.msk [tilespmem:v53+s1+$0x0], $0xffff  }
0x340: {  	v56 =	vor.u32 $0x6, v51;
	v2 =	vadd.f32 v2, v5  }
0x341: {  	v7 =	vld.idx.msk [tilespmem:v54+s1+$0x0], $0xffff  }
0x342: {  	v2 =	vadd.f32 v3, v2;
	v3 =	vor.u32 $0x7, v51  }
0x343: {  	v8 =	vld.idx.msk [tilespmem:v55+s1+$0x0], $0xffff  }
0x344: {  	v57 =	vor.u32 $0x8, v51;
	v2 =	vadd.f32 v6, v2  }
0x345: {  	v5 =	vld.idx.msk [tilespmem:v56+s1+$0x0], $0xffff  }
0x346: {  	v58 =	vor.u32 $0x9, v51;
	v2 =	vadd.f32 v7, v2  }
0x347: {  	v3 =	vld.idx.msk [tilespmem:v3+s1+$0x0], $0xffff  }
0x348: {  	v59 =	vor.u32 $0xA, v51;
	v2 =	vadd.f32 v8, v2  }
0x349: {  	v6 =	vld.idx.msk [tilespmem:v57+s1+$0x0], $0xffff  }
0x34a: {  	v60 =	vor.u32 $0xB, v51;
	v2 =	vadd.f32 v5, v2  }
0x34b: {  	v7 =	vld.idx.msk [tilespmem:v58+s1+$0x0], $0xffff  }
0x34c: {  	v2 =	vadd.f32 v3, v2;
	v3 =	vor.u32 $0xC, v51  }
0x34d: {  	v8 =	vld.idx.msk [tilespmem:v59+s1+$0x0], $0xffff  }
0x34e: {  	v61 =	vor.u32 $0xD, v51;
	v2 =	vadd.f32 v6, v2  }
0x34f: {  	v5 =	vld.idx.msk [tilespmem:v60+s1+$0x0], $0xffff  }
0x350: {  	v62 =	vor.u32 $0xE, v51;
	v2 =	vadd.f32 v7, v2  }
0x351: {  	v3 =	vld.idx.msk [tilespmem:v3+s1+$0x0], $0xffff  }
0x352: {  	v4 =	vor.u32 $0xF, v51;
	v2 =	vadd.f32 v8, v2  }
0x353: {  	v6 =	vld.idx.msk [tilespmem:v61+s1+$0x0], $0xffff  }
0x354: {  	v2 =	vadd.f32 v5, v2  }
0x355: {  	v63 =	vld.idx.msk [tilespmem:v62+s1+$0x0], $0xffff  }
0x356: {  	v2 =	vadd.f32 v3, v2  }
0x357: {  	v3 =	vld.idx.msk [tilespmem:v4+s1+$0x0], $0xffff  }
0x358: {  	v2 =	vadd.f32 v6, v2;
	_ =	sdelay $0x1  }
0x359: {  	v2 =	vadd.f32 v63, v2;
	_ =	sdelay $0x1  }
0x35a: {  	v2 =	vadd.f32 v3, v2;
	_ =	sdelay $0x1  }
0x35b: {  	[tilespmem:$0x19900] =	vst v2  }
0x35c: {  	[bflag:$0x0] =	sbarrier.arrive $0xFFFF  }
0x35d: {  	s19 =	simm.s32 $0x19900;
	s25 =	rddreg [dreg:$0x1c]  }
0x35e: {  	[spmem:s25] =	stream.linear.scatter [tilespmem:s19], [sflag:$0x5], $0x80, $0x38;
	[tilespmem:$0x1C510] =	vst v63  }
0x35f: {  	_ =	swait.ge [sflag:s30], $0x80  }
0x360: {  	[sflag:s30] =	ssyncset.done $0x0  }
0x361: {  	[sflag:s30] =	ssyncadd.s32 $0xFFFFFF80  }
0x362: {  	[bflag:$0x0] =	sbarrier.arrive $0xFFFF  }
0x363: {  	[bflag:$0x0] =	sbarrier.arrive @p0 $0xFFFF  }
0x364: {  	s17 =	simm.s32 @!p0 $0x19080;
	s19 =	rddreg [dreg:$0x5]  }
0x365: {  	[tilespmem:s17], [sflag:$0x5] =	stream.linear.gather @!p0 [spmem:s19], $0x800, $0x38;
	[tilespmem:$0x1C510] =	vst v63  }
0x366: {  	s17 =	simm.s32 @!p0 $0x5  }
0x367: {  	_ =	swait.ge @!p0 [sflag:s17], $0x800  }
0x368: {  	[sflag:s17] =	ssyncset.done @!p0 $0x0  }
0x369: {  	[sflag:s17] =	ssyncadd.s32 @!p0 $0xFFFFF800  }
0x36a: {  	v2 =	vld @!p0 [tilespmem:$0x19080]  }
0x36b: {  	v3 =	vld @!p0 [tilespmem:$0x19100];
	_ =	sdelay $0x1  }
0x36c: {  	v4 =	vld @!p0 [tilespmem:$0x19180];
	_ =	sdelay $0x1  }
0x36d: {  	v5 =	vld @!p0 [tilespmem:$0x19200]  }
0x36e: {  	v2 =	vadd.f32 @!p0 v3, v2  }
0x36f: {  	v3 =	vld @!p0 [tilespmem:$0x19280]  }
0x370: {  	v2 =	vadd.f32 @!p0 v4, v2  }
0x371: {  	v4 =	vld @!p0 [tilespmem:$0x19300]  }
0x372: {  	v2 =	vadd.f32 @!p0 v5, v2  }
0x373: {  	v5 =	vld @!p0 [tilespmem:$0x19380]  }
0x374: {  	v2 =	vadd.f32 @!p0 v3, v2  }
0x375: {  	v3 =	vld @!p0 [tilespmem:$0x19400]  }
0x376: {  	v2 =	vadd.f32 @!p0 v4, v2  }
0x377: {  	v4 =	vld @!p0 [tilespmem:$0x19480]  }
0x378: {  	v2 =	vadd.f32 @!p0 v5, v2  }
0x379: {  	v5 =	vld @!p0 [tilespmem:$0x19500]  }
0x37a: {  	v2 =	vadd.f32 @!p0 v3, v2  }
0x37b: {  	v3 =	vld @!p0 [tilespmem:$0x19580]  }
0x37c: {  	v2 =	vadd.f32 @!p0 v4, v2  }
0x37d: {  	v4 =	vld @!p0 [tilespmem:$0x19600]  }
0x37e: {  	v2 =	vadd.f32 @!p0 v5, v2  }
0x37f: {  	v5 =	vld @!p0 [tilespmem:$0x19680]  }
0x380: {  	v2 =	vadd.f32 @!p0 v3, v2  }
0x381: {  	v3 =	vld @!p0 [tilespmem:$0x19700]  }
0x382: {  	v2 =	vadd.f32 @!p0 v4, v2  }
0x383: {  	v4 =	vld @!p0 [tilespmem:$0x19780]  }
0x384: {  	v2 =	vadd.f32 @!p0 v5, v2  }
0x385: {  	v5 =	vld @!p0 [tilespmem:$0x19800]  }
0x386: {  	v2 =	vadd.f32 @!p0 v3, v2;
	_ =	sdelay $0x1  }
0x387: {  	v2 =	vadd.f32 @!p0 v4, v2;
	_ =	sdelay $0x1  }
0x388: {  	v2 =	vadd.f32 @!p0 v5, v2  }
0x389: {  	s16 =	sadd.s32 $0x1, s16  }
0x38a: {  	s20 =	simm.s32 @!p0 $0x19880;
	p1 =	sne.s32 s16, s28;
	[tilespmem:$0x19880] =	vst @!p0 v2  }
.Ltmp17:
0x38b: {  	s19 =	simm.s32 @!p0 $0x0;
	[bflag:$0x0] =	sbarrier.arrive @!p0 $0xFFFF;
	(pc) =	sbr.rel @p1 .LBB2_1-.Ltmp17, $4  }
0x38c: {  	[hbm4b:s26+s19] =	stream.linear.scatter @!p0 [tilespmem:s20], [sflag:$0x5], $0x80, $0x38;
	[tilespmem:$0x1C510] =	vst v63  }
0x38d: {  	_ =	swait.ge @!p0 [sflag:s17], $0x80  }
0x38e: {  	[sflag:s17] =	ssyncset.done @!p0 $0x0  }
0x38f: {  	[sflag:s17] =	ssyncadd.s32 @!p0 $0xFFFFFF80  }
0x390: {  	_ =	sfence.sel $0x180000  }
0x391: {  	[bflag:$0x0] =	sbarrier.arrive $0xFFFF  }
0x392: {  	_ =	strace $0x90000047  }
0x393: {  	[bflag:$0x2] =	sbarrier.arrive $0xFFFF  }
0x394: {  	s0 =	rddreg [dreg:$0x6]  }
0x395: {  	s0 =	sadd.s32 @!p0 $0x100000, s0  }
0x396: {  	[sflag:s0] =	ssyncadd.tile.s32 @!p0 $0x1;
	_ =	shalt  }
.Lfunc_end2:
_tile_overlayer_lowered:
.L_overlay_start_2:
0x397: {  	(tag) =	ssettag $0x2  }
0x398: {  	s0 =	rddreg [dreg:$0x0];
	s2 =	stileid.u32  }
0x399: {  	s1 =	rddreg [dreg:$0x1];
	p0 =	sne.s32 s2, $0x0  }
0x39a: {  	s3 =	rddreg [dreg:$0x2];
	[bflag:$0x3] =	sbarrier.arrive $0xFFFF;
	s2 =	simm.s32 @!p0 $0x1C05  }
0x39b: {  	[timem:s3], [sflag:s2] =	dma.local @!p0 [hbm:s0], s1  }
0x39c: {  	s0 =	simm.s32 @!p0 $0x5  }
0x39d: {  	_ =	swait.ge @!p0 [sflag:s0], s1  }
0x39e: {  	s1 =	ssub.s32 @!p0 $0x0, s1;
	[sflag:s0] =	ssyncset.done @!p0 $0x0  }
0x39f: {  	[sflag:s0] =	ssyncadd.s32 @!p0 s1  }
0x3a0: {  	[bflag:$0x3] =	sbarrier.arrive $0xFFFF  }
0x3a1: {  	_ =	shalt  }

</sc_bundles>
